<compile_context>
chip_gen: v7x
topology: tpu7x:2x2x1
jax: 0.10.2.dev20260603
libtpu: 0.0.44.dev20260713+nightly
codegen_flags: <defaults>
</compile_context>

<pallas_src>
import functools

import jax
import jax.numpy as jnp
import numpy as np
from jax import lax
from jax.experimental import pallas as pl
from jax.experimental.pallas import tpu as pltpu

C = 1.0
MIN = 1e-15
MAXEPS = 4e-3

NP = 10240
BM = 512
BN = 2048


def _artanh(x):
    return jnp.arctanh(jnp.clip(x, -1 + 1e-7, 1 - 1e-7))


def _proj(x):
    n = jnp.maximum(jnp.linalg.norm(x, axis=-1, keepdims=True), MIN)
    maxnorm = (1.0 - MAXEPS) / jnp.sqrt(C)
    return jnp.where(n > maxnorm, x / n * maxnorm, x)


def _expmap0(u):
    sc = jnp.sqrt(C)
    n = jnp.maximum(jnp.linalg.norm(u, axis=-1, keepdims=True), MIN)
    return jnp.tanh(sc * n) * u / (sc * n)


def _logmap0(p):
    sc = jnp.sqrt(C)
    n = jnp.maximum(jnp.linalg.norm(p, axis=-1, keepdims=True), MIN)
    return _artanh(sc * n) / (sc * n) * p


def _mobius_add(x, y):
    x2 = jnp.sum(x * x, -1, keepdims=True)
    y2 = jnp.sum(y * y, -1, keepdims=True)
    xy = jnp.sum(x * y, -1, keepdims=True)
    num = (1 + 2 * C * xy + C * y2) * x + (1 - C * x2) * y
    den = 1 + 2 * C * xy + C * C * x2 * y2
    return num / jnp.maximum(den, MIN)


def _mobius_matvec(m, x):
    sc = jnp.sqrt(C)
    xn = jnp.maximum(jnp.linalg.norm(x, axis=-1, keepdims=True), MIN)
    mx = x @ m.T
    mxn = jnp.maximum(jnp.linalg.norm(mx, axis=-1, keepdims=True), MIN)
    res = jnp.tanh(mxn / xn * _artanh(sc * xn)) * mx / (mxn * sc)
    zero = jnp.all(mx == 0, axis=-1, keepdims=True)
    return jnp.where(zero, jnp.zeros_like(res), res)


def _hgc_pre(x, W, b):
    mv = _proj(_mobius_matvec(W, x))
    hb = _proj(_expmap0(b))
    h = _proj(_mobius_add(mv, hb))
    return _logmap0(h)


def _hgc_post(sup):
    out = _proj(_expmap0(sup))
    return _logmap0(_proj(_expmap0(jax.nn.relu(_logmap0(out)))))


def _readout(x):
    return jnp.concatenate([jnp.max(x, axis=0, keepdims=True),
                            jnp.mean(x, axis=0, keepdims=True)], axis=1)



def _mm_kernel(a_ref, b_ref, o_ref):
    o_ref[...] = jnp.dot(a_ref[...], b_ref[...],
                         preferred_element_type=jnp.float32)


def _pallas_mm(a, b, bm=256):
    n, k = a.shape
    d = b.shape[1]
    out = pl.pallas_call(
        _mm_kernel,
        grid=(n // bm,),
        in_specs=[
            pl.BlockSpec((bm, k), lambda i: (i, 0)),
            pl.BlockSpec((k, d), lambda i: (0, 0)),
        ],
        out_specs=pl.BlockSpec((bm, d), lambda i: (i, 0)),
        out_shape=jax.ShapeDtypeStruct((n, d), jnp.float32),
    )(a, b)
    return out



def _p1_kernel(t_ref, r_ref, k_ref, o_ref, d_ref, b_ref):
    j = pl.program_id(1)
    blk = t_ref[...]
    o = jnp.dot(blk, r_ref[...], preferred_element_type=jnp.float32)
    acc_d = jnp.zeros((BM, 128), jnp.float32)
    acc_b = jnp.zeros((BM, 128), jnp.float32)
    for t in range(16):
        sl = blk[:, t * 128:(t + 1) * 128]
        acc_d += sl * k_ref[:, t * 128:(t + 1) * 128]
        acc_b += sl * (2.0 ** t)
    b_ref[...] = acc_b

    @pl.when(j == 0)
    def _():
        o_ref[...] = o
        d_ref[...] = acc_d

    @pl.when(j > 0)
    def _():
        o_ref[...] += o
        d_ref[...] += acc_d


def _pass1(T, rhs, kcol):
    return pl.pallas_call(
        _p1_kernel,
        grid=(NP // BM, NP // BN),
        in_specs=[
            pl.BlockSpec((BM, BN), lambda i, j: (i, j)),
            pl.BlockSpec((BN, 128), lambda i, j: (j, 0)),
            pl.BlockSpec((1, BN), lambda i, j: (0, j)),
        ],
        out_specs=[
            pl.BlockSpec((BM, 128), lambda i, j: (i, 0)),
            pl.BlockSpec((BM, 128), lambda i, j: (i, 0)),
            pl.BlockSpec((BM, 128), lambda i, j: (i, j)),
        ],
        out_shape=[
            jax.ShapeDtypeStruct((NP, 128), jnp.float32),
            jax.ShapeDtypeStruct((NP, 128), jnp.float32),
            jax.ShapeDtypeStruct((NP, NP // 16), jnp.float32),
        ],
        compiler_params=pltpu.CompilerParams(
            dimension_semantics=("parallel", "arbitrary")),
    )(T, rhs, kcol)



def _p2_kernel(b_ref, z_ref, o_ref):
    j = pl.program_id(1)
    m = b_ref[...]
    acc = jnp.zeros((BM, 64), jnp.float32)
    for t in range(16):
        h = jnp.floor(m * 0.5)
        bit = m - 2.0 * h
        m = h
        acc += jnp.dot(bit, z_ref[pl.ds(t * 128, 128), :],
                       preferred_element_type=jnp.float32)

    @pl.when(j == 0)
    def _():
        o_ref[...] = acc

    @pl.when(j > 0)
    def _():
        o_ref[...] += acc


def _pass2(bmp, z):
    return pl.pallas_call(
        _p2_kernel,
        grid=(NP // BM, NP // BN),
        in_specs=[
            pl.BlockSpec((BM, 128), lambda i, j: (i, j)),
            pl.BlockSpec((BN, 64), lambda i, j: (j, 0)),
        ],
        out_specs=pl.BlockSpec((BM, 64), lambda i, j: (i, 0)),
        out_shape=jax.ShapeDtypeStruct((NP, 64), jnp.float32),
        compiler_params=pltpu.CompilerParams(
            dimension_semantics=("parallel", "arbitrary")),
    )(bmp, z)



def _f2_kernel(a_ref, s_ref, bm_ref, b_ref, sf_ref, k_ref, y_ref, o_ref):
    j = pl.program_id(1)
    a = a_ref[...]
    sr = s_ref[...]
    m = bm_ref[...]
    q = jnp.zeros((BM, 64), jnp.float32)
    p = jnp.zeros((BM, 1), jnp.float32)
    for t in range(16):
        h = jnp.floor(m * 0.5)
        bit = m - 2.0 * h
        m = h
        bt = b_ref[:, t * 128:(t + 1) * 128]
        st = sf_ref[:, t * 128:(t + 1) * 128]
        kt = k_ref[:, t * 128:(t + 1) * 128]
        w = bit * (sr + st) * 0.5
        E = kt * jnp.exp(jnp.maximum(a + bt, 0.0) + w)
        q += jnp.dot(E, y_ref[pl.ds(t * 128, 128), :],
                     preferred_element_type=jnp.float32)
        p += jnp.sum(E, axis=1, keepdims=True)
    blk = jnp.concatenate([q, jnp.broadcast_to(p, (BM, 64))], axis=1)

    @pl.when(j == 0)
    def _():
        o_ref[...] = blk

    @pl.when(j > 0)
    def _():
        o_ref[...] += blk


def _flash2(a, sr, bmpk, bfull, sfull, keep, y2full, nrows):
    rpad = (-nrows) % BM
    NR = nrows + rpad
    a2 = jnp.pad(a, (0, rpad))[:, None]
    s2 = jnp.pad(sr, (0, rpad))[:, None]
    bk = jnp.pad(bmpk, ((0, rpad), (0, 0)))
    out = pl.pallas_call(
        _f2_kernel,
        grid=(NR // BM, NP // BN),
        in_specs=[
            pl.BlockSpec((BM, 1), lambda i, j: (i, 0)),
            pl.BlockSpec((BM, 1), lambda i, j: (i, 0)),
            pl.BlockSpec((BM, 128), lambda i, j: (i, j)),
            pl.BlockSpec((1, BN), lambda i, j: (0, j)),
            pl.BlockSpec((1, BN), lambda i, j: (0, j)),
            pl.BlockSpec((1, BN), lambda i, j: (0, j)),
            pl.BlockSpec((BN, 64), lambda i, j: (j, 0)),
        ],
        out_specs=pl.BlockSpec((BM, 128), lambda i, j: (i, 0)),
        out_shape=jax.ShapeDtypeStruct((NR, 128), jnp.float32),
        compiler_params=pltpu.CompilerParams(
            dimension_semantics=("parallel", "arbitrary")),
    )(a2, s2, bk, bfull[None, :], sfull[None, :], keep[None, :], y2full)
    return out[:nrows, 64], out[:nrows, :64]



def _f3_kernel(c_ref, a_ref, s_ref, pr_ref, bm_ref, b_ref, d_ref, sf_ref,
               k_ref, y_ref, o_ref):
    j = pl.program_id(1)
    cc = c_ref[...]
    a = a_ref[...]
    sr = s_ref[...]
    pr = pr_ref[...]
    m = bm_ref[...]
    q = jnp.zeros((BM, 64), jnp.float32)
    p = jnp.zeros((BM, 1), jnp.float32)
    for t in range(16):
        h = jnp.floor(m * 0.5)
        bit = m - 2.0 * h
        m = h
        bt = b_ref[:, t * 128:(t + 1) * 128]
        dt = d_ref[:, t * 128:(t + 1) * 128]
        st = sf_ref[:, t * 128:(t + 1) * 128]
        kt = k_ref[:, t * 128:(t + 1) * 128]
        w = bit * (sr + st) * 0.5
        ak2 = jnp.exp(jnp.maximum(a + bt, 0.0) + w) * pr
        E = kt * jnp.exp(jnp.maximum(cc + dt, 0.0) + ak2)
        q += jnp.dot(E, y_ref[pl.ds(t * 128, 128), :],
                     preferred_element_type=jnp.float32)
        p += jnp.sum(E, axis=1, keepdims=True)
    blk = jnp.concatenate([q, jnp.broadcast_to(p, (BM, 64))], axis=1)

    @pl.when(j == 0)
    def _():
        o_ref[...] = blk

    @pl.when(j > 0)
    def _():
        o_ref[...] += blk


def _flash3(c, a, sr, pinv, bmp2, bfull, dfull, sfull, keep2, y3full, nrows):
    rpad = (-nrows) % BM
    NR = nrows + rpad
    c2 = jnp.pad(c, (0, rpad))[:, None]
    a2 = jnp.pad(a, (0, rpad))[:, None]
    s2 = jnp.pad(sr, (0, rpad))[:, None]
    p2 = jnp.pad(pinv, (0, rpad))[:, None]
    bk = jnp.pad(bmp2, ((0, rpad), (0, 0)))
    out = pl.pallas_call(
        _f3_kernel,
        grid=(NR // BM, NP // BN),
        in_specs=[
            pl.BlockSpec((BM, 1), lambda i, j: (i, 0)),
            pl.BlockSpec((BM, 1), lambda i, j: (i, 0)),
            pl.BlockSpec((BM, 1), lambda i, j: (i, 0)),
            pl.BlockSpec((BM, 1), lambda i, j: (i, 0)),
            pl.BlockSpec((BM, 128), lambda i, j: (i, j)),
            pl.BlockSpec((1, BN), lambda i, j: (0, j)),
            pl.BlockSpec((1, BN), lambda i, j: (0, j)),
            pl.BlockSpec((1, BN), lambda i, j: (0, j)),
            pl.BlockSpec((1, BN), lambda i, j: (0, j)),
            pl.BlockSpec((BN, 64), lambda i, j: (j, 0)),
        ],
        out_specs=pl.BlockSpec((BM, 128), lambda i, j: (i, 0)),
        out_shape=jax.ShapeDtypeStruct((NR, 128), jnp.float32),
        compiler_params=pltpu.CompilerParams(
            dimension_semantics=("parallel", "arbitrary")),
    )(c2, a2, s2, p2, bk, bfull[None, :], dfull[None, :], sfull[None, :],
      keep2[None, :], y3full)
    return out[:nrows, 64], out[:nrows, :64]



def kernel(x, edge_index, W1, b1, W2, b2, W3, b3, att1, att2,
           lin1_w, lin1_b, lin2_w, lin2_b, lin3_w, lin3_b):
    n = x.shape[0]
    row = edge_index[0].astype(jnp.int32)
    col = edge_index[1].astype(jnp.int32)
    s = jnp.sum(x, axis=1)

    T = jnp.zeros((NP * NP,), jnp.float32).at[row * NP + col].max(
        1.0, mode="promise_in_bounds").reshape(NP, NP)
    kcol = (jnp.arange(NP, dtype=jnp.int32) < n).astype(jnp.float32)[None, :]

    h0 = _proj(_expmap0(x))
    y1 = _hgc_pre(h0, W1, b1)
    rhs = jnp.pad(jnp.concatenate([y1, s[:, None] * y1], axis=1),
                  ((0, NP - n), (0, 0)))
    o1, dacc, bmp = _pass1(T, rhs, kcol)
    U1 = o1[:n, :64]
    U2 = o1[:n, 64:]
    deg = jnp.sum(dacc, axis=1)[:n]
    sup1 = 0.5 * s[:, None] * U1 + 0.5 * U2
    h1L = _hgc_post(sup1)

    dis = jnp.where(deg > 0, jnp.where(deg > 0, deg, 1.0) ** -0.5, 0.0)
    z = jnp.pad(dis[:, None] * h1L, ((0, NP - n), (0, 0)))
    agg1 = dis[:, None] * _pass2(bmp, z)[:n]
    score1 = jnp.sum(jnp.abs(h1L - agg1), -1)
    k1 = int(np.ceil(0.5 * n))
    _, perm1 = jax.lax.top_k(score1, k1)
    xk1 = h1L[perm1]
    x1 = _readout(xk1)

    sfull = jnp.pad(s, (0, NP - n))
    bfull = jnp.pad(h1L @ att1[64:], (0, NP - n))
    a = xk1 @ att1[:64]
    srow = s[perm1]
    bmpk = bmp[perm1]
    keep = jnp.zeros((NP,), jnp.float32).at[perm1].set(1.0)
    y2full = jnp.pad(_hgc_pre(_proj(_expmap0(h1L)), W2, b2),
                     ((0, NP - n), (0, 0)))
    P, Q = _flash2(a, srow, bmpk, bfull, sfull, keep, y2full, k1)
    h2L = _hgc_post(Q / P[:, None])

    score2 = jnp.sum(jnp.abs(h2L - jnp.mean(h2L, axis=0, keepdims=True)), -1)
    k2 = int(np.ceil(0.5 * k1))
    _, perm2 = jax.lax.top_k(score2, k2)
    xk2 = h2L[perm2]
    x2 = _readout(xk2)

    sel2 = perm1[perm2]
    cvec = xk2 @ att2[:64]
    d = xk2 @ att2[64:]
    dfull = jnp.zeros((NP,), jnp.float32).at[sel2].set(d)
    keep2 = jnp.zeros((NP,), jnp.float32).at[sel2].set(1.0)
    y3 = _hgc_pre(_proj(_expmap0(xk2)), W3, b3)
    y3full = jnp.zeros((NP, 64), jnp.float32).at[sel2].set(y3)
    a2 = a[perm2]
    srow2 = srow[perm2]
    bmp2 = bmpk[perm2]
    pinv = 1.0 / P[perm2]
    P3, Q3 = _flash3(cvec, a2, srow2, pinv, bmp2, bfull, dfull, sfull,
                     keep2, y3full, k2)
    h3L = _hgc_post(Q3 / P3[:, None])
    x3 = _readout(h3L)

    z = jax.nn.relu(x1) + jax.nn.relu(x2) + jax.nn.relu(x3)
    z = jax.nn.relu(z @ lin1_w.T + lin1_b)
    z = jax.nn.relu(z @ lin2_w.T + lin2_b)
    return jax.nn.log_softmax(z @ lin3_w.T + lin3_b, axis=-1)

# --- scband reference (transcript-rebuilt; emitter-appended) ---
"""Pipeline reference for scband-hyp-gcn-7997229105402 (READ-ONLY COPY).

The authoritative reference and input builder live on the scoring server;
editing this copy changes nothing except your own understanding.
"""

import jax, jax.numpy as jnp
import numpy as np

C = 1.0
MIN = 1e-15
MAXEPS = 4e-3

def _artanh(x):
    return jnp.arctanh(jnp.clip(x, -1 + 1e-7, 1 - 1e-7))

def _proj(x):
    n = jnp.maximum(jnp.linalg.norm(x, axis=-1, keepdims=True), MIN)
    maxnorm = (1.0 - MAXEPS) / jnp.sqrt(C)
    return jnp.where(n > maxnorm, x / n * maxnorm, x)

def _expmap0(u):
    sc = jnp.sqrt(C)
    n = jnp.maximum(jnp.linalg.norm(u, axis=-1, keepdims=True), MIN)
    return jnp.tanh(sc * n) * u / (sc * n)

def _logmap0(p):
    sc = jnp.sqrt(C)
    n = jnp.maximum(jnp.linalg.norm(p, axis=-1, keepdims=True), MIN)
    return _artanh(sc * n) / (sc * n) * p

def _mobius_add(x, y):
    x2 = jnp.sum(x * x, -1, keepdims=True)
    y2 = jnp.sum(y * y, -1, keepdims=True)
    xy = jnp.sum(x * y, -1, keepdims=True)
    num = (1 + 2 * C * xy + C * y2) * x + (1 - C * x2) * y
    den = 1 + 2 * C * xy + C * C * x2 * y2
    return num / jnp.maximum(den, MIN)

def _mobius_matvec(m, x):
    sc = jnp.sqrt(C)
    xn = jnp.maximum(jnp.linalg.norm(x, axis=-1, keepdims=True), MIN)
    mx = x @ m.T
    mxn = jnp.maximum(jnp.linalg.norm(mx, axis=-1, keepdims=True), MIN)
    res = jnp.tanh(mxn / xn * _artanh(sc * xn)) * mx / (mxn * sc)
    zero = jnp.all(mx == 0, axis=-1, keepdims=True)
    return jnp.where(zero, jnp.zeros_like(res), res)

def _hgc(x, adj, W, b):
    mv = _proj(_mobius_matvec(W, x))
    hb = _proj(_expmap0(b))
    h = _proj(_mobius_add(mv, hb))
    sup = adj @ _logmap0(h)
    out = _proj(_expmap0(sup))
    return _proj(_expmap0(jax.nn.relu(_logmap0(out))))

def _edge_to_adj(edge_index, x):
    row, col = edge_index[0], edge_index[1]
    w = (jnp.sum(x[row], -1) + jnp.sum(x[col], -1)) / 2.0
    n = x.shape[0]
    return jnp.zeros((n, n), jnp.float32).at[row, col].set(w)

def _pool(x, adj, att, ratio=0.5, lamb=1.0):
    n = x.shape[0]
    A = (adj != 0).astype(jnp.float32)
    deg = jnp.sum(A, -1)
    dis = jnp.where(deg > 0, jnp.where(deg > 0, deg, 1.0) ** -0.5, 0.0)
    An = dis[:, None] * A * dis[None, :]
    score = jnp.sum(jnp.abs(x - An @ x), -1)
    k = int(np.ceil(ratio * n))
    _, perm = jax.lax.top_k(score, k)
    xk = x[perm]
    Ak = adj[perm][:, perm]
    d = x.shape[1]
    e = jax.nn.relu((xk @ att[:d])[:, None] + (xk @ att[d:])[None, :]) + lamb * Ak
    return xk, jax.nn.softmax(e, axis=-1)

def _readout(x):
    return jnp.concatenate([jnp.max(x, axis=0, keepdims=True), jnp.mean(x, axis=0, keepdims=True)], axis=1)

def _forward(x, edge_index, W1, b1, W2, b2, W3, b3, att1, att2, lin1_w, lin1_b, lin2_w, lin2_b, lin3_w, lin3_b):
    adj1 = _edge_to_adj(edge_index, x)
    h = _proj(_expmap0(x))
    h = _hgc(h, adj1, W1, b1)
    h = _logmap0(h)
    h, adj2 = _pool(h, adj1, att1)
    x1 = _readout(h)
    h = _proj(_expmap0(h))
    h = _hgc(h, adj2, W2, b2)
    h = _logmap0(h)
    h, adj3 = _pool(h, adj2, att2)
    x2 = _readout(h)
    h = _proj(_expmap0(h))
    h = _hgc(h, adj3, W3, b3)
    h = _logmap0(h)
    x3 = _readout(h)
    z = jax.nn.relu(x1) + jax.nn.relu(x2) + jax.nn.relu(x3)
    z = jax.nn.relu(z @ lin1_w.T + lin1_b)
    z = jax.nn.relu(z @ lin2_w.T + lin2_b)
    return jax.nn.log_softmax(z @ lin3_w.T + lin3_b, axis=-1)

def setup_inputs(seed: int = 0):
    key = jax.random.key(seed)
    ks = jax.random.split(key, 18)
    N, E, F, H, NC = 10000, 320000, 128, 64, 10
    inp = {}
    inp["x"] = jax.random.normal(ks[0], (N, F), jnp.float32)
    inp["edge_index"] = jax.random.randint(ks[1], (2, E), 0, N).astype(jnp.int64)
    inp["W1"] = jax.random.normal(ks[2], (H, F), jnp.float32) / np.sqrt(F)
    inp["b1"] = jax.random.normal(ks[3], (H,), jnp.float32) * 0.01
    inp["W2"] = jax.random.normal(ks[4], (H, H), jnp.float32) / np.sqrt(H)
    inp["b2"] = jax.random.normal(ks[5], (H,), jnp.float32) * 0.01
    inp["W3"] = jax.random.normal(ks[6], (H, H), jnp.float32) / np.sqrt(H)
    inp["b3"] = jax.random.normal(ks[7], (H,), jnp.float32) * 0.01
    inp["att1"] = jax.random.normal(ks[8], (2 * H,), jnp.float32) * 0.1
    inp["att2"] = jax.random.normal(ks[9], (2 * H,), jnp.float32) * 0.1
    inp["lin1_w"] = jax.random.normal(ks[10], (H, 2 * H), jnp.float32) / np.sqrt(2 * H)
    inp["lin1_b"] = jnp.zeros((H,), jnp.float32)
    inp["lin2_w"] = jax.random.normal(ks[11], (H // 2, H), jnp.float32) / np.sqrt(H)
    inp["lin2_b"] = jnp.zeros((H // 2,), jnp.float32)
    inp["lin3_w"] = jax.random.normal(ks[12], (NC, H // 2), jnp.float32) / np.sqrt(H // 2)
    inp["lin3_b"] = jnp.zeros((NC,), jnp.float32)
    return inp

def reference(x, edge_index, W1, b1, W2, b2, W3, b3, att1, att2, lin1_w, lin1_b, lin2_w, lin2_b, lin3_w, lin3_b):
    return _forward(x, edge_index, W1, b1, W2, b2, W3, b3, att1, att2, lin1_w, lin1_b, lin2_w, lin2_b, lin3_w, lin3_b)

if __name__ == "__main__":
    import jax
    _d = setup_inputs()
    print(jax.jit(kernel)(*tuple(_d.values())))

</pallas_src>

<mosaic_0001>
module attributes {stable_mosaic.version = 14 : i64} {
  func.func @_p1_kernel(%arg0: i32, %arg1: i32, %arg2: memref<512x2048xf32, #tpu.memory_space<vmem>>, %arg3: memref<2048x128xf32, #tpu.memory_space<vmem>>, %arg4: memref<1x2048xf32, #tpu.memory_space<vmem>>, %arg5: memref<512x128xf32, #tpu.memory_space<vmem>>, %arg6: memref<512x128xf32, #tpu.memory_space<vmem>>, %arg7: memref<512x128xf32, #tpu.memory_space<vmem>>) attributes {dimension_semantics = [#tpu.dimension_semantics<parallel>, #tpu.dimension_semantics<arbitrary>], iteration_bounds = array<i64: 20, 5>, scalar_prefetch = 0 : i64, scratch_operands = 0 : i64, tpu.core_type = #tpu.core_type<tc>, window_params = [{transform_indices = @transform_0, window_bounds = array<i64: 512, 2048>}, {transform_indices = @transform_1, window_bounds = array<i64: 2048, 128>}, {transform_indices = @transform_2, window_bounds = array<i64: 1, 2048>}, {transform_indices = @transform_3, window_bounds = array<i64: 512, 128>}, {transform_indices = @transform_4, window_bounds = array<i64: 512, 128>}, {transform_indices = @transform_5, window_bounds = array<i64: 512, 128>}]} {
    %get3A = arith.constant 0 : index
    %get3A_0 = arith.constant 0 : index
    %get3A_1 = vector.load %arg2[%get3A, %get3A_0] : memref<512x2048xf32, #tpu.memory_space<vmem>>, vector<512x2048xf32>
    %get3A_2 = arith.constant 0 : index
    %get3A_3 = arith.constant 0 : index
    %get3A_4 = vector.load %arg3[%get3A_2, %get3A_3] : memref<2048x128xf32, #tpu.memory_space<vmem>>, vector<2048x128xf32>
    %dot_general3A = arith.constant dense<0.000000e+00> : vector<512x128xf32>
    %dot_general3A_5 = tpu.matmul %get3A_1, %get3A_4, %dot_general3A {dimension_numbers = #tpu.dot_dimension_numbers<[1], [0], [0], [1], [0, 0, 1, 1], [], []>, transpose_lhs_hint = false} : vector<512x2048xf32>, vector<2048x128xf32>, vector<512x128xf32> -> vector<512x128xf32>
    %broadcast_in_dim3A = arith.constant 0.000000e+00 : f32
    %broadcast_in_dim3A_6 = vector.broadcast %broadcast_in_dim3A : f32 to vector<512x128xf32>
    %broadcast_in_dim3A_7 = arith.constant 0.000000e+00 : f32
    %broadcast_in_dim3A_8 = vector.broadcast %broadcast_in_dim3A_7 : f32 to vector<512x128xf32>
    %slice3A = vector.extract_strided_slice %get3A_1 {offsets = [0, 0], sizes = [512, 128], strides = [1, 1]} : vector<512x2048xf32> to vector<512x128xf32>
    %get3A_9 = arith.constant 0 : index
    %get3A_10 = arith.constant 0 : index
    %get3A_11 = vector.load %arg4[%get3A_9, %get3A_10] : memref<1x2048xf32, #tpu.memory_space<vmem>>, vector<1x128xf32>
    %mul3A = vector.broadcast %get3A_11 : vector<1x128xf32> to vector<512x128xf32>
    %mul3A_12 = arith.mulf %slice3A, %mul3A : vector<512x128xf32>
    %add3A = arith.addf %broadcast_in_dim3A_6, %mul3A_12 : vector<512x128xf32>
    %mul3A_13 = arith.constant 1.000000e+00 : f32
    %mul3A_14 = vector.broadcast %mul3A_13 : f32 to vector<512x128xf32>
    %mul3A_15 = arith.mulf %slice3A, %mul3A_14 : vector<512x128xf32>
    %add3A_16 = arith.addf %broadcast_in_dim3A_8, %mul3A_15 : vector<512x128xf32>
    %slice3A_17 = vector.extract_strided_slice %get3A_1 {offsets = [0, 128], sizes = [512, 128], strides = [1, 1]} : vector<512x2048xf32> to vector<512x128xf32>
    %get3A_18 = arith.constant 0 : index
    %get3A_19 = arith.constant 128 : index
    %get3A_20 = vector.load %arg4[%get3A_18, %get3A_19] : memref<1x2048xf32, #tpu.memory_space<vmem>>, vector<1x128xf32>
    %mul3A_21 = vector.broadcast %get3A_20 : vector<1x128xf32> to vector<512x128xf32>
    %mul3A_22 = arith.mulf %slice3A_17, %mul3A_21 : vector<512x128xf32>
    %add3A_23 = arith.addf %add3A, %mul3A_22 : vector<512x128xf32>
    %mul3A_24 = arith.constant 2.000000e+00 : f32
    %mul3A_25 = vector.broadcast %mul3A_24 : f32 to vector<512x128xf32>
    %mul3A_26 = arith.mulf %slice3A_17, %mul3A_25 : vector<512x128xf32>
    %add3A_27 = arith.addf %add3A_16, %mul3A_26 : vector<512x128xf32>
    %slice3A_28 = vector.extract_strided_slice %get3A_1 {offsets = [0, 256], sizes = [512, 128], strides = [1, 1]} : vector<512x2048xf32> to vector<512x128xf32>
    %get3A_29 = arith.constant 0 : index
    %get3A_30 = arith.constant 256 : index
    %get3A_31 = vector.load %arg4[%get3A_29, %get3A_30] : memref<1x2048xf32, #tpu.memory_space<vmem>>, vector<1x128xf32>
    %mul3A_32 = vector.broadcast %get3A_31 : vector<1x128xf32> to vector<512x128xf32>
    %mul3A_33 = arith.mulf %slice3A_28, %mul3A_32 : vector<512x128xf32>
    %add3A_34 = arith.addf %add3A_23, %mul3A_33 : vector<512x128xf32>
    %mul3A_35 = arith.constant 4.000000e+00 : f32
    %mul3A_36 = vector.broadcast %mul3A_35 : f32 to vector<512x128xf32>
    %mul3A_37 = arith.mulf %slice3A_28, %mul3A_36 : vector<512x128xf32>
    %add3A_38 = arith.addf %add3A_27, %mul3A_37 : vector<512x128xf32>
    %slice3A_39 = vector.extract_strided_slice %get3A_1 {offsets = [0, 384], sizes = [512, 128], strides = [1, 1]} : vector<512x2048xf32> to vector<512x128xf32>
    %get3A_40 = arith.constant 0 : index
    %get3A_41 = arith.constant 384 : index
    %get3A_42 = vector.load %arg4[%get3A_40, %get3A_41] : memref<1x2048xf32, #tpu.memory_space<vmem>>, vector<1x128xf32>
    %mul3A_43 = vector.broadcast %get3A_42 : vector<1x128xf32> to vector<512x128xf32>
    %mul3A_44 = arith.mulf %slice3A_39, %mul3A_43 : vector<512x128xf32>
    %add3A_45 = arith.addf %add3A_34, %mul3A_44 : vector<512x128xf32>
    %mul3A_46 = arith.constant 8.000000e+00 : f32
    %mul3A_47 = vector.broadcast %mul3A_46 : f32 to vector<512x128xf32>
    %mul3A_48 = arith.mulf %slice3A_39, %mul3A_47 : vector<512x128xf32>
    %add3A_49 = arith.addf %add3A_38, %mul3A_48 : vector<512x128xf32>
    %slice3A_50 = vector.extract_strided_slice %get3A_1 {offsets = [0, 512], sizes = [512, 128], strides = [1, 1]} : vector<512x2048xf32> to vector<512x128xf32>
    %get3A_51 = arith.constant 0 : index
    %get3A_52 = arith.constant 512 : index
    %get3A_53 = vector.load %arg4[%get3A_51, %get3A_52] : memref<1x2048xf32, #tpu.memory_space<vmem>>, vector<1x128xf32>
    %mul3A_54 = vector.broadcast %get3A_53 : vector<1x128xf32> to vector<512x128xf32>
    %mul3A_55 = arith.mulf %slice3A_50, %mul3A_54 : vector<512x128xf32>
    %add3A_56 = arith.addf %add3A_45, %mul3A_55 : vector<512x128xf32>
    %mul3A_57 = arith.constant 1.600000e+01 : f32
    %mul3A_58 = vector.broadcast %mul3A_57 : f32 to vector<512x128xf32>
    %mul3A_59 = arith.mulf %slice3A_50, %mul3A_58 : vector<512x128xf32>
    %add3A_60 = arith.addf %add3A_49, %mul3A_59 : vector<512x128xf32>
    %slice3A_61 = vector.extract_strided_slice %get3A_1 {offsets = [0, 640], sizes = [512, 128], strides = [1, 1]} : vector<512x2048xf32> to vector<512x128xf32>
    %get3A_62 = arith.constant 0 : index
    %get3A_63 = arith.constant 640 : index
    %get3A_64 = vector.load %arg4[%get3A_62, %get3A_63] : memref<1x2048xf32, #tpu.memory_space<vmem>>, vector<1x128xf32>
    %mul3A_65 = vector.broadcast %get3A_64 : vector<1x128xf32> to vector<512x128xf32>
    %mul3A_66 = arith.mulf %slice3A_61, %mul3A_65 : vector<512x128xf32>
    %add3A_67 = arith.addf %add3A_56, %mul3A_66 : vector<512x128xf32>
    %mul3A_68 = arith.constant 3.200000e+01 : f32
    %mul3A_69 = vector.broadcast %mul3A_68 : f32 to vector<512x128xf32>
    %mul3A_70 = arith.mulf %slice3A_61, %mul3A_69 : vector<512x128xf32>
    %add3A_71 = arith.addf %add3A_60, %mul3A_70 : vector<512x128xf32>
    %slice3A_72 = vector.extract_strided_slice %get3A_1 {offsets = [0, 768], sizes = [512, 128], strides = [1, 1]} : vector<512x2048xf32> to vector<512x128xf32>
    %get3A_73 = arith.constant 0 : index
    %get3A_74 = arith.constant 768 : index
    %get3A_75 = vector.load %arg4[%get3A_73, %get3A_74] : memref<1x2048xf32, #tpu.memory_space<vmem>>, vector<1x128xf32>
    %mul3A_76 = vector.broadcast %get3A_75 : vector<1x128xf32> to vector<512x128xf32>
    %mul3A_77 = arith.mulf %slice3A_72, %mul3A_76 : vector<512x128xf32>
    %add3A_78 = arith.addf %add3A_67, %mul3A_77 : vector<512x128xf32>
    %mul3A_79 = arith.constant 6.400000e+01 : f32
    %mul3A_80 = vector.broadcast %mul3A_79 : f32 to vector<512x128xf32>
    %mul3A_81 = arith.mulf %slice3A_72, %mul3A_80 : vector<512x128xf32>
    %add3A_82 = arith.addf %add3A_71, %mul3A_81 : vector<512x128xf32>
    %slice3A_83 = vector.extract_strided_slice %get3A_1 {offsets = [0, 896], sizes = [512, 128], strides = [1, 1]} : vector<512x2048xf32> to vector<512x128xf32>
    %get3A_84 = arith.constant 0 : index
    %get3A_85 = arith.constant 896 : index
    %get3A_86 = vector.load %arg4[%get3A_84, %get3A_85] : memref<1x2048xf32, #tpu.memory_space<vmem>>, vector<1x128xf32>
    %mul3A_87 = vector.broadcast %get3A_86 : vector<1x128xf32> to vector<512x128xf32>
    %mul3A_88 = arith.mulf %slice3A_83, %mul3A_87 : vector<512x128xf32>
    %add3A_89 = arith.addf %add3A_78, %mul3A_88 : vector<512x128xf32>
    %mul3A_90 = arith.constant 1.280000e+02 : f32
    %mul3A_91 = vector.broadcast %mul3A_90 : f32 to vector<512x128xf32>
    %mul3A_92 = arith.mulf %slice3A_83, %mul3A_91 : vector<512x128xf32>
    %add3A_93 = arith.addf %add3A_82, %mul3A_92 : vector<512x128xf32>
    %slice3A_94 = vector.extract_strided_slice %get3A_1 {offsets = [0, 1024], sizes = [512, 128], strides = [1, 1]} : vector<512x2048xf32> to vector<512x128xf32>
    %get3A_95 = arith.constant 0 : index
    %get3A_96 = arith.constant 1024 : index
    %get3A_97 = vector.load %arg4[%get3A_95, %get3A_96] : memref<1x2048xf32, #tpu.memory_space<vmem>>, vector<1x128xf32>
    %mul3A_98 = vector.broadcast %get3A_97 : vector<1x128xf32> to vector<512x128xf32>
    %mul3A_99 = arith.mulf %slice3A_94, %mul3A_98 : vector<512x128xf32>
    %add3A_100 = arith.addf %add3A_89, %mul3A_99 : vector<512x128xf32>
    %mul3A_101 = arith.constant 2.560000e+02 : f32
    %mul3A_102 = vector.broadcast %mul3A_101 : f32 to vector<512x128xf32>
    %mul3A_103 = arith.mulf %slice3A_94, %mul3A_102 : vector<512x128xf32>
    %add3A_104 = arith.addf %add3A_93, %mul3A_103 : vector<512x128xf32>
    %slice3A_105 = vector.extract_strided_slice %get3A_1 {offsets = [0, 1152], sizes = [512, 128], strides = [1, 1]} : vector<512x2048xf32> to vector<512x128xf32>
    %get3A_106 = arith.constant 0 : index
    %get3A_107 = arith.constant 1152 : index
    %get3A_108 = vector.load %arg4[%get3A_106, %get3A_107] : memref<1x2048xf32, #tpu.memory_space<vmem>>, vector<1x128xf32>
    %mul3A_109 = vector.broadcast %get3A_108 : vector<1x128xf32> to vector<512x128xf32>
    %mul3A_110 = arith.mulf %slice3A_105, %mul3A_109 : vector<512x128xf32>
    %add3A_111 = arith.addf %add3A_100, %mul3A_110 : vector<512x128xf32>
    %mul3A_112 = arith.constant 5.120000e+02 : f32
    %mul3A_113 = vector.broadcast %mul3A_112 : f32 to vector<512x128xf32>
    %mul3A_114 = arith.mulf %slice3A_105, %mul3A_113 : vector<512x128xf32>
    %add3A_115 = arith.addf %add3A_104, %mul3A_114 : vector<512x128xf32>
    %slice3A_116 = vector.extract_strided_slice %get3A_1 {offsets = [0, 1280], sizes = [512, 128], strides = [1, 1]} : vector<512x2048xf32> to vector<512x128xf32>
    %get3A_117 = arith.constant 0 : index
    %get3A_118 = arith.constant 1280 : index
    %get3A_119 = vector.load %arg4[%get3A_117, %get3A_118] : memref<1x2048xf32, #tpu.memory_space<vmem>>, vector<1x128xf32>
    %mul3A_120 = vector.broadcast %get3A_119 : vector<1x128xf32> to vector<512x128xf32>
    %mul3A_121 = arith.mulf %slice3A_116, %mul3A_120 : vector<512x128xf32>
    %add3A_122 = arith.addf %add3A_111, %mul3A_121 : vector<512x128xf32>
    %mul3A_123 = arith.constant 1.024000e+03 : f32
    %mul3A_124 = vector.broadcast %mul3A_123 : f32 to vector<512x128xf32>
    %mul3A_125 = arith.mulf %slice3A_116, %mul3A_124 : vector<512x128xf32>
    %add3A_126 = arith.addf %add3A_115, %mul3A_125 : vector<512x128xf32>
    %slice3A_127 = vector.extract_strided_slice %get3A_1 {offsets = [0, 1408], sizes = [512, 128], strides = [1, 1]} : vector<512x2048xf32> to vector<512x128xf32>
    %get3A_128 = arith.constant 0 : index
    %get3A_129 = arith.constant 1408 : index
    %get3A_130 = vector.load %arg4[%get3A_128, %get3A_129] : memref<1x2048xf32, #tpu.memory_space<vmem>>, vector<1x128xf32>
    %mul3A_131 = vector.broadcast %get3A_130 : vector<1x128xf32> to vector<512x128xf32>
    %mul3A_132 = arith.mulf %slice3A_127, %mul3A_131 : vector<512x128xf32>
    %add3A_133 = arith.addf %add3A_122, %mul3A_132 : vector<512x128xf32>
    %mul3A_134 = arith.constant 2.048000e+03 : f32
    %mul3A_135 = vector.broadcast %mul3A_134 : f32 to vector<512x128xf32>
    %mul3A_136 = arith.mulf %slice3A_127, %mul3A_135 : vector<512x128xf32>
    %add3A_137 = arith.addf %add3A_126, %mul3A_136 : vector<512x128xf32>
    %slice3A_138 = vector.extract_strided_slice %get3A_1 {offsets = [0, 1536], sizes = [512, 128], strides = [1, 1]} : vector<512x2048xf32> to vector<512x128xf32>
    %get3A_139 = arith.constant 0 : index
    %get3A_140 = arith.constant 1536 : index
    %get3A_141 = vector.load %arg4[%get3A_139, %get3A_140] : memref<1x2048xf32, #tpu.memory_space<vmem>>, vector<1x128xf32>
    %mul3A_142 = vector.broadcast %get3A_141 : vector<1x128xf32> to vector<512x128xf32>
    %mul3A_143 = arith.mulf %slice3A_138, %mul3A_142 : vector<512x128xf32>
    %add3A_144 = arith.addf %add3A_133, %mul3A_143 : vector<512x128xf32>
    %mul3A_145 = arith.constant 4.096000e+03 : f32
    %mul3A_146 = vector.broadcast %mul3A_145 : f32 to vector<512x128xf32>
    %mul3A_147 = arith.mulf %slice3A_138, %mul3A_146 : vector<512x128xf32>
    %add3A_148 = arith.addf %add3A_137, %mul3A_147 : vector<512x128xf32>
    %slice3A_149 = vector.extract_strided_slice %get3A_1 {offsets = [0, 1664], sizes = [512, 128], strides = [1, 1]} : vector<512x2048xf32> to vector<512x128xf32>
    %get3A_150 = arith.constant 0 : index
    %get3A_151 = arith.constant 1664 : index
    %get3A_152 = vector.load %arg4[%get3A_150, %get3A_151] : memref<1x2048xf32, #tpu.memory_space<vmem>>, vector<1x128xf32>
    %mul3A_153 = vector.broadcast %get3A_152 : vector<1x128xf32> to vector<512x128xf32>
    %mul3A_154 = arith.mulf %slice3A_149, %mul3A_153 : vector<512x128xf32>
    %add3A_155 = arith.addf %add3A_144, %mul3A_154 : vector<512x128xf32>
    %mul3A_156 = arith.constant 8.192000e+03 : f32
    %mul3A_157 = vector.broadcast %mul3A_156 : f32 to vector<512x128xf32>
    %mul3A_158 = arith.mulf %slice3A_149, %mul3A_157 : vector<512x128xf32>
    %add3A_159 = arith.addf %add3A_148, %mul3A_158 : vector<512x128xf32>
    %slice3A_160 = vector.extract_strided_slice %get3A_1 {offsets = [0, 1792], sizes = [512, 128], strides = [1, 1]} : vector<512x2048xf32> to vector<512x128xf32>
    %get3A_161 = arith.constant 0 : index
    %get3A_162 = arith.constant 1792 : index
    %get3A_163 = vector.load %arg4[%get3A_161, %get3A_162] : memref<1x2048xf32, #tpu.memory_space<vmem>>, vector<1x128xf32>
    %mul3A_164 = vector.broadcast %get3A_163 : vector<1x128xf32> to vector<512x128xf32>
    %mul3A_165 = arith.mulf %slice3A_160, %mul3A_164 : vector<512x128xf32>
    %add3A_166 = arith.addf %add3A_155, %mul3A_165 : vector<512x128xf32>
    %mul3A_167 = arith.constant 1.638400e+04 : f32
    %mul3A_168 = vector.broadcast %mul3A_167 : f32 to vector<512x128xf32>
    %mul3A_169 = arith.mulf %slice3A_160, %mul3A_168 : vector<512x128xf32>
    %add3A_170 = arith.addf %add3A_159, %mul3A_169 : vector<512x128xf32>
    %slice3A_171 = vector.extract_strided_slice %get3A_1 {offsets = [0, 1920], sizes = [512, 128], strides = [1, 1]} : vector<512x2048xf32> to vector<512x128xf32>
    %get3A_172 = arith.constant 0 : index
    %get3A_173 = arith.constant 1920 : index
    %get3A_174 = vector.load %arg4[%get3A_172, %get3A_173] : memref<1x2048xf32, #tpu.memory_space<vmem>>, vector<1x128xf32>
    %mul3A_175 = vector.broadcast %get3A_174 : vector<1x128xf32> to vector<512x128xf32>
    %mul3A_176 = arith.mulf %slice3A_171, %mul3A_175 : vector<512x128xf32>
    %add3A_177 = arith.addf %add3A_166, %mul3A_176 : vector<512x128xf32>
    %mul3A_178 = arith.constant 3.276800e+04 : f32
    %mul3A_179 = vector.broadcast %mul3A_178 : f32 to vector<512x128xf32>
    %mul3A_180 = arith.mulf %slice3A_171, %mul3A_179 : vector<512x128xf32>
    %add3A_181 = arith.addf %add3A_170, %mul3A_180 : vector<512x128xf32>
    %swap3A = arith.constant 0 : index
    %swap3A_182 = arith.constant 0 : index
    %swap3A_183 = vector.load %arg7[%swap3A, %swap3A_182] : memref<512x128xf32, #tpu.memory_space<vmem>>, vector<512x128xf32>
    tpu.vector_store %arg7[%swap3A, %swap3A_182], %add3A_181 {strides = array<i32>} : memref<512x128xf32, #tpu.memory_space<vmem>>, vector<512x128xf32>,
    %eq3A = arith.constant 0 : i32
    %eq3A_184 = arith.cmpi eq, %arg1, %eq3A : i32
    %convert_element_type3A = arith.extui %eq3A_184 : i1 to i32
    %cond3A = arith.constant 0 : i32
    %cond3A_185 = arith.cmpi ne, %convert_element_type3A, %cond3A : i32
    scf.if %cond3A_185 {
      %swap3A_190 = arith.constant 0 : index
      %swap3A_191 = arith.constant 0 : index
      %swap3A_192 = vector.load %arg5[%swap3A_190, %swap3A_191] : memref<512x128xf32, #tpu.memory_space<vmem>>, vector<512x128xf32>
      tpu.vector_store %arg5[%swap3A_190, %swap3A_191], %dot_general3A_5 {strides = array<i32>} : memref<512x128xf32, #tpu.memory_space<vmem>>, vector<512x128xf32>,
      %swap3A_193 = arith.constant 0 : index
      %swap3A_194 = arith.constant 0 : index
      %swap3A_195 = vector.load %arg6[%swap3A_193, %swap3A_194] : memref<512x128xf32, #tpu.memory_space<vmem>>, vector<512x128xf32>
      tpu.vector_store %arg6[%swap3A_193, %swap3A_194], %add3A_177 {strides = array<i32>} : memref<512x128xf32, #tpu.memory_space<vmem>>, vector<512x128xf32>,
    } else {
    }
    %gt3A = arith.constant 0 : i32
    %gt3A_186 = arith.cmpi sgt, %arg1, %gt3A : i32
    %convert_element_type3A_187 = arith.extui %gt3A_186 : i1 to i32
    %cond3A_188 = arith.constant 0 : i32
    %cond3A_189 = arith.cmpi ne, %convert_element_type3A_187, %cond3A_188 : i32
    scf.if %cond3A_189 {
      %get3A_190 = arith.constant 0 : index
      %get3A_191 = arith.constant 0 : index
      %get3A_192 = vector.load %arg5[%get3A_190, %get3A_191] : memref<512x128xf32, #tpu.memory_space<vmem>>, vector<512x128xf32>
      %add3A_193 = arith.addf %get3A_192, %dot_general3A_5 : vector<512x128xf32>
      %swap3A_194 = arith.constant 0 : index
      %swap3A_195 = arith.constant 0 : index
      %swap3A_196 = vector.load %arg5[%swap3A_194, %swap3A_195] : memref<512x128xf32, #tpu.memory_space<vmem>>, vector<512x128xf32>
      tpu.vector_store %arg5[%swap3A_194, %swap3A_195], %add3A_193 {strides = array<i32>} : memref<512x128xf32, #tpu.memory_space<vmem>>, vector<512x128xf32>,
      %get3A_197 = arith.constant 0 : index
      %get3A_198 = arith.constant 0 : index
      %get3A_199 = vector.load %arg6[%get3A_197, %get3A_198] : memref<512x128xf32, #tpu.memory_space<vmem>>, vector<512x128xf32>
      %add3A_200 = arith.addf %get3A_199, %add3A_177 : vector<512x128xf32>
      %swap3A_201 = arith.constant 0 : index
      %swap3A_202 = arith.constant 0 : index
      %swap3A_203 = vector.load %arg6[%swap3A_201, %swap3A_202] : memref<512x128xf32, #tpu.memory_space<vmem>>, vector<512x128xf32>
      tpu.vector_store %arg6[%swap3A_201, %swap3A_202], %add3A_200 {strides = array<i32>} : memref<512x128xf32, #tpu.memory_space<vmem>>, vector<512x128xf32>,
    } else {
    }
    return
  }
  func.func @transform_0(%arg0: i32, %arg1: i32) -> (i32, i32) {
    %c0_i32 = arith.constant 0 : i32
    return %arg0, %arg1 : i32, i32
  }
  func.func @transform_1(%arg0: i32, %arg1: i32) -> (i32, i32) {
    %c0_i32 = arith.constant 0 : i32
    %c0_i32_0 = arith.constant 0 : i32
    return %arg1, %c0_i32 : i32, i32
  }
  func.func @transform_2(%arg0: i32, %arg1: i32) -> (i32, i32) {
    %c0_i32 = arith.constant 0 : i32
    %c0_i32_0 = arith.constant 0 : i32
    return %c0_i32, %arg1 : i32, i32
  }
  func.func @transform_3(%arg0: i32, %arg1: i32) -> (i32, i32) {
    %c0_i32 = arith.constant 0 : i32
    %c0_i32_0 = arith.constant 0 : i32
    return %arg0, %c0_i32 : i32, i32
  }
  func.func @transform_4(%arg0: i32, %arg1: i32) -> (i32, i32) {
    %c0_i32 = arith.constant 0 : i32
    %c0_i32_0 = arith.constant 0 : i32
    return %arg0, %c0_i32 : i32, i32
  }
  func.func @transform_5(%arg0: i32, %arg1: i32) -> (i32, i32) {
    %c0_i32 = arith.constant 0 : i32
    return %arg0, %arg1 : i32, i32
  }
}

module attributes {stable_mosaic.version = 14 : i64} {
  func.func @_p2_kernel(%arg0: i32, %arg1: i32, %arg2: memref<512x128xf32, #tpu.memory_space<vmem>>, %arg3: memref<2048x64xf32, #tpu.memory_space<vmem>>, %arg4: memref<512x64xf32, #tpu.memory_space<vmem>>) attributes {dimension_semantics = [#tpu.dimension_semantics<parallel>, #tpu.dimension_semantics<arbitrary>], iteration_bounds = array<i64: 20, 5>, scalar_prefetch = 0 : i64, scratch_operands = 0 : i64, tpu.core_type = #tpu.core_type<tc>, window_params = [{transform_indices = @transform_0, window_bounds = array<i64: 512, 128>}, {transform_indices = @transform_1, window_bounds = array<i64: 2048, 64>}, {transform_indices = @transform_2, window_bounds = array<i64: 512, 64>}]} {
    %get3A = arith.constant 0 : index
    %get3A_0 = arith.constant 0 : index
    %get3A_1 = vector.load %arg2[%get3A, %get3A_0] : memref<512x128xf32, #tpu.memory_space<vmem>>, vector<512x128xf32>
    %broadcast_in_dim3A = arith.constant 0.000000e+00 : f32
    %broadcast_in_dim3A_2 = vector.broadcast %broadcast_in_dim3A : f32 to vector<512x64xf32>
    %mul3A = arith.constant 5.000000e-01 : f32
    %mul3A_3 = vector.broadcast %mul3A : f32 to vector<512x128xf32>
    %mul3A_4 = arith.mulf %get3A_1, %mul3A_3 : vector<512x128xf32>
    %floor3A = math.floor %mul3A_4 : vector<512x128xf32>
    %mul3A_5 = arith.constant 2.000000e+00 : f32
    %mul3A_6 = vector.broadcast %mul3A_5 : f32 to vector<512x128xf32>
    %mul3A_7 = arith.mulf %mul3A_6, %floor3A : vector<512x128xf32>
    %sub3A = arith.subf %get3A_1, %mul3A_7 : vector<512x128xf32>
    %get3A_8 = arith.constant 0 : index
    %get3A_9 = arith.constant 0 : index
    %get3A_10 = vector.load %arg3[%get3A_8, %get3A_9] : memref<2048x64xf32, #tpu.memory_space<vmem>>, vector<128x64xf32>
    %dot_general3A = arith.constant dense<0.000000e+00> : vector<512x64xf32>
    %dot_general3A_11 = tpu.matmul %sub3A, %get3A_10, %dot_general3A {dimension_numbers = #tpu.dot_dimension_numbers<[1], [0], [0], [1], [0, 0, 1, 1], [], []>, transpose_lhs_hint = false} : vector<512x128xf32>, vector<128x64xf32>, vector<512x64xf32> -> vector<512x64xf32>
    %add3A = arith.addf %broadcast_in_dim3A_2, %dot_general3A_11 : vector<512x64xf32>
    %mul3A_12 = arith.constant 5.000000e-01 : f32
    %mul3A_13 = vector.broadcast %mul3A_12 : f32 to vector<512x128xf32>
    %mul3A_14 = arith.mulf %floor3A, %mul3A_13 : vector<512x128xf32>
    %floor3A_15 = math.floor %mul3A_14 : vector<512x128xf32>
    %mul3A_16 = arith.constant 2.000000e+00 : f32
    %mul3A_17 = vector.broadcast %mul3A_16 : f32 to vector<512x128xf32>
    %mul3A_18 = arith.mulf %mul3A_17, %floor3A_15 : vector<512x128xf32>
    %sub3A_19 = arith.subf %floor3A, %mul3A_18 : vector<512x128xf32>
    %get3A_20 = arith.constant 128 : index
    %get3A_21 = arith.constant 0 : index
    %get3A_22 = vector.load %arg3[%get3A_20, %get3A_21] : memref<2048x64xf32, #tpu.memory_space<vmem>>, vector<128x64xf32>
    %dot_general3A_23 = arith.constant dense<0.000000e+00> : vector<512x64xf32>
    %dot_general3A_24 = tpu.matmul %sub3A_19, %get3A_22, %dot_general3A_23 {dimension_numbers = #tpu.dot_dimension_numbers<[1], [0], [0], [1], [0, 0, 1, 1], [], []>, transpose_lhs_hint = false} : vector<512x128xf32>, vector<128x64xf32>, vector<512x64xf32> -> vector<512x64xf32>
    %add3A_25 = arith.addf %add3A, %dot_general3A_24 : vector<512x64xf32>
    %mul3A_26 = arith.constant 5.000000e-01 : f32
    %mul3A_27 = vector.broadcast %mul3A_26 : f32 to vector<512x128xf32>
    %mul3A_28 = arith.mulf %floor3A_15, %mul3A_27 : vector<512x128xf32>
    %floor3A_29 = math.floor %mul3A_28 : vector<512x128xf32>
    %mul3A_30 = arith.constant 2.000000e+00 : f32
    %mul3A_31 = vector.broadcast %mul3A_30 : f32 to vector<512x128xf32>
    %mul3A_32 = arith.mulf %mul3A_31, %floor3A_29 : vector<512x128xf32>
    %sub3A_33 = arith.subf %floor3A_15, %mul3A_32 : vector<512x128xf32>
    %get3A_34 = arith.constant 256 : index
    %get3A_35 = arith.constant 0 : index
    %get3A_36 = vector.load %arg3[%get3A_34, %get3A_35] : memref<2048x64xf32, #tpu.memory_space<vmem>>, vector<128x64xf32>
    %dot_general3A_37 = arith.constant dense<0.000000e+00> : vector<512x64xf32>
    %dot_general3A_38 = tpu.matmul %sub3A_33, %get3A_36, %dot_general3A_37 {dimension_numbers = #tpu.dot_dimension_numbers<[1], [0], [0], [1], [0, 0, 1, 1], [], []>, transpose_lhs_hint = false} : vector<512x128xf32>, vector<128x64xf32>, vector<512x64xf32> -> vector<512x64xf32>
    %add3A_39 = arith.addf %add3A_25, %dot_general3A_38 : vector<512x64xf32>
    %mul3A_40 = arith.constant 5.000000e-01 : f32
    %mul3A_41 = vector.broadcast %mul3A_40 : f32 to vector<512x128xf32>
    %mul3A_42 = arith.mulf %floor3A_29, %mul3A_41 : vector<512x128xf32>
    %floor3A_43 = math.floor %mul3A_42 : vector<512x128xf32>
    %mul3A_44 = arith.constant 2.000000e+00 : f32
    %mul3A_45 = vector.broadcast %mul3A_44 : f32 to vector<512x128xf32>
    %mul3A_46 = arith.mulf %mul3A_45, %floor3A_43 : vector<512x128xf32>
    %sub3A_47 = arith.subf %floor3A_29, %mul3A_46 : vector<512x128xf32>
    %get3A_48 = arith.constant 384 : index
    %get3A_49 = arith.constant 0 : index
    %get3A_50 = vector.load %arg3[%get3A_48, %get3A_49] : memref<2048x64xf32, #tpu.memory_space<vmem>>, vector<128x64xf32>
    %dot_general3A_51 = arith.constant dense<0.000000e+00> : vector<512x64xf32>
    %dot_general3A_52 = tpu.matmul %sub3A_47, %get3A_50, %dot_general3A_51 {dimension_numbers = #tpu.dot_dimension_numbers<[1], [0], [0], [1], [0, 0, 1, 1], [], []>, transpose_lhs_hint = false} : vector<512x128xf32>, vector<128x64xf32>, vector<512x64xf32> -> vector<512x64xf32>
    %add3A_53 = arith.addf %add3A_39, %dot_general3A_52 : vector<512x64xf32>
    %mul3A_54 = arith.constant 5.000000e-01 : f32
    %mul3A_55 = vector.broadcast %mul3A_54 : f32 to vector<512x128xf32>
    %mul3A_56 = arith.mulf %floor3A_43, %mul3A_55 : vector<512x128xf32>
    %floor3A_57 = math.floor %mul3A_56 : vector<512x128xf32>
    %mul3A_58 = arith.constant 2.000000e+00 : f32
    %mul3A_59 = vector.broadcast %mul3A_58 : f32 to vector<512x128xf32>
    %mul3A_60 = arith.mulf %mul3A_59, %floor3A_57 : vector<512x128xf32>
    %sub3A_61 = arith.subf %floor3A_43, %mul3A_60 : vector<512x128xf32>
    %get3A_62 = arith.constant 512 : index
    %get3A_63 = arith.constant 0 : index
    %get3A_64 = vector.load %arg3[%get3A_62, %get3A_63] : memref<2048x64xf32, #tpu.memory_space<vmem>>, vector<128x64xf32>
    %dot_general3A_65 = arith.constant dense<0.000000e+00> : vector<512x64xf32>
    %dot_general3A_66 = tpu.matmul %sub3A_61, %get3A_64, %dot_general3A_65 {dimension_numbers = #tpu.dot_dimension_numbers<[1], [0], [0], [1], [0, 0, 1, 1], [], []>, transpose_lhs_hint = false} : vector<512x128xf32>, vector<128x64xf32>, vector<512x64xf32> -> vector<512x64xf32>
    %add3A_67 = arith.addf %add3A_53, %dot_general3A_66 : vector<512x64xf32>
    %mul3A_68 = arith.constant 5.000000e-01 : f32
    %mul3A_69 = vector.broadcast %mul3A_68 : f32 to vector<512x128xf32>
    %mul3A_70 = arith.mulf %floor3A_57, %mul3A_69 : vector<512x128xf32>
    %floor3A_71 = math.floor %mul3A_70 : vector<512x128xf32>
    %mul3A_72 = arith.constant 2.000000e+00 : f32
    %mul3A_73 = vector.broadcast %mul3A_72 : f32 to vector<512x128xf32>
    %mul3A_74 = arith.mulf %mul3A_73, %floor3A_71 : vector<512x128xf32>
    %sub3A_75 = arith.subf %floor3A_57, %mul3A_74 : vector<512x128xf32>
    %get3A_76 = arith.constant 640 : index
    %get3A_77 = arith.constant 0 : index
    %get3A_78 = vector.load %arg3[%get3A_76, %get3A_77] : memref<2048x64xf32, #tpu.memory_space<vmem>>, vector<128x64xf32>
    %dot_general3A_79 = arith.constant dense<0.000000e+00> : vector<512x64xf32>
    %dot_general3A_80 = tpu.matmul %sub3A_75, %get3A_78, %dot_general3A_79 {dimension_numbers = #tpu.dot_dimension_numbers<[1], [0], [0], [1], [0, 0, 1, 1], [], []>, transpose_lhs_hint = false} : vector<512x128xf32>, vector<128x64xf32>, vector<512x64xf32> -> vector<512x64xf32>
    %add3A_81 = arith.addf %add3A_67, %dot_general3A_80 : vector<512x64xf32>
    %mul3A_82 = arith.constant 5.000000e-01 : f32
    %mul3A_83 = vector.broadcast %mul3A_82 : f32 to vector<512x128xf32>
    %mul3A_84 = arith.mulf %floor3A_71, %mul3A_83 : vector<512x128xf32>
    %floor3A_85 = math.floor %mul3A_84 : vector<512x128xf32>
    %mul3A_86 = arith.constant 2.000000e+00 : f32
    %mul3A_87 = vector.broadcast %mul3A_86 : f32 to vector<512x128xf32>
    %mul3A_88 = arith.mulf %mul3A_87, %floor3A_85 : vector<512x128xf32>
    %sub3A_89 = arith.subf %floor3A_71, %mul3A_88 : vector<512x128xf32>
    %get3A_90 = arith.constant 768 : index
    %get3A_91 = arith.constant 0 : index
    %get3A_92 = vector.load %arg3[%get3A_90, %get3A_91] : memref<2048x64xf32, #tpu.memory_space<vmem>>, vector<128x64xf32>
    %dot_general3A_93 = arith.constant dense<0.000000e+00> : vector<512x64xf32>
    %dot_general3A_94 = tpu.matmul %sub3A_89, %get3A_92, %dot_general3A_93 {dimension_numbers = #tpu.dot_dimension_numbers<[1], [0], [0], [1], [0, 0, 1, 1], [], []>, transpose_lhs_hint = false} : vector<512x128xf32>, vector<128x64xf32>, vector<512x64xf32> -> vector<512x64xf32>
    %add3A_95 = arith.addf %add3A_81, %dot_general3A_94 : vector<512x64xf32>
    %mul3A_96 = arith.constant 5.000000e-01 : f32
    %mul3A_97 = vector.broadcast %mul3A_96 : f32 to vector<512x128xf32>
    %mul3A_98 = arith.mulf %floor3A_85, %mul3A_97 : vector<512x128xf32>
    %floor3A_99 = math.floor %mul3A_98 : vector<512x128xf32>
    %mul3A_100 = arith.constant 2.000000e+00 : f32
    %mul3A_101 = vector.broadcast %mul3A_100 : f32 to vector<512x128xf32>
    %mul3A_102 = arith.mulf %mul3A_101, %floor3A_99 : vector<512x128xf32>
    %sub3A_103 = arith.subf %floor3A_85, %mul3A_102 : vector<512x128xf32>
    %get3A_104 = arith.constant 896 : index
    %get3A_105 = arith.constant 0 : index
    %get3A_106 = vector.load %arg3[%get3A_104, %get3A_105] : memref<2048x64xf32, #tpu.memory_space<vmem>>, vector<128x64xf32>
    %dot_general3A_107 = arith.constant dense<0.000000e+00> : vector<512x64xf32>
    %dot_general3A_108 = tpu.matmul %sub3A_103, %get3A_106, %dot_general3A_107 {dimension_numbers = #tpu.dot_dimension_numbers<[1], [0], [0], [1], [0, 0, 1, 1], [], []>, transpose_lhs_hint = false} : vector<512x128xf32>, vector<128x64xf32>, vector<512x64xf32> -> vector<512x64xf32>
    %add3A_109 = arith.addf %add3A_95, %dot_general3A_108 : vector<512x64xf32>
    %mul3A_110 = arith.constant 5.000000e-01 : f32
    %mul3A_111 = vector.broadcast %mul3A_110 : f32 to vector<512x128xf32>
    %mul3A_112 = arith.mulf %floor3A_99, %mul3A_111 : vector<512x128xf32>
    %floor3A_113 = math.floor %mul3A_112 : vector<512x128xf32>
    %mul3A_114 = arith.constant 2.000000e+00 : f32
    %mul3A_115 = vector.broadcast %mul3A_114 : f32 to vector<512x128xf32>
    %mul3A_116 = arith.mulf %mul3A_115, %floor3A_113 : vector<512x128xf32>
    %sub3A_117 = arith.subf %floor3A_99, %mul3A_116 : vector<512x128xf32>
    %get3A_118 = arith.constant 1024 : index
    %get3A_119 = arith.constant 0 : index
    %get3A_120 = vector.load %arg3[%get3A_118, %get3A_119] : memref<2048x64xf32, #tpu.memory_space<vmem>>, vector<128x64xf32>
    %dot_general3A_121 = arith.constant dense<0.000000e+00> : vector<512x64xf32>
    %dot_general3A_122 = tpu.matmul %sub3A_117, %get3A_120, %dot_general3A_121 {dimension_numbers = #tpu.dot_dimension_numbers<[1], [0], [0], [1], [0, 0, 1, 1], [], []>, transpose_lhs_hint = false} : vector<512x128xf32>, vector<128x64xf32>, vector<512x64xf32> -> vector<512x64xf32>
    %add3A_123 = arith.addf %add3A_109, %dot_general3A_122 : vector<512x64xf32>
    %mul3A_124 = arith.constant 5.000000e-01 : f32
    %mul3A_125 = vector.broadcast %mul3A_124 : f32 to vector<512x128xf32>
    %mul3A_126 = arith.mulf %floor3A_113, %mul3A_125 : vector<512x128xf32>
    %floor3A_127 = math.floor %mul3A_126 : vector<512x128xf32>
    %mul3A_128 = arith.constant 2.000000e+00 : f32
    %mul3A_129 = vector.broadcast %mul3A_128 : f32 to vector<512x128xf32>
    %mul3A_130 = arith.mulf %mul3A_129, %floor3A_127 : vector<512x128xf32>
    %sub3A_131 = arith.subf %floor3A_113, %mul3A_130 : vector<512x128xf32>
    %get3A_132 = arith.constant 1152 : index
    %get3A_133 = arith.constant 0 : index
    %get3A_134 = vector.load %arg3[%get3A_132, %get3A_133] : memref<2048x64xf32, #tpu.memory_space<vmem>>, vector<128x64xf32>
    %dot_general3A_135 = arith.constant dense<0.000000e+00> : vector<512x64xf32>
    %dot_general3A_136 = tpu.matmul %sub3A_131, %get3A_134, %dot_general3A_135 {dimension_numbers = #tpu.dot_dimension_numbers<[1], [0], [0], [1], [0, 0, 1, 1], [], []>, transpose_lhs_hint = false} : vector<512x128xf32>, vector<128x64xf32>, vector<512x64xf32> -> vector<512x64xf32>
    %add3A_137 = arith.addf %add3A_123, %dot_general3A_136 : vector<512x64xf32>
    %mul3A_138 = arith.constant 5.000000e-01 : f32
    %mul3A_139 = vector.broadcast %mul3A_138 : f32 to vector<512x128xf32>
    %mul3A_140 = arith.mulf %floor3A_127, %mul3A_139 : vector<512x128xf32>
    %floor3A_141 = math.floor %mul3A_140 : vector<512x128xf32>
    %mul3A_142 = arith.constant 2.000000e+00 : f32
    %mul3A_143 = vector.broadcast %mul3A_142 : f32 to vector<512x128xf32>
    %mul3A_144 = arith.mulf %mul3A_143, %floor3A_141 : vector<512x128xf32>
    %sub3A_145 = arith.subf %floor3A_127, %mul3A_144 : vector<512x128xf32>
    %get3A_146 = arith.constant 1280 : index
    %get3A_147 = arith.constant 0 : index
    %get3A_148 = vector.load %arg3[%get3A_146, %get3A_147] : memref<2048x64xf32, #tpu.memory_space<vmem>>, vector<128x64xf32>
    %dot_general3A_149 = arith.constant dense<0.000000e+00> : vector<512x64xf32>
    %dot_general3A_150 = tpu.matmul %sub3A_145, %get3A_148, %dot_general3A_149 {dimension_numbers = #tpu.dot_dimension_numbers<[1], [0], [0], [1], [0, 0, 1, 1], [], []>, transpose_lhs_hint = false} : vector<512x128xf32>, vector<128x64xf32>, vector<512x64xf32> -> vector<512x64xf32>
    %add3A_151 = arith.addf %add3A_137, %dot_general3A_150 : vector<512x64xf32>
    %mul3A_152 = arith.constant 5.000000e-01 : f32
    %mul3A_153 = vector.broadcast %mul3A_152 : f32 to vector<512x128xf32>
    %mul3A_154 = arith.mulf %floor3A_141, %mul3A_153 : vector<512x128xf32>
    %floor3A_155 = math.floor %mul3A_154 : vector<512x128xf32>
    %mul3A_156 = arith.constant 2.000000e+00 : f32
    %mul3A_157 = vector.broadcast %mul3A_156 : f32 to vector<512x128xf32>
    %mul3A_158 = arith.mulf %mul3A_157, %floor3A_155 : vector<512x128xf32>
    %sub3A_159 = arith.subf %floor3A_141, %mul3A_158 : vector<512x128xf32>
    %get3A_160 = arith.constant 1408 : index
    %get3A_161 = arith.constant 0 : index
    %get3A_162 = vector.load %arg3[%get3A_160, %get3A_161] : memref<2048x64xf32, #tpu.memory_space<vmem>>, vector<128x64xf32>
    %dot_general3A_163 = arith.constant dense<0.000000e+00> : vector<512x64xf32>
    %dot_general3A_164 = tpu.matmul %sub3A_159, %get3A_162, %dot_general3A_163 {dimension_numbers = #tpu.dot_dimension_numbers<[1], [0], [0], [1], [0, 0, 1, 1], [], []>, transpose_lhs_hint = false} : vector<512x128xf32>, vector<128x64xf32>, vector<512x64xf32> -> vector<512x64xf32>
    %add3A_165 = arith.addf %add3A_151, %dot_general3A_164 : vector<512x64xf32>
    %mul3A_166 = arith.constant 5.000000e-01 : f32
    %mul3A_167 = vector.broadcast %mul3A_166 : f32 to vector<512x128xf32>
    %mul3A_168 = arith.mulf %floor3A_155, %mul3A_167 : vector<512x128xf32>
    %floor3A_169 = math.floor %mul3A_168 : vector<512x128xf32>
    %mul3A_170 = arith.constant 2.000000e+00 : f32
    %mul3A_171 = vector.broadcast %mul3A_170 : f32 to vector<512x128xf32>
    %mul3A_172 = arith.mulf %mul3A_171, %floor3A_169 : vector<512x128xf32>
    %sub3A_173 = arith.subf %floor3A_155, %mul3A_172 : vector<512x128xf32>
    %get3A_174 = arith.constant 1536 : index
    %get3A_175 = arith.constant 0 : index
    %get3A_176 = vector.load %arg3[%get3A_174, %get3A_175] : memref<2048x64xf32, #tpu.memory_space<vmem>>, vector<128x64xf32>
    %dot_general3A_177 = arith.constant dense<0.000000e+00> : vector<512x64xf32>
    %dot_general3A_178 = tpu.matmul %sub3A_173, %get3A_176, %dot_general3A_177 {dimension_numbers = #tpu.dot_dimension_numbers<[1], [0], [0], [1], [0, 0, 1, 1], [], []>, transpose_lhs_hint = false} : vector<512x128xf32>, vector<128x64xf32>, vector<512x64xf32> -> vector<512x64xf32>
    %add3A_179 = arith.addf %add3A_165, %dot_general3A_178 : vector<512x64xf32>
    %mul3A_180 = arith.constant 5.000000e-01 : f32
    %mul3A_181 = vector.broadcast %mul3A_180 : f32 to vector<512x128xf32>
    %mul3A_182 = arith.mulf %floor3A_169, %mul3A_181 : vector<512x128xf32>
    %floor3A_183 = math.floor %mul3A_182 : vector<512x128xf32>
    %mul3A_184 = arith.constant 2.000000e+00 : f32
    %mul3A_185 = vector.broadcast %mul3A_184 : f32 to vector<512x128xf32>
    %mul3A_186 = arith.mulf %mul3A_185, %floor3A_183 : vector<512x128xf32>
    %sub3A_187 = arith.subf %floor3A_169, %mul3A_186 : vector<512x128xf32>
    %get3A_188 = arith.constant 1664 : index
    %get3A_189 = arith.constant 0 : index
    %get3A_190 = vector.load %arg3[%get3A_188, %get3A_189] : memref<2048x64xf32, #tpu.memory_space<vmem>>, vector<128x64xf32>
    %dot_general3A_191 = arith.constant dense<0.000000e+00> : vector<512x64xf32>
    %dot_general3A_192 = tpu.matmul %sub3A_187, %get3A_190, %dot_general3A_191 {dimension_numbers = #tpu.dot_dimension_numbers<[1], [0], [0], [1], [0, 0, 1, 1], [], []>, transpose_lhs_hint = false} : vector<512x128xf32>, vector<128x64xf32>, vector<512x64xf32> -> vector<512x64xf32>
    %add3A_193 = arith.addf %add3A_179, %dot_general3A_192 : vector<512x64xf32>
    %mul3A_194 = arith.constant 5.000000e-01 : f32
    %mul3A_195 = vector.broadcast %mul3A_194 : f32 to vector<512x128xf32>
    %mul3A_196 = arith.mulf %floor3A_183, %mul3A_195 : vector<512x128xf32>
    %floor3A_197 = math.floor %mul3A_196 : vector<512x128xf32>
    %mul3A_198 = arith.constant 2.000000e+00 : f32
    %mul3A_199 = vector.broadcast %mul3A_198 : f32 to vector<512x128xf32>
    %mul3A_200 = arith.mulf %mul3A_199, %floor3A_197 : vector<512x128xf32>
    %sub3A_201 = arith.subf %floor3A_183, %mul3A_200 : vector<512x128xf32>
    %get3A_202 = arith.constant 1792 : index
    %get3A_203 = arith.constant 0 : index
    %get3A_204 = vector.load %arg3[%get3A_202, %get3A_203] : memref<2048x64xf32, #tpu.memory_space<vmem>>, vector<128x64xf32>
    %dot_general3A_205 = arith.constant dense<0.000000e+00> : vector<512x64xf32>
    %dot_general3A_206 = tpu.matmul %sub3A_201, %get3A_204, %dot_general3A_205 {dimension_numbers = #tpu.dot_dimension_numbers<[1], [0], [0], [1], [0, 0, 1, 1], [], []>, transpose_lhs_hint = false} : vector<512x128xf32>, vector<128x64xf32>, vector<512x64xf32> -> vector<512x64xf32>
    %add3A_207 = arith.addf %add3A_193, %dot_general3A_206 : vector<512x64xf32>
    %mul3A_208 = arith.constant 5.000000e-01 : f32
    %mul3A_209 = vector.broadcast %mul3A_208 : f32 to vector<512x128xf32>
    %mul3A_210 = arith.mulf %floor3A_197, %mul3A_209 : vector<512x128xf32>
    %floor3A_211 = math.floor %mul3A_210 : vector<512x128xf32>
    %mul3A_212 = arith.constant 2.000000e+00 : f32
    %mul3A_213 = vector.broadcast %mul3A_212 : f32 to vector<512x128xf32>
    %mul3A_214 = arith.mulf %mul3A_213, %floor3A_211 : vector<512x128xf32>
    %sub3A_215 = arith.subf %floor3A_197, %mul3A_214 : vector<512x128xf32>
    %get3A_216 = arith.constant 1920 : index
    %get3A_217 = arith.constant 0 : index
    %get3A_218 = vector.load %arg3[%get3A_216, %get3A_217] : memref<2048x64xf32, #tpu.memory_space<vmem>>, vector<128x64xf32>
    %dot_general3A_219 = arith.constant dense<0.000000e+00> : vector<512x64xf32>
    %dot_general3A_220 = tpu.matmul %sub3A_215, %get3A_218, %dot_general3A_219 {dimension_numbers = #tpu.dot_dimension_numbers<[1], [0], [0], [1], [0, 0, 1, 1], [], []>, transpose_lhs_hint = false} : vector<512x128xf32>, vector<128x64xf32>, vector<512x64xf32> -> vector<512x64xf32>
    %add3A_221 = arith.addf %add3A_207, %dot_general3A_220 : vector<512x64xf32>
    %eq3A = arith.constant 0 : i32
    %eq3A_222 = arith.cmpi eq, %arg1, %eq3A : i32
    %convert_element_type3A = arith.extui %eq3A_222 : i1 to i32
    %cond3A = arith.constant 0 : i32
    %cond3A_223 = arith.cmpi ne, %convert_element_type3A, %cond3A : i32
    scf.if %cond3A_223 {
      %swap3A = arith.constant 0 : index
      %swap3A_228 = arith.constant 0 : index
      %swap3A_229 = vector.load %arg4[%swap3A, %swap3A_228] : memref<512x64xf32, #tpu.memory_space<vmem>>, vector<512x64xf32>
      tpu.vector_store %arg4[%swap3A, %swap3A_228], %add3A_221 {strides = array<i32>} : memref<512x64xf32, #tpu.memory_space<vmem>>, vector<512x64xf32>,
    } else {
    }
    %gt3A = arith.constant 0 : i32
    %gt3A_224 = arith.cmpi sgt, %arg1, %gt3A : i32
    %convert_element_type3A_225 = arith.extui %gt3A_224 : i1 to i32
    %cond3A_226 = arith.constant 0 : i32
    %cond3A_227 = arith.cmpi ne, %convert_element_type3A_225, %cond3A_226 : i32
    scf.if %cond3A_227 {
      %get3A_228 = arith.constant 0 : index
      %get3A_229 = arith.constant 0 : index
      %get3A_230 = vector.load %arg4[%get3A_228, %get3A_229] : memref<512x64xf32, #tpu.memory_space<vmem>>, vector<512x64xf32>
      %add3A_231 = arith.addf %get3A_230, %add3A_221 : vector<512x64xf32>
      %swap3A = arith.constant 0 : index
      %swap3A_232 = arith.constant 0 : index
      %swap3A_233 = vector.load %arg4[%swap3A, %swap3A_232] : memref<512x64xf32, #tpu.memory_space<vmem>>, vector<512x64xf32>
      tpu.vector_store %arg4[%swap3A, %swap3A_232], %add3A_231 {strides = array<i32>} : memref<512x64xf32, #tpu.memory_space<vmem>>, vector<512x64xf32>,
    } else {
    }
    return
  }
  func.func @transform_0(%arg0: i32, %arg1: i32) -> (i32, i32) {
    %c0_i32 = arith.constant 0 : i32
    return %arg0, %arg1 : i32, i32
  }
  func.func @transform_1(%arg0: i32, %arg1: i32) -> (i32, i32) {
    %c0_i32 = arith.constant 0 : i32
    %c0_i32_0 = arith.constant 0 : i32
    return %arg1, %c0_i32 : i32, i32
  }
  func.func @transform_2(%arg0: i32, %arg1: i32) -> (i32, i32) {
    %c0_i32 = arith.constant 0 : i32
    %c0_i32_0 = arith.constant 0 : i32
    return %arg0, %c0_i32 : i32, i32
  }
}

module attributes {stable_mosaic.version = 14 : i64} {
  func.func @_f2_kernel(%arg0: i32, %arg1: i32, %arg2: memref<512x1xf32, #tpu.memory_space<vmem>>, %arg3: memref<512x1xf32, #tpu.memory_space<vmem>>, %arg4: memref<512x128xf32, #tpu.memory_space<vmem>>, %arg5: memref<1x2048xf32, #tpu.memory_space<vmem>>, %arg6: memref<1x2048xf32, #tpu.memory_space<vmem>>, %arg7: memref<1x2048xf32, #tpu.memory_space<vmem>>, %arg8: memref<2048x64xf32, #tpu.memory_space<vmem>>, %arg9: memref<512x128xf32, #tpu.memory_space<vmem>>) attributes {dimension_semantics = [#tpu.dimension_semantics<parallel>, #tpu.dimension_semantics<arbitrary>], iteration_bounds = array<i64: 10, 5>, scalar_prefetch = 0 : i64, scratch_operands = 0 : i64, tpu.core_type = #tpu.core_type<tc>, window_params = [{transform_indices = @transform_0, window_bounds = array<i64: 512, 1>}, {transform_indices = @transform_1, window_bounds = array<i64: 512, 1>}, {transform_indices = @transform_2, window_bounds = array<i64: 512, 128>}, {transform_indices = @transform_3, window_bounds = array<i64: 1, 2048>}, {transform_indices = @transform_4, window_bounds = array<i64: 1, 2048>}, {transform_indices = @transform_5, window_bounds = array<i64: 1, 2048>}, {transform_indices = @transform_6, window_bounds = array<i64: 2048, 64>}, {transform_indices = @transform_7, window_bounds = array<i64: 512, 128>}]} {
    %get3A = arith.constant 0 : index
    %get3A_0 = arith.constant 0 : index
    %get3A_1 = vector.load %arg2[%get3A, %get3A_0] : memref<512x1xf32, #tpu.memory_space<vmem>>, vector<512x1xf32>
    %get3A_2 = arith.constant 0 : index
    %get3A_3 = arith.constant 0 : index
    %get3A_4 = vector.load %arg3[%get3A_2, %get3A_3] : memref<512x1xf32, #tpu.memory_space<vmem>>, vector<512x1xf32>
    %get3A_5 = arith.constant 0 : index
    %get3A_6 = arith.constant 0 : index
    %get3A_7 = vector.load %arg4[%get3A_5, %get3A_6] : memref<512x128xf32, #tpu.memory_space<vmem>>, vector<512x128xf32>
    %broadcast_in_dim3A = arith.constant 0.000000e+00 : f32
    %broadcast_in_dim3A_8 = vector.broadcast %broadcast_in_dim3A : f32 to vector<512x64xf32>
    %broadcast_in_dim3A_9 = arith.constant 0.000000e+00 : f32
    %broadcast_in_dim3A_10 = vector.broadcast %broadcast_in_dim3A_9 : f32 to vector<512x1xf32>
    %mul3A = arith.constant 5.000000e-01 : f32
    %mul3A_11 = vector.broadcast %mul3A : f32 to vector<512x128xf32>
    %mul3A_12 = arith.mulf %get3A_7, %mul3A_11 : vector<512x128xf32>
    %floor3A = math.floor %mul3A_12 : vector<512x128xf32>
    %mul3A_13 = arith.constant 2.000000e+00 : f32
    %mul3A_14 = vector.broadcast %mul3A_13 : f32 to vector<512x128xf32>
    %mul3A_15 = arith.mulf %mul3A_14, %floor3A : vector<512x128xf32>
    %sub3A = arith.subf %get3A_7, %mul3A_15 : vector<512x128xf32>
    %get3A_16 = arith.constant 0 : index
    %get3A_17 = arith.constant 0 : index
    %get3A_18 = vector.load %arg5[%get3A_16, %get3A_17] : memref<1x2048xf32, #tpu.memory_space<vmem>>, vector<1x128xf32>
    %get3A_19 = arith.constant 0 : index
    %get3A_20 = arith.constant 0 : index
    %get3A_21 = vector.load %arg6[%get3A_19, %get3A_20] : memref<1x2048xf32, #tpu.memory_space<vmem>>, vector<1x128xf32>
    %get3A_22 = arith.constant 0 : index
    %get3A_23 = arith.constant 0 : index
    %get3A_24 = vector.load %arg7[%get3A_22, %get3A_23] : memref<1x2048xf32, #tpu.memory_space<vmem>>, vector<1x128xf32>
    %add3A = vector.broadcast %get3A_4 : vector<512x1xf32> to vector<512x128xf32>
    %add3A_25 = vector.broadcast %get3A_21 : vector<1x128xf32> to vector<512x128xf32>
    %add3A_26 = arith.addf %add3A, %add3A_25 : vector<512x128xf32>
    %mul3A_27 = arith.mulf %sub3A, %add3A_26 : vector<512x128xf32>
    %mul3A_28 = arith.constant 5.000000e-01 : f32
    %mul3A_29 = vector.broadcast %mul3A_28 : f32 to vector<512x128xf32>
    %mul3A_30 = arith.mulf %mul3A_27, %mul3A_29 : vector<512x128xf32>
    %add3A_31 = vector.broadcast %get3A_1 : vector<512x1xf32> to vector<512x128xf32>
    %add3A_32 = vector.broadcast %get3A_18 : vector<1x128xf32> to vector<512x128xf32>
    %add3A_33 = arith.addf %add3A_31, %add3A_32 : vector<512x128xf32>
    %max3A = arith.constant 0.000000e+00 : f32
    %max3A_34 = vector.broadcast %max3A : f32 to vector<512x128xf32>
    %max3A_35 = arith.maximumf %add3A_33, %max3A_34 : vector<512x128xf32>
    %add3A_36 = arith.addf %max3A_35, %mul3A_30 : vector<512x128xf32>
    %exp3A = math.exp %add3A_36 : vector<512x128xf32>
    %mul3A_37 = vector.broadcast %get3A_24 : vector<1x128xf32> to vector<512x128xf32>
    %mul3A_38 = arith.mulf %mul3A_37, %exp3A : vector<512x128xf32>
    %get3A_39 = arith.constant 0 : index
    %get3A_40 = arith.constant 0 : index
    %get3A_41 = vector.load %arg8[%get3A_39, %get3A_40] : memref<2048x64xf32, #tpu.memory_space<vmem>>, vector<128x64xf32>
    %dot_general3A = arith.constant dense<0.000000e+00> : vector<512x64xf32>
    %dot_general3A_42 = tpu.matmul %mul3A_38, %get3A_41, %dot_general3A {dimension_numbers = #tpu.dot_dimension_numbers<[1], [0], [0], [1], [0, 0, 1, 1], [], []>, transpose_lhs_hint = false} : vector<512x128xf32>, vector<128x64xf32>, vector<512x64xf32> -> vector<512x64xf32>
    %add3A_43 = arith.addf %broadcast_in_dim3A_8, %dot_general3A_42 : vector<512x64xf32>
    %reduce_sum3A = arith.constant dense<0.000000e+00> : vector<512xf32>
    %reduce_sum3A_44 = vector.multi_reduction <add>, %mul3A_38, %reduce_sum3A [1] : vector<512x128xf32> to vector<512xf32>
    %broadcast_in_dim3A_45 = vector.shape_cast %reduce_sum3A_44 : vector<512xf32> to vector<512x1xf32>
    %add3A_46 = arith.addf %broadcast_in_dim3A_10, %broadcast_in_dim3A_45 : vector<512x1xf32>
    %mul3A_47 = arith.constant 5.000000e-01 : f32
    %mul3A_48 = vector.broadcast %mul3A_47 : f32 to vector<512x128xf32>
    %mul3A_49 = arith.mulf %floor3A, %mul3A_48 : vector<512x128xf32>
    %floor3A_50 = math.floor %mul3A_49 : vector<512x128xf32>
    %mul3A_51 = arith.constant 2.000000e+00 : f32
    %mul3A_52 = vector.broadcast %mul3A_51 : f32 to vector<512x128xf32>
    %mul3A_53 = arith.mulf %mul3A_52, %floor3A_50 : vector<512x128xf32>
    %sub3A_54 = arith.subf %floor3A, %mul3A_53 : vector<512x128xf32>
    %get3A_55 = arith.constant 0 : index
    %get3A_56 = arith.constant 128 : index
    %get3A_57 = vector.load %arg5[%get3A_55, %get3A_56] : memref<1x2048xf32, #tpu.memory_space<vmem>>, vector<1x128xf32>
    %get3A_58 = arith.constant 0 : index
    %get3A_59 = arith.constant 128 : index
    %get3A_60 = vector.load %arg6[%get3A_58, %get3A_59] : memref<1x2048xf32, #tpu.memory_space<vmem>>, vector<1x128xf32>
    %get3A_61 = arith.constant 0 : index
    %get3A_62 = arith.constant 128 : index
    %get3A_63 = vector.load %arg7[%get3A_61, %get3A_62] : memref<1x2048xf32, #tpu.memory_space<vmem>>, vector<1x128xf32>
    %add3A_64 = vector.broadcast %get3A_4 : vector<512x1xf32> to vector<512x128xf32>
    %add3A_65 = vector.broadcast %get3A_60 : vector<1x128xf32> to vector<512x128xf32>
    %add3A_66 = arith.addf %add3A_64, %add3A_65 : vector<512x128xf32>
    %mul3A_67 = arith.mulf %sub3A_54, %add3A_66 : vector<512x128xf32>
    %mul3A_68 = arith.constant 5.000000e-01 : f32
    %mul3A_69 = vector.broadcast %mul3A_68 : f32 to vector<512x128xf32>
    %mul3A_70 = arith.mulf %mul3A_67, %mul3A_69 : vector<512x128xf32>
    %add3A_71 = vector.broadcast %get3A_1 : vector<512x1xf32> to vector<512x128xf32>
    %add3A_72 = vector.broadcast %get3A_57 : vector<1x128xf32> to vector<512x128xf32>
    %add3A_73 = arith.addf %add3A_71, %add3A_72 : vector<512x128xf32>
    %max3A_74 = arith.constant 0.000000e+00 : f32
    %max3A_75 = vector.broadcast %max3A_74 : f32 to vector<512x128xf32>
    %max3A_76 = arith.maximumf %add3A_73, %max3A_75 : vector<512x128xf32>
    %add3A_77 = arith.addf %max3A_76, %mul3A_70 : vector<512x128xf32>
    %exp3A_78 = math.exp %add3A_77 : vector<512x128xf32>
    %mul3A_79 = vector.broadcast %get3A_63 : vector<1x128xf32> to vector<512x128xf32>
    %mul3A_80 = arith.mulf %mul3A_79, %exp3A_78 : vector<512x128xf32>
    %get3A_81 = arith.constant 128 : index
    %get3A_82 = arith.constant 0 : index
    %get3A_83 = vector.load %arg8[%get3A_81, %get3A_82] : memref<2048x64xf32, #tpu.memory_space<vmem>>, vector<128x64xf32>
    %dot_general3A_84 = arith.constant dense<0.000000e+00> : vector<512x64xf32>
    %dot_general3A_85 = tpu.matmul %mul3A_80, %get3A_83, %dot_general3A_84 {dimension_numbers = #tpu.dot_dimension_numbers<[1], [0], [0], [1], [0, 0, 1, 1], [], []>, transpose_lhs_hint = false} : vector<512x128xf32>, vector<128x64xf32>, vector<512x64xf32> -> vector<512x64xf32>
    %add3A_86 = arith.addf %add3A_43, %dot_general3A_85 : vector<512x64xf32>
    %reduce_sum3A_87 = arith.constant dense<0.000000e+00> : vector<512xf32>
    %reduce_sum3A_88 = vector.multi_reduction <add>, %mul3A_80, %reduce_sum3A_87 [1] : vector<512x128xf32> to vector<512xf32>
    %broadcast_in_dim3A_89 = vector.shape_cast %reduce_sum3A_88 : vector<512xf32> to vector<512x1xf32>
    %add3A_90 = arith.addf %add3A_46, %broadcast_in_dim3A_89 : vector<512x1xf32>
    %mul3A_91 = arith.constant 5.000000e-01 : f32
    %mul3A_92 = vector.broadcast %mul3A_91 : f32 to vector<512x128xf32>
    %mul3A_93 = arith.mulf %floor3A_50, %mul3A_92 : vector<512x128xf32>
    %floor3A_94 = math.floor %mul3A_93 : vector<512x128xf32>
    %mul3A_95 = arith.constant 2.000000e+00 : f32
    %mul3A_96 = vector.broadcast %mul3A_95 : f32 to vector<512x128xf32>
    %mul3A_97 = arith.mulf %mul3A_96, %floor3A_94 : vector<512x128xf32>
    %sub3A_98 = arith.subf %floor3A_50, %mul3A_97 : vector<512x128xf32>
    %get3A_99 = arith.constant 0 : index
    %get3A_100 = arith.constant 256 : index
    %get3A_101 = vector.load %arg5[%get3A_99, %get3A_100] : memref<1x2048xf32, #tpu.memory_space<vmem>>, vector<1x128xf32>
    %get3A_102 = arith.constant 0 : index
    %get3A_103 = arith.constant 256 : index
    %get3A_104 = vector.load %arg6[%get3A_102, %get3A_103] : memref<1x2048xf32, #tpu.memory_space<vmem>>, vector<1x128xf32>
    %get3A_105 = arith.constant 0 : index
    %get3A_106 = arith.constant 256 : index
    %get3A_107 = vector.load %arg7[%get3A_105, %get3A_106] : memref<1x2048xf32, #tpu.memory_space<vmem>>, vector<1x128xf32>
    %add3A_108 = vector.broadcast %get3A_4 : vector<512x1xf32> to vector<512x128xf32>
    %add3A_109 = vector.broadcast %get3A_104 : vector<1x128xf32> to vector<512x128xf32>
    %add3A_110 = arith.addf %add3A_108, %add3A_109 : vector<512x128xf32>
    %mul3A_111 = arith.mulf %sub3A_98, %add3A_110 : vector<512x128xf32>
    %mul3A_112 = arith.constant 5.000000e-01 : f32
    %mul3A_113 = vector.broadcast %mul3A_112 : f32 to vector<512x128xf32>
    %mul3A_114 = arith.mulf %mul3A_111, %mul3A_113 : vector<512x128xf32>
    %add3A_115 = vector.broadcast %get3A_1 : vector<512x1xf32> to vector<512x128xf32>
    %add3A_116 = vector.broadcast %get3A_101 : vector<1x128xf32> to vector<512x128xf32>
    %add3A_117 = arith.addf %add3A_115, %add3A_116 : vector<512x128xf32>
    %max3A_118 = arith.constant 0.000000e+00 : f32
    %max3A_119 = vector.broadcast %max3A_118 : f32 to vector<512x128xf32>
    %max3A_120 = arith.maximumf %add3A_117, %max3A_119 : vector<512x128xf32>
    %add3A_121 = arith.addf %max3A_120, %mul3A_114 : vector<512x128xf32>
    %exp3A_122 = math.exp %add3A_121 : vector<512x128xf32>
    %mul3A_123 = vector.broadcast %get3A_107 : vector<1x128xf32> to vector<512x128xf32>
    %mul3A_124 = arith.mulf %mul3A_123, %exp3A_122 : vector<512x128xf32>
    %get3A_125 = arith.constant 256 : index
    %get3A_126 = arith.constant 0 : index
    %get3A_127 = vector.load %arg8[%get3A_125, %get3A_126] : memref<2048x64xf32, #tpu.memory_space<vmem>>, vector<128x64xf32>
    %dot_general3A_128 = arith.constant dense<0.000000e+00> : vector<512x64xf32>
    %dot_general3A_129 = tpu.matmul %mul3A_124, %get3A_127, %dot_general3A_128 {dimension_numbers = #tpu.dot_dimension_numbers<[1], [0], [0], [1], [0, 0, 1, 1], [], []>, transpose_lhs_hint = false} : vector<512x128xf32>, vector<128x64xf32>, vector<512x64xf32> -> vector<512x64xf32>
    %add3A_130 = arith.addf %add3A_86, %dot_general3A_129 : vector<512x64xf32>
    %reduce_sum3A_131 = arith.constant dense<0.000000e+00> : vector<512xf32>
    %reduce_sum3A_132 = vector.multi_reduction <add>, %mul3A_124, %reduce_sum3A_131 [1] : vector<512x128xf32> to vector<512xf32>
    %broadcast_in_dim3A_133 = vector.shape_cast %reduce_sum3A_132 : vector<512xf32> to vector<512x1xf32>
    %add3A_134 = arith.addf %add3A_90, %broadcast_in_dim3A_133 : vector<512x1xf32>
    %mul3A_135 = arith.constant 5.000000e-01 : f32
    %mul3A_136 = vector.broadcast %mul3A_135 : f32 to vector<512x128xf32>
    %mul3A_137 = arith.mulf %floor3A_94, %mul3A_136 : vector<512x128xf32>
    %floor3A_138 = math.floor %mul3A_137 : vector<512x128xf32>
    %mul3A_139 = arith.constant 2.000000e+00 : f32
    %mul3A_140 = vector.broadcast %mul3A_139 : f32 to vector<512x128xf32>
    %mul3A_141 = arith.mulf %mul3A_140, %floor3A_138 : vector<512x128xf32>
    %sub3A_142 = arith.subf %floor3A_94, %mul3A_141 : vector<512x128xf32>
    %get3A_143 = arith.constant 0 : index
    %get3A_144 = arith.constant 384 : index
    %get3A_145 = vector.load %arg5[%get3A_143, %get3A_144] : memref<1x2048xf32, #tpu.memory_space<vmem>>, vector<1x128xf32>
    %get3A_146 = arith.constant 0 : index
    %get3A_147 = arith.constant 384 : index
    %get3A_148 = vector.load %arg6[%get3A_146, %get3A_147] : memref<1x2048xf32, #tpu.memory_space<vmem>>, vector<1x128xf32>
    %get3A_149 = arith.constant 0 : index
    %get3A_150 = arith.constant 384 : index
    %get3A_151 = vector.load %arg7[%get3A_149, %get3A_150] : memref<1x2048xf32, #tpu.memory_space<vmem>>, vector<1x128xf32>
    %add3A_152 = vector.broadcast %get3A_4 : vector<512x1xf32> to vector<512x128xf32>
    %add3A_153 = vector.broadcast %get3A_148 : vector<1x128xf32> to vector<512x128xf32>
    %add3A_154 = arith.addf %add3A_152, %add3A_153 : vector<512x128xf32>
    %mul3A_155 = arith.mulf %sub3A_142, %add3A_154 : vector<512x128xf32>
    %mul3A_156 = arith.constant 5.000000e-01 : f32
    %mul3A_157 = vector.broadcast %mul3A_156 : f32 to vector<512x128xf32>
    %mul3A_158 = arith.mulf %mul3A_155, %mul3A_157 : vector<512x128xf32>
    %add3A_159 = vector.broadcast %get3A_1 : vector<512x1xf32> to vector<512x128xf32>
    %add3A_160 = vector.broadcast %get3A_145 : vector<1x128xf32> to vector<512x128xf32>
    %add3A_161 = arith.addf %add3A_159, %add3A_160 : vector<512x128xf32>
    %max3A_162 = arith.constant 0.000000e+00 : f32
    %max3A_163 = vector.broadcast %max3A_162 : f32 to vector<512x128xf32>
    %max3A_164 = arith.maximumf %add3A_161, %max3A_163 : vector<512x128xf32>
    %add3A_165 = arith.addf %max3A_164, %mul3A_158 : vector<512x128xf32>
    %exp3A_166 = math.exp %add3A_165 : vector<512x128xf32>
    %mul3A_167 = vector.broadcast %get3A_151 : vector<1x128xf32> to vector<512x128xf32>
    %mul3A_168 = arith.mulf %mul3A_167, %exp3A_166 : vector<512x128xf32>
    %get3A_169 = arith.constant 384 : index
    %get3A_170 = arith.constant 0 : index
    %get3A_171 = vector.load %arg8[%get3A_169, %get3A_170] : memref<2048x64xf32, #tpu.memory_space<vmem>>, vector<128x64xf32>
    %dot_general3A_172 = arith.constant dense<0.000000e+00> : vector<512x64xf32>
    %dot_general3A_173 = tpu.matmul %mul3A_168, %get3A_171, %dot_general3A_172 {dimension_numbers = #tpu.dot_dimension_numbers<[1], [0], [0], [1], [0, 0, 1, 1], [], []>, transpose_lhs_hint = false} : vector<512x128xf32>, vector<128x64xf32>, vector<512x64xf32> -> vector<512x64xf32>
    %add3A_174 = arith.addf %add3A_130, %dot_general3A_173 : vector<512x64xf32>
    %reduce_sum3A_175 = arith.constant dense<0.000000e+00> : vector<512xf32>
    %reduce_sum3A_176 = vector.multi_reduction <add>, %mul3A_168, %reduce_sum3A_175 [1] : vector<512x128xf32> to vector<512xf32>
    %broadcast_in_dim3A_177 = vector.shape_cast %reduce_sum3A_176 : vector<512xf32> to vector<512x1xf32>
    %add3A_178 = arith.addf %add3A_134, %broadcast_in_dim3A_177 : vector<512x1xf32>
    %mul3A_179 = arith.constant 5.000000e-01 : f32
    %mul3A_180 = vector.broadcast %mul3A_179 : f32 to vector<512x128xf32>
    %mul3A_181 = arith.mulf %floor3A_138, %mul3A_180 : vector<512x128xf32>
    %floor3A_182 = math.floor %mul3A_181 : vector<512x128xf32>
    %mul3A_183 = arith.constant 2.000000e+00 : f32
    %mul3A_184 = vector.broadcast %mul3A_183 : f32 to vector<512x128xf32>
    %mul3A_185 = arith.mulf %mul3A_184, %floor3A_182 : vector<512x128xf32>
    %sub3A_186 = arith.subf %floor3A_138, %mul3A_185 : vector<512x128xf32>
    %get3A_187 = arith.constant 0 : index
    %get3A_188 = arith.constant 512 : index
    %get3A_189 = vector.load %arg5[%get3A_187, %get3A_188] : memref<1x2048xf32, #tpu.memory_space<vmem>>, vector<1x128xf32>
    %get3A_190 = arith.constant 0 : index
    %get3A_191 = arith.constant 512 : index
    %get3A_192 = vector.load %arg6[%get3A_190, %get3A_191] : memref<1x2048xf32, #tpu.memory_space<vmem>>, vector<1x128xf32>
    %get3A_193 = arith.constant 0 : index
    %get3A_194 = arith.constant 512 : index
    %get3A_195 = vector.load %arg7[%get3A_193, %get3A_194] : memref<1x2048xf32, #tpu.memory_space<vmem>>, vector<1x128xf32>
    %add3A_196 = vector.broadcast %get3A_4 : vector<512x1xf32> to vector<512x128xf32>
    %add3A_197 = vector.broadcast %get3A_192 : vector<1x128xf32> to vector<512x128xf32>
    %add3A_198 = arith.addf %add3A_196, %add3A_197 : vector<512x128xf32>
    %mul3A_199 = arith.mulf %sub3A_186, %add3A_198 : vector<512x128xf32>
    %mul3A_200 = arith.constant 5.000000e-01 : f32
    %mul3A_201 = vector.broadcast %mul3A_200 : f32 to vector<512x128xf32>
    %mul3A_202 = arith.mulf %mul3A_199, %mul3A_201 : vector<512x128xf32>
    %add3A_203 = vector.broadcast %get3A_1 : vector<512x1xf32> to vector<512x128xf32>
    %add3A_204 = vector.broadcast %get3A_189 : vector<1x128xf32> to vector<512x128xf32>
    %add3A_205 = arith.addf %add3A_203, %add3A_204 : vector<512x128xf32>
    %max3A_206 = arith.constant 0.000000e+00 : f32
    %max3A_207 = vector.broadcast %max3A_206 : f32 to vector<512x128xf32>
    %max3A_208 = arith.maximumf %add3A_205, %max3A_207 : vector<512x128xf32>
    %add3A_209 = arith.addf %max3A_208, %mul3A_202 : vector<512x128xf32>
    %exp3A_210 = math.exp %add3A_209 : vector<512x128xf32>
    %mul3A_211 = vector.broadcast %get3A_195 : vector<1x128xf32> to vector<512x128xf32>
    %mul3A_212 = arith.mulf %mul3A_211, %exp3A_210 : vector<512x128xf32>
    %get3A_213 = arith.constant 512 : index
    %get3A_214 = arith.constant 0 : index
    %get3A_215 = vector.load %arg8[%get3A_213, %get3A_214] : memref<2048x64xf32, #tpu.memory_space<vmem>>, vector<128x64xf32>
    %dot_general3A_216 = arith.constant dense<0.000000e+00> : vector<512x64xf32>
    %dot_general3A_217 = tpu.matmul %mul3A_212, %get3A_215, %dot_general3A_216 {dimension_numbers = #tpu.dot_dimension_numbers<[1], [0], [0], [1], [0, 0, 1, 1], [], []>, transpose_lhs_hint = false} : vector<512x128xf32>, vector<128x64xf32>, vector<512x64xf32> -> vector<512x64xf32>
    %add3A_218 = arith.addf %add3A_174, %dot_general3A_217 : vector<512x64xf32>
    %reduce_sum3A_219 = arith.constant dense<0.000000e+00> : vector<512xf32>
    %reduce_sum3A_220 = vector.multi_reduction <add>, %mul3A_212, %reduce_sum3A_219 [1] : vector<512x128xf32> to vector<512xf32>
    %broadcast_in_dim3A_221 = vector.shape_cast %reduce_sum3A_220 : vector<512xf32> to vector<512x1xf32>
    %add3A_222 = arith.addf %add3A_178, %broadcast_in_dim3A_221 : vector<512x1xf32>
    %mul3A_223 = arith.constant 5.000000e-01 : f32
    %mul3A_224 = vector.broadcast %mul3A_223 : f32 to vector<512x128xf32>
    %mul3A_225 = arith.mulf %floor3A_182, %mul3A_224 : vector<512x128xf32>
    %floor3A_226 = math.floor %mul3A_225 : vector<512x128xf32>
    %mul3A_227 = arith.constant 2.000000e+00 : f32
    %mul3A_228 = vector.broadcast %mul3A_227 : f32 to vector<512x128xf32>
    %mul3A_229 = arith.mulf %mul3A_228, %floor3A_226 : vector<512x128xf32>
    %sub3A_230 = arith.subf %floor3A_182, %mul3A_229 : vector<512x128xf32>
    %get3A_231 = arith.constant 0 : index
    %get3A_232 = arith.constant 640 : index
    %get3A_233 = vector.load %arg5[%get3A_231, %get3A_232] : memref<1x2048xf32, #tpu.memory_space<vmem>>, vector<1x128xf32>
    %get3A_234 = arith.constant 0 : index
    %get3A_235 = arith.constant 640 : index
    %get3A_236 = vector.load %arg6[%get3A_234, %get3A_235] : memref<1x2048xf32, #tpu.memory_space<vmem>>, vector<1x128xf32>
    %get3A_237 = arith.constant 0 : index
    %get3A_238 = arith.constant 640 : index
    %get3A_239 = vector.load %arg7[%get3A_237, %get3A_238] : memref<1x2048xf32, #tpu.memory_space<vmem>>, vector<1x128xf32>
    %add3A_240 = vector.broadcast %get3A_4 : vector<512x1xf32> to vector<512x128xf32>
    %add3A_241 = vector.broadcast %get3A_236 : vector<1x128xf32> to vector<512x128xf32>
    %add3A_242 = arith.addf %add3A_240, %add3A_241 : vector<512x128xf32>
    %mul3A_243 = arith.mulf %sub3A_230, %add3A_242 : vector<512x128xf32>
    %mul3A_244 = arith.constant 5.000000e-01 : f32
    %mul3A_245 = vector.broadcast %mul3A_244 : f32 to vector<512x128xf32>
    %mul3A_246 = arith.mulf %mul3A_243, %mul3A_245 : vector<512x128xf32>
    %add3A_247 = vector.broadcast %get3A_1 : vector<512x1xf32> to vector<512x128xf32>
    %add3A_248 = vector.broadcast %get3A_233 : vector<1x128xf32> to vector<512x128xf32>
    %add3A_249 = arith.addf %add3A_247, %add3A_248 : vector<512x128xf32>
    %max3A_250 = arith.constant 0.000000e+00 : f32
    %max3A_251 = vector.broadcast %max3A_250 : f32 to vector<512x128xf32>
    %max3A_252 = arith.maximumf %add3A_249, %max3A_251 : vector<512x128xf32>
    %add3A_253 = arith.addf %max3A_252, %mul3A_246 : vector<512x128xf32>
    %exp3A_254 = math.exp %add3A_253 : vector<512x128xf32>
    %mul3A_255 = vector.broadcast %get3A_239 : vector<1x128xf32> to vector<512x128xf32>
    %mul3A_256 = arith.mulf %mul3A_255, %exp3A_254 : vector<512x128xf32>
    %get3A_257 = arith.constant 640 : index
    %get3A_258 = arith.constant 0 : index
    %get3A_259 = vector.load %arg8[%get3A_257, %get3A_258] : memref<2048x64xf32, #tpu.memory_space<vmem>>, vector<128x64xf32>
    %dot_general3A_260 = arith.constant dense<0.000000e+00> : vector<512x64xf32>
    %dot_general3A_261 = tpu.matmul %mul3A_256, %get3A_259, %dot_general3A_260 {dimension_numbers = #tpu.dot_dimension_numbers<[1], [0], [0], [1], [0, 0, 1, 1], [], []>, transpose_lhs_hint = false} : vector<512x128xf32>, vector<128x64xf32>, vector<512x64xf32> -> vector<512x64xf32>
    %add3A_262 = arith.addf %add3A_218, %dot_general3A_261 : vector<512x64xf32>
    %reduce_sum3A_263 = arith.constant dense<0.000000e+00> : vector<512xf32>
    %reduce_sum3A_264 = vector.multi_reduction <add>, %mul3A_256, %reduce_sum3A_263 [1] : vector<512x128xf32> to vector<512xf32>
    %broadcast_in_dim3A_265 = vector.shape_cast %reduce_sum3A_264 : vector<512xf32> to vector<512x1xf32>
    %add3A_266 = arith.addf %add3A_222, %broadcast_in_dim3A_265 : vector<512x1xf32>
    %mul3A_267 = arith.constant 5.000000e-01 : f32
    %mul3A_268 = vector.broadcast %mul3A_267 : f32 to vector<512x128xf32>
    %mul3A_269 = arith.mulf %floor3A_226, %mul3A_268 : vector<512x128xf32>
    %floor3A_270 = math.floor %mul3A_269 : vector<512x128xf32>
    %mul3A_271 = arith.constant 2.000000e+00 : f32
    %mul3A_272 = vector.broadcast %mul3A_271 : f32 to vector<512x128xf32>
    %mul3A_273 = arith.mulf %mul3A_272, %floor3A_270 : vector<512x128xf32>
    %sub3A_274 = arith.subf %floor3A_226, %mul3A_273 : vector<512x128xf32>
    %get3A_275 = arith.constant 0 : index
    %get3A_276 = arith.constant 768 : index
    %get3A_277 = vector.load %arg5[%get3A_275, %get3A_276] : memref<1x2048xf32, #tpu.memory_space<vmem>>, vector<1x128xf32>
    %get3A_278 = arith.constant 0 : index
    %get3A_279 = arith.constant 768 : index
    %get3A_280 = vector.load %arg6[%get3A_278, %get3A_279] : memref<1x2048xf32, #tpu.memory_space<vmem>>, vector<1x128xf32>
    %get3A_281 = arith.constant 0 : index
    %get3A_282 = arith.constant 768 : index
    %get3A_283 = vector.load %arg7[%get3A_281, %get3A_282] : memref<1x2048xf32, #tpu.memory_space<vmem>>, vector<1x128xf32>
    %add3A_284 = vector.broadcast %get3A_4 : vector<512x1xf32> to vector<512x128xf32>
    %add3A_285 = vector.broadcast %get3A_280 : vector<1x128xf32> to vector<512x128xf32>
    %add3A_286 = arith.addf %add3A_284, %add3A_285 : vector<512x128xf32>
    %mul3A_287 = arith.mulf %sub3A_274, %add3A_286 : vector<512x128xf32>
    %mul3A_288 = arith.constant 5.000000e-01 : f32
    %mul3A_289 = vector.broadcast %mul3A_288 : f32 to vector<512x128xf32>
    %mul3A_290 = arith.mulf %mul3A_287, %mul3A_289 : vector<512x128xf32>
    %add3A_291 = vector.broadcast %get3A_1 : vector<512x1xf32> to vector<512x128xf32>
    %add3A_292 = vector.broadcast %get3A_277 : vector<1x128xf32> to vector<512x128xf32>
    %add3A_293 = arith.addf %add3A_291, %add3A_292 : vector<512x128xf32>
    %max3A_294 = arith.constant 0.000000e+00 : f32
    %max3A_295 = vector.broadcast %max3A_294 : f32 to vector<512x128xf32>
    %max3A_296 = arith.maximumf %add3A_293, %max3A_295 : vector<512x128xf32>
    %add3A_297 = arith.addf %max3A_296, %mul3A_290 : vector<512x128xf32>
    %exp3A_298 = math.exp %add3A_297 : vector<512x128xf32>
    %mul3A_299 = vector.broadcast %get3A_283 : vector<1x128xf32> to vector<512x128xf32>
    %mul3A_300 = arith.mulf %mul3A_299, %exp3A_298 : vector<512x128xf32>
    %get3A_301 = arith.constant 768 : index
    %get3A_302 = arith.constant 0 : index
    %get3A_303 = vector.load %arg8[%get3A_301, %get3A_302] : memref<2048x64xf32, #tpu.memory_space<vmem>>, vector<128x64xf32>
    %dot_general3A_304 = arith.constant dense<0.000000e+00> : vector<512x64xf32>
    %dot_general3A_305 = tpu.matmul %mul3A_300, %get3A_303, %dot_general3A_304 {dimension_numbers = #tpu.dot_dimension_numbers<[1], [0], [0], [1], [0, 0, 1, 1], [], []>, transpose_lhs_hint = false} : vector<512x128xf32>, vector<128x64xf32>, vector<512x64xf32> -> vector<512x64xf32>
    %add3A_306 = arith.addf %add3A_262, %dot_general3A_305 : vector<512x64xf32>
    %reduce_sum3A_307 = arith.constant dense<0.000000e+00> : vector<512xf32>
    %reduce_sum3A_308 = vector.multi_reduction <add>, %mul3A_300, %reduce_sum3A_307 [1] : vector<512x128xf32> to vector<512xf32>
    %broadcast_in_dim3A_309 = vector.shape_cast %reduce_sum3A_308 : vector<512xf32> to vector<512x1xf32>
    %add3A_310 = arith.addf %add3A_266, %broadcast_in_dim3A_309 : vector<512x1xf32>
    %mul3A_311 = arith.constant 5.000000e-01 : f32
    %mul3A_312 = vector.broadcast %mul3A_311 : f32 to vector<512x128xf32>
    %mul3A_313 = arith.mulf %floor3A_270, %mul3A_312 : vector<512x128xf32>
    %floor3A_314 = math.floor %mul3A_313 : vector<512x128xf32>
    %mul3A_315 = arith.constant 2.000000e+00 : f32
    %mul3A_316 = vector.broadcast %mul3A_315 : f32 to vector<512x128xf32>
    %mul3A_317 = arith.mulf %mul3A_316, %floor3A_314 : vector<512x128xf32>
    %sub3A_318 = arith.subf %floor3A_270, %mul3A_317 : vector<512x128xf32>
    %get3A_319 = arith.constant 0 : index
    %get3A_320 = arith.constant 896 : index
    %get3A_321 = vector.load %arg5[%get3A_319, %get3A_320] : memref<1x2048xf32, #tpu.memory_space<vmem>>, vector<1x128xf32>
    %get3A_322 = arith.constant 0 : index
    %get3A_323 = arith.constant 896 : index
    %get3A_324 = vector.load %arg6[%get3A_322, %get3A_323] : memref<1x2048xf32, #tpu.memory_space<vmem>>, vector<1x128xf32>
    %get3A_325 = arith.constant 0 : index
    %get3A_326 = arith.constant 896 : index
    %get3A_327 = vector.load %arg7[%get3A_325, %get3A_326] : memref<1x2048xf32, #tpu.memory_space<vmem>>, vector<1x128xf32>
    %add3A_328 = vector.broadcast %get3A_4 : vector<512x1xf32> to vector<512x128xf32>
    %add3A_329 = vector.broadcast %get3A_324 : vector<1x128xf32> to vector<512x128xf32>
    %add3A_330 = arith.addf %add3A_328, %add3A_329 : vector<512x128xf32>
    %mul3A_331 = arith.mulf %sub3A_318, %add3A_330 : vector<512x128xf32>
    %mul3A_332 = arith.constant 5.000000e-01 : f32
    %mul3A_333 = vector.broadcast %mul3A_332 : f32 to vector<512x128xf32>
    %mul3A_334 = arith.mulf %mul3A_331, %mul3A_333 : vector<512x128xf32>
    %add3A_335 = vector.broadcast %get3A_1 : vector<512x1xf32> to vector<512x128xf32>
    %add3A_336 = vector.broadcast %get3A_321 : vector<1x128xf32> to vector<512x128xf32>
    %add3A_337 = arith.addf %add3A_335, %add3A_336 : vector<512x128xf32>
    %max3A_338 = arith.constant 0.000000e+00 : f32
    %max3A_339 = vector.broadcast %max3A_338 : f32 to vector<512x128xf32>
    %max3A_340 = arith.maximumf %add3A_337, %max3A_339 : vector<512x128xf32>
    %add3A_341 = arith.addf %max3A_340, %mul3A_334 : vector<512x128xf32>
    %exp3A_342 = math.exp %add3A_341 : vector<512x128xf32>
    %mul3A_343 = vector.broadcast %get3A_327 : vector<1x128xf32> to vector<512x128xf32>
    %mul3A_344 = arith.mulf %mul3A_343, %exp3A_342 : vector<512x128xf32>
    %get3A_345 = arith.constant 896 : index
    %get3A_346 = arith.constant 0 : index
    %get3A_347 = vector.load %arg8[%get3A_345, %get3A_346] : memref<2048x64xf32, #tpu.memory_space<vmem>>, vector<128x64xf32>
    %dot_general3A_348 = arith.constant dense<0.000000e+00> : vector<512x64xf32>
    %dot_general3A_349 = tpu.matmul %mul3A_344, %get3A_347, %dot_general3A_348 {dimension_numbers = #tpu.dot_dimension_numbers<[1], [0], [0], [1], [0, 0, 1, 1], [], []>, transpose_lhs_hint = false} : vector<512x128xf32>, vector<128x64xf32>, vector<512x64xf32> -> vector<512x64xf32>
    %add3A_350 = arith.addf %add3A_306, %dot_general3A_349 : vector<512x64xf32>
    %reduce_sum3A_351 = arith.constant dense<0.000000e+00> : vector<512xf32>
    %reduce_sum3A_352 = vector.multi_reduction <add>, %mul3A_344, %reduce_sum3A_351 [1] : vector<512x128xf32> to vector<512xf32>
    %broadcast_in_dim3A_353 = vector.shape_cast %reduce_sum3A_352 : vector<512xf32> to vector<512x1xf32>
    %add3A_354 = arith.addf %add3A_310, %broadcast_in_dim3A_353 : vector<512x1xf32>
    %mul3A_355 = arith.constant 5.000000e-01 : f32
    %mul3A_356 = vector.broadcast %mul3A_355 : f32 to vector<512x128xf32>
    %mul3A_357 = arith.mulf %floor3A_314, %mul3A_356 : vector<512x128xf32>
    %floor3A_358 = math.floor %mul3A_357 : vector<512x128xf32>
    %mul3A_359 = arith.constant 2.000000e+00 : f32
    %mul3A_360 = vector.broadcast %mul3A_359 : f32 to vector<512x128xf32>
    %mul3A_361 = arith.mulf %mul3A_360, %floor3A_358 : vector<512x128xf32>
    %sub3A_362 = arith.subf %floor3A_314, %mul3A_361 : vector<512x128xf32>
    %get3A_363 = arith.constant 0 : index
    %get3A_364 = arith.constant 1024 : index
    %get3A_365 = vector.load %arg5[%get3A_363, %get3A_364] : memref<1x2048xf32, #tpu.memory_space<vmem>>, vector<1x128xf32>
    %get3A_366 = arith.constant 0 : index
    %get3A_367 = arith.constant 1024 : index
    %get3A_368 = vector.load %arg6[%get3A_366, %get3A_367] : memref<1x2048xf32, #tpu.memory_space<vmem>>, vector<1x128xf32>
    %get3A_369 = arith.constant 0 : index
    %get3A_370 = arith.constant 1024 : index
    %get3A_371 = vector.load %arg7[%get3A_369, %get3A_370] : memref<1x2048xf32, #tpu.memory_space<vmem>>, vector<1x128xf32>
    %add3A_372 = vector.broadcast %get3A_4 : vector<512x1xf32> to vector<512x128xf32>
    %add3A_373 = vector.broadcast %get3A_368 : vector<1x128xf32> to vector<512x128xf32>
    %add3A_374 = arith.addf %add3A_372, %add3A_373 : vector<512x128xf32>
    %mul3A_375 = arith.mulf %sub3A_362, %add3A_374 : vector<512x128xf32>
    %mul3A_376 = arith.constant 5.000000e-01 : f32
    %mul3A_377 = vector.broadcast %mul3A_376 : f32 to vector<512x128xf32>
    %mul3A_378 = arith.mulf %mul3A_375, %mul3A_377 : vector<512x128xf32>
    %add3A_379 = vector.broadcast %get3A_1 : vector<512x1xf32> to vector<512x128xf32>
    %add3A_380 = vector.broadcast %get3A_365 : vector<1x128xf32> to vector<512x128xf32>
    %add3A_381 = arith.addf %add3A_379, %add3A_380 : vector<512x128xf32>
    %max3A_382 = arith.constant 0.000000e+00 : f32
    %max3A_383 = vector.broadcast %max3A_382 : f32 to vector<512x128xf32>
    %max3A_384 = arith.maximumf %add3A_381, %max3A_383 : vector<512x128xf32>
    %add3A_385 = arith.addf %max3A_384, %mul3A_378 : vector<512x128xf32>
    %exp3A_386 = math.exp %add3A_385 : vector<512x128xf32>
    %mul3A_387 = vector.broadcast %get3A_371 : vector<1x128xf32> to vector<512x128xf32>
    %mul3A_388 = arith.mulf %mul3A_387, %exp3A_386 : vector<512x128xf32>
    %get3A_389 = arith.constant 1024 : index
    %get3A_390 = arith.constant 0 : index
    %get3A_391 = vector.load %arg8[%get3A_389, %get3A_390] : memref<2048x64xf32, #tpu.memory_space<vmem>>, vector<128x64xf32>
    %dot_general3A_392 = arith.constant dense<0.000000e+00> : vector<512x64xf32>
    %dot_general3A_393 = tpu.matmul %mul3A_388, %get3A_391, %dot_general3A_392 {dimension_numbers = #tpu.dot_dimension_numbers<[1], [0], [0], [1], [0, 0, 1, 1], [], []>, transpose_lhs_hint = false} : vector<512x128xf32>, vector<128x64xf32>, vector<512x64xf32> -> vector<512x64xf32>
    %add3A_394 = arith.addf %add3A_350, %dot_general3A_393 : vector<512x64xf32>
    %reduce_sum3A_395 = arith.constant dense<0.000000e+00> : vector<512xf32>
    %reduce_sum3A_396 = vector.multi_reduction <add>, %mul3A_388, %reduce_sum3A_395 [1] : vector<512x128xf32> to vector<512xf32>
    %broadcast_in_dim3A_397 = vector.shape_cast %reduce_sum3A_396 : vector<512xf32> to vector<512x1xf32>
    %add3A_398 = arith.addf %add3A_354, %broadcast_in_dim3A_397 : vector<512x1xf32>
    %mul3A_399 = arith.constant 5.000000e-01 : f32
    %mul3A_400 = vector.broadcast %mul3A_399 : f32 to vector<512x128xf32>
    %mul3A_401 = arith.mulf %floor3A_358, %mul3A_400 : vector<512x128xf32>
    %floor3A_402 = math.floor %mul3A_401 : vector<512x128xf32>
    %mul3A_403 = arith.constant 2.000000e+00 : f32
    %mul3A_404 = vector.broadcast %mul3A_403 : f32 to vector<512x128xf32>
    %mul3A_405 = arith.mulf %mul3A_404, %floor3A_402 : vector<512x128xf32>
    %sub3A_406 = arith.subf %floor3A_358, %mul3A_405 : vector<512x128xf32>
    %get3A_407 = arith.constant 0 : index
    %get3A_408 = arith.constant 1152 : index
    %get3A_409 = vector.load %arg5[%get3A_407, %get3A_408] : memref<1x2048xf32, #tpu.memory_space<vmem>>, vector<1x128xf32>
    %get3A_410 = arith.constant 0 : index
    %get3A_411 = arith.constant 1152 : index
    %get3A_412 = vector.load %arg6[%get3A_410, %get3A_411] : memref<1x2048xf32, #tpu.memory_space<vmem>>, vector<1x128xf32>
    %get3A_413 = arith.constant 0 : index
    %get3A_414 = arith.constant 1152 : index
    %get3A_415 = vector.load %arg7[%get3A_413, %get3A_414] : memref<1x2048xf32, #tpu.memory_space<vmem>>, vector<1x128xf32>
    %add3A_416 = vector.broadcast %get3A_4 : vector<512x1xf32> to vector<512x128xf32>
    %add3A_417 = vector.broadcast %get3A_412 : vector<1x128xf32> to vector<512x128xf32>
    %add3A_418 = arith.addf %add3A_416, %add3A_417 : vector<512x128xf32>
    %mul3A_419 = arith.mulf %sub3A_406, %add3A_418 : vector<512x128xf32>
    %mul3A_420 = arith.constant 5.000000e-01 : f32
    %mul3A_421 = vector.broadcast %mul3A_420 : f32 to vector<512x128xf32>
    %mul3A_422 = arith.mulf %mul3A_419, %mul3A_421 : vector<512x128xf32>
    %add3A_423 = vector.broadcast %get3A_1 : vector<512x1xf32> to vector<512x128xf32>
    %add3A_424 = vector.broadcast %get3A_409 : vector<1x128xf32> to vector<512x128xf32>
    %add3A_425 = arith.addf %add3A_423, %add3A_424 : vector<512x128xf32>
    %max3A_426 = arith.constant 0.000000e+00 : f32
    %max3A_427 = vector.broadcast %max3A_426 : f32 to vector<512x128xf32>
    %max3A_428 = arith.maximumf %add3A_425, %max3A_427 : vector<512x128xf32>
    %add3A_429 = arith.addf %max3A_428, %mul3A_422 : vector<512x128xf32>
    %exp3A_430 = math.exp %add3A_429 : vector<512x128xf32>
    %mul3A_431 = vector.broadcast %get3A_415 : vector<1x128xf32> to vector<512x128xf32>
    %mul3A_432 = arith.mulf %mul3A_431, %exp3A_430 : vector<512x128xf32>
    %get3A_433 = arith.constant 1152 : index
    %get3A_434 = arith.constant 0 : index
    %get3A_435 = vector.load %arg8[%get3A_433, %get3A_434] : memref<2048x64xf32, #tpu.memory_space<vmem>>, vector<128x64xf32>
    %dot_general3A_436 = arith.constant dense<0.000000e+00> : vector<512x64xf32>
    %dot_general3A_437 = tpu.matmul %mul3A_432, %get3A_435, %dot_general3A_436 {dimension_numbers = #tpu.dot_dimension_numbers<[1], [0], [0], [1], [0, 0, 1, 1], [], []>, transpose_lhs_hint = false} : vector<512x128xf32>, vector<128x64xf32>, vector<512x64xf32> -> vector<512x64xf32>
    %add3A_438 = arith.addf %add3A_394, %dot_general3A_437 : vector<512x64xf32>
    %reduce_sum3A_439 = arith.constant dense<0.000000e+00> : vector<512xf32>
    %reduce_sum3A_440 = vector.multi_reduction <add>, %mul3A_432, %reduce_sum3A_439 [1] : vector<512x128xf32> to vector<512xf32>
    %broadcast_in_dim3A_441 = vector.shape_cast %reduce_sum3A_440 : vector<512xf32> to vector<512x1xf32>
    %add3A_442 = arith.addf %add3A_398, %broadcast_in_dim3A_441 : vector<512x1xf32>
    %mul3A_443 = arith.constant 5.000000e-01 : f32
    %mul3A_444 = vector.broadcast %mul3A_443 : f32 to vector<512x128xf32>
    %mul3A_445 = arith.mulf %floor3A_402, %mul3A_444 : vector<512x128xf32>
    %floor3A_446 = math.floor %mul3A_445 : vector<512x128xf32>
    %mul3A_447 = arith.constant 2.000000e+00 : f32
    %mul3A_448 = vector.broadcast %mul3A_447 : f32 to vector<512x128xf32>
    %mul3A_449 = arith.mulf %mul3A_448, %floor3A_446 : vector<512x128xf32>
    %sub3A_450 = arith.subf %floor3A_402, %mul3A_449 : vector<512x128xf32>
    %get3A_451 = arith.constant 0 : index
    %get3A_452 = arith.constant 1280 : index
    %get3A_453 = vector.load %arg5[%get3A_451, %get3A_452] : memref<1x2048xf32, #tpu.memory_space<vmem>>, vector<1x128xf32>
    %get3A_454 = arith.constant 0 : index
    %get3A_455 = arith.constant 1280 : index
    %get3A_456 = vector.load %arg6[%get3A_454, %get3A_455] : memref<1x2048xf32, #tpu.memory_space<vmem>>, vector<1x128xf32>
    %get3A_457 = arith.constant 0 : index
    %get3A_458 = arith.constant 1280 : index
    %get3A_459 = vector.load %arg7[%get3A_457, %get3A_458] : memref<1x2048xf32, #tpu.memory_space<vmem>>, vector<1x128xf32>
    %add3A_460 = vector.broadcast %get3A_4 : vector<512x1xf32> to vector<512x128xf32>
    %add3A_461 = vector.broadcast %get3A_456 : vector<1x128xf32> to vector<512x128xf32>
    %add3A_462 = arith.addf %add3A_460, %add3A_461 : vector<512x128xf32>
    %mul3A_463 = arith.mulf %sub3A_450, %add3A_462 : vector<512x128xf32>
    %mul3A_464 = arith.constant 5.000000e-01 : f32
    %mul3A_465 = vector.broadcast %mul3A_464 : f32 to vector<512x128xf32>
    %mul3A_466 = arith.mulf %mul3A_463, %mul3A_465 : vector<512x128xf32>
    %add3A_467 = vector.broadcast %get3A_1 : vector<512x1xf32> to vector<512x128xf32>
    %add3A_468 = vector.broadcast %get3A_453 : vector<1x128xf32> to vector<512x128xf32>
    %add3A_469 = arith.addf %add3A_467, %add3A_468 : vector<512x128xf32>
    %max3A_470 = arith.constant 0.000000e+00 : f32
    %max3A_471 = vector.broadcast %max3A_470 : f32 to vector<512x128xf32>
    %max3A_472 = arith.maximumf %add3A_469, %max3A_471 : vector<512x128xf32>
    %add3A_473 = arith.addf %max3A_472, %mul3A_466 : vector<512x128xf32>
    %exp3A_474 = math.exp %add3A_473 : vector<512x128xf32>
    %mul3A_475 = vector.broadcast %get3A_459 : vector<1x128xf32> to vector<512x128xf32>
    %mul3A_476 = arith.mulf %mul3A_475, %exp3A_474 : vector<512x128xf32>
    %get3A_477 = arith.constant 1280 : index
    %get3A_478 = arith.constant 0 : index
    %get3A_479 = vector.load %arg8[%get3A_477, %get3A_478] : memref<2048x64xf32, #tpu.memory_space<vmem>>, vector<128x64xf32>
    %dot_general3A_480 = arith.constant dense<0.000000e+00> : vector<512x64xf32>
    %dot_general3A_481 = tpu.matmul %mul3A_476, %get3A_479, %dot_general3A_480 {dimension_numbers = #tpu.dot_dimension_numbers<[1], [0], [0], [1], [0, 0, 1, 1], [], []>, transpose_lhs_hint = false} : vector<512x128xf32>, vector<128x64xf32>, vector<512x64xf32> -> vector<512x64xf32>
    %add3A_482 = arith.addf %add3A_438, %dot_general3A_481 : vector<512x64xf32>
    %reduce_sum3A_483 = arith.constant dense<0.000000e+00> : vector<512xf32>
    %reduce_sum3A_484 = vector.multi_reduction <add>, %mul3A_476, %reduce_sum3A_483 [1] : vector<512x128xf32> to vector<512xf32>
    %broadcast_in_dim3A_485 = vector.shape_cast %reduce_sum3A_484 : vector<512xf32> to vector<512x1xf32>
    %add3A_486 = arith.addf %add3A_442, %broadcast_in_dim3A_485 : vector<512x1xf32>
    %mul3A_487 = arith.constant 5.000000e-01 : f32
    %mul3A_488 = vector.broadcast %mul3A_487 : f32 to vector<512x128xf32>
    %mul3A_489 = arith.mulf %floor3A_446, %mul3A_488 : vector<512x128xf32>
    %floor3A_490 = math.floor %mul3A_489 : vector<512x128xf32>
    %mul3A_491 = arith.constant 2.000000e+00 : f32
    %mul3A_492 = vector.broadcast %mul3A_491 : f32 to vector<512x128xf32>
    %mul3A_493 = arith.mulf %mul3A_492, %floor3A_490 : vector<512x128xf32>
    %sub3A_494 = arith.subf %floor3A_446, %mul3A_493 : vector<512x128xf32>
    %get3A_495 = arith.constant 0 : index
    %get3A_496 = arith.constant 1408 : index
    %get3A_497 = vector.load %arg5[%get3A_495, %get3A_496] : memref<1x2048xf32, #tpu.memory_space<vmem>>, vector<1x128xf32>
    %get3A_498 = arith.constant 0 : index
    %get3A_499 = arith.constant 1408 : index
    %get3A_500 = vector.load %arg6[%get3A_498, %get3A_499] : memref<1x2048xf32, #tpu.memory_space<vmem>>, vector<1x128xf32>
    %get3A_501 = arith.constant 0 : index
    %get3A_502 = arith.constant 1408 : index
    %get3A_503 = vector.load %arg7[%get3A_501, %get3A_502] : memref<1x2048xf32, #tpu.memory_space<vmem>>, vector<1x128xf32>
    %add3A_504 = vector.broadcast %get3A_4 : vector<512x1xf32> to vector<512x128xf32>
    %add3A_505 = vector.broadcast %get3A_500 : vector<1x128xf32> to vector<512x128xf32>
    %add3A_506 = arith.addf %add3A_504, %add3A_505 : vector<512x128xf32>
    %mul3A_507 = arith.mulf %sub3A_494, %add3A_506 : vector<512x128xf32>
    %mul3A_508 = arith.constant 5.000000e-01 : f32
    %mul3A_509 = vector.broadcast %mul3A_508 : f32 to vector<512x128xf32>
    %mul3A_510 = arith.mulf %mul3A_507, %mul3A_509 : vector<512x128xf32>
    %add3A_511 = vector.broadcast %get3A_1 : vector<512x1xf32> to vector<512x128xf32>
    %add3A_512 = vector.broadcast %get3A_497 : vector<1x128xf32> to vector<512x128xf32>
    %add3A_513 = arith.addf %add3A_511, %add3A_512 : vector<512x128xf32>
    %max3A_514 = arith.constant 0.000000e+00 : f32
    %max3A_515 = vector.broadcast %max3A_514 : f32 to vector<512x128xf32>
    %max3A_516 = arith.maximumf %add3A_513, %max3A_515 : vector<512x128xf32>
    %add3A_517 = arith.addf %max3A_516, %mul3A_510 : vector<512x128xf32>
    %exp3A_518 = math.exp %add3A_517 : vector<512x128xf32>
    %mul3A_519 = vector.broadcast %get3A_503 : vector<1x128xf32> to vector<512x128xf32>
    %mul3A_520 = arith.mulf %mul3A_519, %exp3A_518 : vector<512x128xf32>
    %get3A_521 = arith.constant 1408 : index
    %get3A_522 = arith.constant 0 : index
    %get3A_523 = vector.load %arg8[%get3A_521, %get3A_522] : memref<2048x64xf32, #tpu.memory_space<vmem>>, vector<128x64xf32>
    %dot_general3A_524 = arith.constant dense<0.000000e+00> : vector<512x64xf32>
    %dot_general3A_525 = tpu.matmul %mul3A_520, %get3A_523, %dot_general3A_524 {dimension_numbers = #tpu.dot_dimension_numbers<[1], [0], [0], [1], [0, 0, 1, 1], [], []>, transpose_lhs_hint = false} : vector<512x128xf32>, vector<128x64xf32>, vector<512x64xf32> -> vector<512x64xf32>
    %add3A_526 = arith.addf %add3A_482, %dot_general3A_525 : vector<512x64xf32>
    %reduce_sum3A_527 = arith.constant dense<0.000000e+00> : vector<512xf32>
    %reduce_sum3A_528 = vector.multi_reduction <add>, %mul3A_520, %reduce_sum3A_527 [1] : vector<512x128xf32> to vector<512xf32>
    %broadcast_in_dim3A_529 = vector.shape_cast %reduce_sum3A_528 : vector<512xf32> to vector<512x1xf32>
    %add3A_530 = arith.addf %add3A_486, %broadcast_in_dim3A_529 : vector<512x1xf32>
    %mul3A_531 = arith.constant 5.000000e-01 : f32
    %mul3A_532 = vector.broadcast %mul3A_531 : f32 to vector<512x128xf32>
    %mul3A_533 = arith.mulf %floor3A_490, %mul3A_532 : vector<512x128xf32>
    %floor3A_534 = math.floor %mul3A_533 : vector<512x128xf32>
    %mul3A_535 = arith.constant 2.000000e+00 : f32
    %mul3A_536 = vector.broadcast %mul3A_535 : f32 to vector<512x128xf32>
    %mul3A_537 = arith.mulf %mul3A_536, %floor3A_534 : vector<512x128xf32>
    %sub3A_538 = arith.subf %floor3A_490, %mul3A_537 : vector<512x128xf32>
    %get3A_539 = arith.constant 0 : index
    %get3A_540 = arith.constant 1536 : index
    %get3A_541 = vector.load %arg5[%get3A_539, %get3A_540] : memref<1x2048xf32, #tpu.memory_space<vmem>>, vector<1x128xf32>
    %get3A_542 = arith.constant 0 : index
    %get3A_543 = arith.constant 1536 : index
    %get3A_544 = vector.load %arg6[%get3A_542, %get3A_543] : memref<1x2048xf32, #tpu.memory_space<vmem>>, vector<1x128xf32>
    %get3A_545 = arith.constant 0 : index
    %get3A_546 = arith.constant 1536 : index
    %get3A_547 = vector.load %arg7[%get3A_545, %get3A_546] : memref<1x2048xf32, #tpu.memory_space<vmem>>, vector<1x128xf32>
    %add3A_548 = vector.broadcast %get3A_4 : vector<512x1xf32> to vector<512x128xf32>
    %add3A_549 = vector.broadcast %get3A_544 : vector<1x128xf32> to vector<512x128xf32>
    %add3A_550 = arith.addf %add3A_548, %add3A_549 : vector<512x128xf32>
    %mul3A_551 = arith.mulf %sub3A_538, %add3A_550 : vector<512x128xf32>
    %mul3A_552 = arith.constant 5.000000e-01 : f32
    %mul3A_553 = vector.broadcast %mul3A_552 : f32 to vector<512x128xf32>
    %mul3A_554 = arith.mulf %mul3A_551, %mul3A_553 : vector<512x128xf32>
    %add3A_555 = vector.broadcast %get3A_1 : vector<512x1xf32> to vector<512x128xf32>
    %add3A_556 = vector.broadcast %get3A_541 : vector<1x128xf32> to vector<512x128xf32>
    %add3A_557 = arith.addf %add3A_555, %add3A_556 : vector<512x128xf32>
    %max3A_558 = arith.constant 0.000000e+00 : f32
    %max3A_559 = vector.broadcast %max3A_558 : f32 to vector<512x128xf32>
    %max3A_560 = arith.maximumf %add3A_557, %max3A_559 : vector<512x128xf32>
    %add3A_561 = arith.addf %max3A_560, %mul3A_554 : vector<512x128xf32>
    %exp3A_562 = math.exp %add3A_561 : vector<512x128xf32>
    %mul3A_563 = vector.broadcast %get3A_547 : vector<1x128xf32> to vector<512x128xf32>
    %mul3A_564 = arith.mulf %mul3A_563, %exp3A_562 : vector<512x128xf32>
    %get3A_565 = arith.constant 1536 : index
    %get3A_566 = arith.constant 0 : index
    %get3A_567 = vector.load %arg8[%get3A_565, %get3A_566] : memref<2048x64xf32, #tpu.memory_space<vmem>>, vector<128x64xf32>
    %dot_general3A_568 = arith.constant dense<0.000000e+00> : vector<512x64xf32>
    %dot_general3A_569 = tpu.matmul %mul3A_564, %get3A_567, %dot_general3A_568 {dimension_numbers = #tpu.dot_dimension_numbers<[1], [0], [0], [1], [0, 0, 1, 1], [], []>, transpose_lhs_hint = false} : vector<512x128xf32>, vector<128x64xf32>, vector<512x64xf32> -> vector<512x64xf32>
    %add3A_570 = arith.addf %add3A_526, %dot_general3A_569 : vector<512x64xf32>
    %reduce_sum3A_571 = arith.constant dense<0.000000e+00> : vector<512xf32>
    %reduce_sum3A_572 = vector.multi_reduction <add>, %mul3A_564, %reduce_sum3A_571 [1] : vector<512x128xf32> to vector<512xf32>
    %broadcast_in_dim3A_573 = vector.shape_cast %reduce_sum3A_572 : vector<512xf32> to vector<512x1xf32>
    %add3A_574 = arith.addf %add3A_530, %broadcast_in_dim3A_573 : vector<512x1xf32>
    %mul3A_575 = arith.constant 5.000000e-01 : f32
    %mul3A_576 = vector.broadcast %mul3A_575 : f32 to vector<512x128xf32>
    %mul3A_577 = arith.mulf %floor3A_534, %mul3A_576 : vector<512x128xf32>
    %floor3A_578 = math.floor %mul3A_577 : vector<512x128xf32>
    %mul3A_579 = arith.constant 2.000000e+00 : f32
    %mul3A_580 = vector.broadcast %mul3A_579 : f32 to vector<512x128xf32>
    %mul3A_581 = arith.mulf %mul3A_580, %floor3A_578 : vector<512x128xf32>
    %sub3A_582 = arith.subf %floor3A_534, %mul3A_581 : vector<512x128xf32>
    %get3A_583 = arith.constant 0 : index
    %get3A_584 = arith.constant 1664 : index
    %get3A_585 = vector.load %arg5[%get3A_583, %get3A_584] : memref<1x2048xf32, #tpu.memory_space<vmem>>, vector<1x128xf32>
    %get3A_586 = arith.constant 0 : index
    %get3A_587 = arith.constant 1664 : index
    %get3A_588 = vector.load %arg6[%get3A_586, %get3A_587] : memref<1x2048xf32, #tpu.memory_space<vmem>>, vector<1x128xf32>
    %get3A_589 = arith.constant 0 : index
    %get3A_590 = arith.constant 1664 : index
    %get3A_591 = vector.load %arg7[%get3A_589, %get3A_590] : memref<1x2048xf32, #tpu.memory_space<vmem>>, vector<1x128xf32>
    %add3A_592 = vector.broadcast %get3A_4 : vector<512x1xf32> to vector<512x128xf32>
    %add3A_593 = vector.broadcast %get3A_588 : vector<1x128xf32> to vector<512x128xf32>
    %add3A_594 = arith.addf %add3A_592, %add3A_593 : vector<512x128xf32>
    %mul3A_595 = arith.mulf %sub3A_582, %add3A_594 : vector<512x128xf32>
    %mul3A_596 = arith.constant 5.000000e-01 : f32
    %mul3A_597 = vector.broadcast %mul3A_596 : f32 to vector<512x128xf32>
    %mul3A_598 = arith.mulf %mul3A_595, %mul3A_597 : vector<512x128xf32>
    %add3A_599 = vector.broadcast %get3A_1 : vector<512x1xf32> to vector<512x128xf32>
    %add3A_600 = vector.broadcast %get3A_585 : vector<1x128xf32> to vector<512x128xf32>
    %add3A_601 = arith.addf %add3A_599, %add3A_600 : vector<512x128xf32>
    %max3A_602 = arith.constant 0.000000e+00 : f32
    %max3A_603 = vector.broadcast %max3A_602 : f32 to vector<512x128xf32>
    %max3A_604 = arith.maximumf %add3A_601, %max3A_603 : vector<512x128xf32>
    %add3A_605 = arith.addf %max3A_604, %mul3A_598 : vector<512x128xf32>
    %exp3A_606 = math.exp %add3A_605 : vector<512x128xf32>
    %mul3A_607 = vector.broadcast %get3A_591 : vector<1x128xf32> to vector<512x128xf32>
    %mul3A_608 = arith.mulf %mul3A_607, %exp3A_606 : vector<512x128xf32>
    %get3A_609 = arith.constant 1664 : index
    %get3A_610 = arith.constant 0 : index
    %get3A_611 = vector.load %arg8[%get3A_609, %get3A_610] : memref<2048x64xf32, #tpu.memory_space<vmem>>, vector<128x64xf32>
    %dot_general3A_612 = arith.constant dense<0.000000e+00> : vector<512x64xf32>
    %dot_general3A_613 = tpu.matmul %mul3A_608, %get3A_611, %dot_general3A_612 {dimension_numbers = #tpu.dot_dimension_numbers<[1], [0], [0], [1], [0, 0, 1, 1], [], []>, transpose_lhs_hint = false} : vector<512x128xf32>, vector<128x64xf32>, vector<512x64xf32> -> vector<512x64xf32>
    %add3A_614 = arith.addf %add3A_570, %dot_general3A_613 : vector<512x64xf32>
    %reduce_sum3A_615 = arith.constant dense<0.000000e+00> : vector<512xf32>
    %reduce_sum3A_616 = vector.multi_reduction <add>, %mul3A_608, %reduce_sum3A_615 [1] : vector<512x128xf32> to vector<512xf32>
    %broadcast_in_dim3A_617 = vector.shape_cast %reduce_sum3A_616 : vector<512xf32> to vector<512x1xf32>
    %add3A_618 = arith.addf %add3A_574, %broadcast_in_dim3A_617 : vector<512x1xf32>
    %mul3A_619 = arith.constant 5.000000e-01 : f32
    %mul3A_620 = vector.broadcast %mul3A_619 : f32 to vector<512x128xf32>
    %mul3A_621 = arith.mulf %floor3A_578, %mul3A_620 : vector<512x128xf32>
    %floor3A_622 = math.floor %mul3A_621 : vector<512x128xf32>
    %mul3A_623 = arith.constant 2.000000e+00 : f32
    %mul3A_624 = vector.broadcast %mul3A_623 : f32 to vector<512x128xf32>
    %mul3A_625 = arith.mulf %mul3A_624, %floor3A_622 : vector<512x128xf32>
    %sub3A_626 = arith.subf %floor3A_578, %mul3A_625 : vector<512x128xf32>
    %get3A_627 = arith.constant 0 : index
    %get3A_628 = arith.constant 1792 : index
    %get3A_629 = vector.load %arg5[%get3A_627, %get3A_628] : memref<1x2048xf32, #tpu.memory_space<vmem>>, vector<1x128xf32>
    %get3A_630 = arith.constant 0 : index
    %get3A_631 = arith.constant 1792 : index
    %get3A_632 = vector.load %arg6[%get3A_630, %get3A_631] : memref<1x2048xf32, #tpu.memory_space<vmem>>, vector<1x128xf32>
    %get3A_633 = arith.constant 0 : index
    %get3A_634 = arith.constant 1792 : index
    %get3A_635 = vector.load %arg7[%get3A_633, %get3A_634] : memref<1x2048xf32, #tpu.memory_space<vmem>>, vector<1x128xf32>
    %add3A_636 = vector.broadcast %get3A_4 : vector<512x1xf32> to vector<512x128xf32>
    %add3A_637 = vector.broadcast %get3A_632 : vector<1x128xf32> to vector<512x128xf32>
    %add3A_638 = arith.addf %add3A_636, %add3A_637 : vector<512x128xf32>
    %mul3A_639 = arith.mulf %sub3A_626, %add3A_638 : vector<512x128xf32>
    %mul3A_640 = arith.constant 5.000000e-01 : f32
    %mul3A_641 = vector.broadcast %mul3A_640 : f32 to vector<512x128xf32>
    %mul3A_642 = arith.mulf %mul3A_639, %mul3A_641 : vector<512x128xf32>
    %add3A_643 = vector.broadcast %get3A_1 : vector<512x1xf32> to vector<512x128xf32>
    %add3A_644 = vector.broadcast %get3A_629 : vector<1x128xf32> to vector<512x128xf32>
    %add3A_645 = arith.addf %add3A_643, %add3A_644 : vector<512x128xf32>
    %max3A_646 = arith.constant 0.000000e+00 : f32
    %max3A_647 = vector.broadcast %max3A_646 : f32 to vector<512x128xf32>
    %max3A_648 = arith.maximumf %add3A_645, %max3A_647 : vector<512x128xf32>
    %add3A_649 = arith.addf %max3A_648, %mul3A_642 : vector<512x128xf32>
    %exp3A_650 = math.exp %add3A_649 : vector<512x128xf32>
    %mul3A_651 = vector.broadcast %get3A_635 : vector<1x128xf32> to vector<512x128xf32>
    %mul3A_652 = arith.mulf %mul3A_651, %exp3A_650 : vector<512x128xf32>
    %get3A_653 = arith.constant 1792 : index
    %get3A_654 = arith.constant 0 : index
    %get3A_655 = vector.load %arg8[%get3A_653, %get3A_654] : memref<2048x64xf32, #tpu.memory_space<vmem>>, vector<128x64xf32>
    %dot_general3A_656 = arith.constant dense<0.000000e+00> : vector<512x64xf32>
    %dot_general3A_657 = tpu.matmul %mul3A_652, %get3A_655, %dot_general3A_656 {dimension_numbers = #tpu.dot_dimension_numbers<[1], [0], [0], [1], [0, 0, 1, 1], [], []>, transpose_lhs_hint = false} : vector<512x128xf32>, vector<128x64xf32>, vector<512x64xf32> -> vector<512x64xf32>
    %add3A_658 = arith.addf %add3A_614, %dot_general3A_657 : vector<512x64xf32>
    %reduce_sum3A_659 = arith.constant dense<0.000000e+00> : vector<512xf32>
    %reduce_sum3A_660 = vector.multi_reduction <add>, %mul3A_652, %reduce_sum3A_659 [1] : vector<512x128xf32> to vector<512xf32>
    %broadcast_in_dim3A_661 = vector.shape_cast %reduce_sum3A_660 : vector<512xf32> to vector<512x1xf32>
    %add3A_662 = arith.addf %add3A_618, %broadcast_in_dim3A_661 : vector<512x1xf32>
    %mul3A_663 = arith.constant 5.000000e-01 : f32
    %mul3A_664 = vector.broadcast %mul3A_663 : f32 to vector<512x128xf32>
    %mul3A_665 = arith.mulf %floor3A_622, %mul3A_664 : vector<512x128xf32>
    %floor3A_666 = math.floor %mul3A_665 : vector<512x128xf32>
    %mul3A_667 = arith.constant 2.000000e+00 : f32
    %mul3A_668 = vector.broadcast %mul3A_667 : f32 to vector<512x128xf32>
    %mul3A_669 = arith.mulf %mul3A_668, %floor3A_666 : vector<512x128xf32>
    %sub3A_670 = arith.subf %floor3A_622, %mul3A_669 : vector<512x128xf32>
    %get3A_671 = arith.constant 0 : index
    %get3A_672 = arith.constant 1920 : index
    %get3A_673 = vector.load %arg5[%get3A_671, %get3A_672] : memref<1x2048xf32, #tpu.memory_space<vmem>>, vector<1x128xf32>
    %get3A_674 = arith.constant 0 : index
    %get3A_675 = arith.constant 1920 : index
    %get3A_676 = vector.load %arg6[%get3A_674, %get3A_675] : memref<1x2048xf32, #tpu.memory_space<vmem>>, vector<1x128xf32>
    %get3A_677 = arith.constant 0 : index
    %get3A_678 = arith.constant 1920 : index
    %get3A_679 = vector.load %arg7[%get3A_677, %get3A_678] : memref<1x2048xf32, #tpu.memory_space<vmem>>, vector<1x128xf32>
    %add3A_680 = vector.broadcast %get3A_4 : vector<512x1xf32> to vector<512x128xf32>
    %add3A_681 = vector.broadcast %get3A_676 : vector<1x128xf32> to vector<512x128xf32>
    %add3A_682 = arith.addf %add3A_680, %add3A_681 : vector<512x128xf32>
    %mul3A_683 = arith.mulf %sub3A_670, %add3A_682 : vector<512x128xf32>
    %mul3A_684 = arith.constant 5.000000e-01 : f32
    %mul3A_685 = vector.broadcast %mul3A_684 : f32 to vector<512x128xf32>
    %mul3A_686 = arith.mulf %mul3A_683, %mul3A_685 : vector<512x128xf32>
    %add3A_687 = vector.broadcast %get3A_1 : vector<512x1xf32> to vector<512x128xf32>
    %add3A_688 = vector.broadcast %get3A_673 : vector<1x128xf32> to vector<512x128xf32>
    %add3A_689 = arith.addf %add3A_687, %add3A_688 : vector<512x128xf32>
    %max3A_690 = arith.constant 0.000000e+00 : f32
    %max3A_691 = vector.broadcast %max3A_690 : f32 to vector<512x128xf32>
    %max3A_692 = arith.maximumf %add3A_689, %max3A_691 : vector<512x128xf32>
    %add3A_693 = arith.addf %max3A_692, %mul3A_686 : vector<512x128xf32>
    %exp3A_694 = math.exp %add3A_693 : vector<512x128xf32>
    %mul3A_695 = vector.broadcast %get3A_679 : vector<1x128xf32> to vector<512x128xf32>
    %mul3A_696 = arith.mulf %mul3A_695, %exp3A_694 : vector<512x128xf32>
    %get3A_697 = arith.constant 1920 : index
    %get3A_698 = arith.constant 0 : index
    %get3A_699 = vector.load %arg8[%get3A_697, %get3A_698] : memref<2048x64xf32, #tpu.memory_space<vmem>>, vector<128x64xf32>
    %dot_general3A_700 = arith.constant dense<0.000000e+00> : vector<512x64xf32>
    %dot_general3A_701 = tpu.matmul %mul3A_696, %get3A_699, %dot_general3A_700 {dimension_numbers = #tpu.dot_dimension_numbers<[1], [0], [0], [1], [0, 0, 1, 1], [], []>, transpose_lhs_hint = false} : vector<512x128xf32>, vector<128x64xf32>, vector<512x64xf32> -> vector<512x64xf32>
    %add3A_702 = arith.addf %add3A_658, %dot_general3A_701 : vector<512x64xf32>
    %reduce_sum3A_703 = arith.constant dense<0.000000e+00> : vector<512xf32>
    %reduce_sum3A_704 = vector.multi_reduction <add>, %mul3A_696, %reduce_sum3A_703 [1] : vector<512x128xf32> to vector<512xf32>
    %broadcast_in_dim3A_705 = vector.shape_cast %reduce_sum3A_704 : vector<512xf32> to vector<512x1xf32>
    %add3A_706 = arith.addf %add3A_662, %broadcast_in_dim3A_705 : vector<512x1xf32>
    %broadcast_in_dim3A_707 = vector.shape_cast %add3A_706 : vector<512x1xf32> to vector<512x1xf32>
    %broadcast_in_dim3A_708 = vector.broadcast %broadcast_in_dim3A_707 : vector<512x1xf32> to vector<512x64xf32>
    %concatenate3A = tpu.concatenate %add3A_702, %broadcast_in_dim3A_708 in 1 : vector<512x64xf32>, vector<512x64xf32> -> vector<512x128xf32>
    %eq3A = arith.constant 0 : i32
    %eq3A_709 = arith.cmpi eq, %arg1, %eq3A : i32
    %convert_element_type3A = arith.extui %eq3A_709 : i1 to i32
    %cond3A = arith.constant 0 : i32
    %cond3A_710 = arith.cmpi ne, %convert_element_type3A, %cond3A : i32
    scf.if %cond3A_710 {
      %swap3A = arith.constant 0 : index
      %swap3A_715 = arith.constant 0 : index
      %swap3A_716 = vector.load %arg9[%swap3A, %swap3A_715] : memref<512x128xf32, #tpu.memory_space<vmem>>, vector<512x128xf32>
      tpu.vector_store %arg9[%swap3A, %swap3A_715], %concatenate3A {strides = array<i32>} : memref<512x128xf32, #tpu.memory_space<vmem>>, vector<512x128xf32>,
    } else {
    }
    %gt3A = arith.constant 0 : i32
    %gt3A_711 = arith.cmpi sgt, %arg1, %gt3A : i32
    %convert_element_type3A_712 = arith.extui %gt3A_711 : i1 to i32
    %cond3A_713 = arith.constant 0 : i32
    %cond3A_714 = arith.cmpi ne, %convert_element_type3A_712, %cond3A_713 : i32
    scf.if %cond3A_714 {
      %get3A_715 = arith.constant 0 : index
      %get3A_716 = arith.constant 0 : index
      %get3A_717 = vector.load %arg9[%get3A_715, %get3A_716] : memref<512x128xf32, #tpu.memory_space<vmem>>, vector<512x128xf32>
      %add3A_718 = arith.addf %get3A_717, %concatenate3A : vector<512x128xf32>
      %swap3A = arith.constant 0 : index
      %swap3A_719 = arith.constant 0 : index
      %swap3A_720 = vector.load %arg9[%swap3A, %swap3A_719] : memref<512x128xf32, #tpu.memory_space<vmem>>, vector<512x128xf32>
      tpu.vector_store %arg9[%swap3A, %swap3A_719], %add3A_718 {strides = array<i32>} : memref<512x128xf32, #tpu.memory_space<vmem>>, vector<512x128xf32>,
    } else {
    }
    return
  }
  func.func @transform_0(%arg0: i32, %arg1: i32) -> (i32, i32) {
    %c0_i32 = arith.constant 0 : i32
    %c0_i32_0 = arith.constant 0 : i32
    return %arg0, %c0_i32 : i32, i32
  }
  func.func @transform_1(%arg0: i32, %arg1: i32) -> (i32, i32) {
    %c0_i32 = arith.constant 0 : i32
    %c0_i32_0 = arith.constant 0 : i32
    return %arg0, %c0_i32 : i32, i32
  }
  func.func @transform_2(%arg0: i32, %arg1: i32) -> (i32, i32) {
    %c0_i32 = arith.constant 0 : i32
    return %arg0, %arg1 : i32, i32
  }
  func.func @transform_3(%arg0: i32, %arg1: i32) -> (i32, i32) {
    %c0_i32 = arith.constant 0 : i32
    %c0_i32_0 = arith.constant 0 : i32
    return %c0_i32, %arg1 : i32, i32
  }
  func.func @transform_4(%arg0: i32, %arg1: i32) -> (i32, i32) {
    %c0_i32 = arith.constant 0 : i32
    %c0_i32_0 = arith.constant 0 : i32
    return %c0_i32, %arg1 : i32, i32
  }
  func.func @transform_5(%arg0: i32, %arg1: i32) -> (i32, i32) {
    %c0_i32 = arith.constant 0 : i32
    %c0_i32_0 = arith.constant 0 : i32
    return %c0_i32, %arg1 : i32, i32
  }
  func.func @transform_6(%arg0: i32, %arg1: i32) -> (i32, i32) {
    %c0_i32 = arith.constant 0 : i32
    %c0_i32_0 = arith.constant 0 : i32
    return %arg1, %c0_i32 : i32, i32
  }
  func.func @transform_7(%arg0: i32, %arg1: i32) -> (i32, i32) {
    %c0_i32 = arith.constant 0 : i32
    %c0_i32_0 = arith.constant 0 : i32
    return %arg0, %c0_i32 : i32, i32
  }
}

module attributes {stable_mosaic.version = 14 : i64} {
  func.func @_f3_kernel(%arg0: i32, %arg1: i32, %arg2: memref<512x1xf32, #tpu.memory_space<vmem>>, %arg3: memref<512x1xf32, #tpu.memory_space<vmem>>, %arg4: memref<512x1xf32, #tpu.memory_space<vmem>>, %arg5: memref<512x1xf32, #tpu.memory_space<vmem>>, %arg6: memref<512x128xf32, #tpu.memory_space<vmem>>, %arg7: memref<1x2048xf32, #tpu.memory_space<vmem>>, %arg8: memref<1x2048xf32, #tpu.memory_space<vmem>>, %arg9: memref<1x2048xf32, #tpu.memory_space<vmem>>, %arg10: memref<1x2048xf32, #tpu.memory_space<vmem>>, %arg11: memref<2048x64xf32, #tpu.memory_space<vmem>>, %arg12: memref<512x128xf32, #tpu.memory_space<vmem>>) attributes {dimension_semantics = [#tpu.dimension_semantics<parallel>, #tpu.dimension_semantics<arbitrary>], iteration_bounds = array<i64: 5, 5>, scalar_prefetch = 0 : i64, scratch_operands = 0 : i64, tpu.core_type = #tpu.core_type<tc>, window_params = [{transform_indices = @transform_0, window_bounds = array<i64: 512, 1>}, {transform_indices = @transform_1, window_bounds = array<i64: 512, 1>}, {transform_indices = @transform_2, window_bounds = array<i64: 512, 1>}, {transform_indices = @transform_3, window_bounds = array<i64: 512, 1>}, {transform_indices = @transform_4, window_bounds = array<i64: 512, 128>}, {transform_indices = @transform_5, window_bounds = array<i64: 1, 2048>}, {transform_indices = @transform_6, window_bounds = array<i64: 1, 2048>}, {transform_indices = @transform_7, window_bounds = array<i64: 1, 2048>}, {transform_indices = @transform_8, window_bounds = array<i64: 1, 2048>}, {transform_indices = @transform_9, window_bounds = array<i64: 2048, 64>}, {transform_indices = @transform_10, window_bounds = array<i64: 512, 128>}]} {
    %get3A = arith.constant 0 : index
    %get3A_0 = arith.constant 0 : index
    %get3A_1 = vector.load %arg2[%get3A, %get3A_0] : memref<512x1xf32, #tpu.memory_space<vmem>>, vector<512x1xf32>
    %get3A_2 = arith.constant 0 : index
    %get3A_3 = arith.constant 0 : index
    %get3A_4 = vector.load %arg3[%get3A_2, %get3A_3] : memref<512x1xf32, #tpu.memory_space<vmem>>, vector<512x1xf32>
    %get3A_5 = arith.constant 0 : index
    %get3A_6 = arith.constant 0 : index
    %get3A_7 = vector.load %arg4[%get3A_5, %get3A_6] : memref<512x1xf32, #tpu.memory_space<vmem>>, vector<512x1xf32>
    %get3A_8 = arith.constant 0 : index
    %get3A_9 = arith.constant 0 : index
    %get3A_10 = vector.load %arg5[%get3A_8, %get3A_9] : memref<512x1xf32, #tpu.memory_space<vmem>>, vector<512x1xf32>
    %get3A_11 = arith.constant 0 : index
    %get3A_12 = arith.constant 0 : index
    %get3A_13 = vector.load %arg6[%get3A_11, %get3A_12] : memref<512x128xf32, #tpu.memory_space<vmem>>, vector<512x128xf32>
    %broadcast_in_dim3A = arith.constant 0.000000e+00 : f32
    %broadcast_in_dim3A_14 = vector.broadcast %broadcast_in_dim3A : f32 to vector<512x64xf32>
    %broadcast_in_dim3A_15 = arith.constant 0.000000e+00 : f32
    %broadcast_in_dim3A_16 = vector.broadcast %broadcast_in_dim3A_15 : f32 to vector<512x1xf32>
    %mul3A = arith.constant 5.000000e-01 : f32
    %mul3A_17 = vector.broadcast %mul3A : f32 to vector<512x128xf32>
    %mul3A_18 = arith.mulf %get3A_13, %mul3A_17 : vector<512x128xf32>
    %floor3A = math.floor %mul3A_18 : vector<512x128xf32>
    %mul3A_19 = arith.constant 2.000000e+00 : f32
    %mul3A_20 = vector.broadcast %mul3A_19 : f32 to vector<512x128xf32>
    %mul3A_21 = arith.mulf %mul3A_20, %floor3A : vector<512x128xf32>
    %sub3A = arith.subf %get3A_13, %mul3A_21 : vector<512x128xf32>
    %get3A_22 = arith.constant 0 : index
    %get3A_23 = arith.constant 0 : index
    %get3A_24 = vector.load %arg7[%get3A_22, %get3A_23] : memref<1x2048xf32, #tpu.memory_space<vmem>>, vector<1x128xf32>
    %get3A_25 = arith.constant 0 : index
    %get3A_26 = arith.constant 0 : index
    %get3A_27 = vector.load %arg8[%get3A_25, %get3A_26] : memref<1x2048xf32, #tpu.memory_space<vmem>>, vector<1x128xf32>
    %get3A_28 = arith.constant 0 : index
    %get3A_29 = arith.constant 0 : index
    %get3A_30 = vector.load %arg9[%get3A_28, %get3A_29] : memref<1x2048xf32, #tpu.memory_space<vmem>>, vector<1x128xf32>
    %get3A_31 = arith.constant 0 : index
    %get3A_32 = arith.constant 0 : index
    %get3A_33 = vector.load %arg10[%get3A_31, %get3A_32] : memref<1x2048xf32, #tpu.memory_space<vmem>>, vector<1x128xf32>
    %add3A = vector.broadcast %get3A_7 : vector<512x1xf32> to vector<512x128xf32>
    %add3A_34 = vector.broadcast %get3A_30 : vector<1x128xf32> to vector<512x128xf32>
    %add3A_35 = arith.addf %add3A, %add3A_34 : vector<512x128xf32>
    %mul3A_36 = arith.mulf %sub3A, %add3A_35 : vector<512x128xf32>
    %mul3A_37 = arith.constant 5.000000e-01 : f32
    %mul3A_38 = vector.broadcast %mul3A_37 : f32 to vector<512x128xf32>
    %mul3A_39 = arith.mulf %mul3A_36, %mul3A_38 : vector<512x128xf32>
    %add3A_40 = vector.broadcast %get3A_4 : vector<512x1xf32> to vector<512x128xf32>
    %add3A_41 = vector.broadcast %get3A_24 : vector<1x128xf32> to vector<512x128xf32>
    %add3A_42 = arith.addf %add3A_40, %add3A_41 : vector<512x128xf32>
    %max3A = arith.constant 0.000000e+00 : f32
    %max3A_43 = vector.broadcast %max3A : f32 to vector<512x128xf32>
    %max3A_44 = arith.maximumf %add3A_42, %max3A_43 : vector<512x128xf32>
    %add3A_45 = arith.addf %max3A_44, %mul3A_39 : vector<512x128xf32>
    %exp3A = math.exp %add3A_45 : vector<512x128xf32>
    %mul3A_46 = vector.broadcast %get3A_10 : vector<512x1xf32> to vector<512x128xf32>
    %mul3A_47 = arith.mulf %exp3A, %mul3A_46 : vector<512x128xf32>
    %add3A_48 = vector.broadcast %get3A_1 : vector<512x1xf32> to vector<512x128xf32>
    %add3A_49 = vector.broadcast %get3A_27 : vector<1x128xf32> to vector<512x128xf32>
    %add3A_50 = arith.addf %add3A_48, %add3A_49 : vector<512x128xf32>
    %max3A_51 = arith.constant 0.000000e+00 : f32
    %max3A_52 = vector.broadcast %max3A_51 : f32 to vector<512x128xf32>
    %max3A_53 = arith.maximumf %add3A_50, %max3A_52 : vector<512x128xf32>
    %add3A_54 = arith.addf %max3A_53, %mul3A_47 : vector<512x128xf32>
    %exp3A_55 = math.exp %add3A_54 : vector<512x128xf32>
    %mul3A_56 = vector.broadcast %get3A_33 : vector<1x128xf32> to vector<512x128xf32>
    %mul3A_57 = arith.mulf %mul3A_56, %exp3A_55 : vector<512x128xf32>
    %get3A_58 = arith.constant 0 : index
    %get3A_59 = arith.constant 0 : index
    %get3A_60 = vector.load %arg11[%get3A_58, %get3A_59] : memref<2048x64xf32, #tpu.memory_space<vmem>>, vector<128x64xf32>
    %dot_general3A = arith.constant dense<0.000000e+00> : vector<512x64xf32>
    %dot_general3A_61 = tpu.matmul %mul3A_57, %get3A_60, %dot_general3A {dimension_numbers = #tpu.dot_dimension_numbers<[1], [0], [0], [1], [0, 0, 1, 1], [], []>, transpose_lhs_hint = false} : vector<512x128xf32>, vector<128x64xf32>, vector<512x64xf32> -> vector<512x64xf32>
    %add3A_62 = arith.addf %broadcast_in_dim3A_14, %dot_general3A_61 : vector<512x64xf32>
    %reduce_sum3A = arith.constant dense<0.000000e+00> : vector<512xf32>
    %reduce_sum3A_63 = vector.multi_reduction <add>, %mul3A_57, %reduce_sum3A [1] : vector<512x128xf32> to vector<512xf32>
    %broadcast_in_dim3A_64 = vector.shape_cast %reduce_sum3A_63 : vector<512xf32> to vector<512x1xf32>
    %add3A_65 = arith.addf %broadcast_in_dim3A_16, %broadcast_in_dim3A_64 : vector<512x1xf32>
    %mul3A_66 = arith.constant 5.000000e-01 : f32
    %mul3A_67 = vector.broadcast %mul3A_66 : f32 to vector<512x128xf32>
    %mul3A_68 = arith.mulf %floor3A, %mul3A_67 : vector<512x128xf32>
    %floor3A_69 = math.floor %mul3A_68 : vector<512x128xf32>
    %mul3A_70 = arith.constant 2.000000e+00 : f32
    %mul3A_71 = vector.broadcast %mul3A_70 : f32 to vector<512x128xf32>
    %mul3A_72 = arith.mulf %mul3A_71, %floor3A_69 : vector<512x128xf32>
    %sub3A_73 = arith.subf %floor3A, %mul3A_72 : vector<512x128xf32>
    %get3A_74 = arith.constant 0 : index
    %get3A_75 = arith.constant 128 : index
    %get3A_76 = vector.load %arg7[%get3A_74, %get3A_75] : memref<1x2048xf32, #tpu.memory_space<vmem>>, vector<1x128xf32>
    %get3A_77 = arith.constant 0 : index
    %get3A_78 = arith.constant 128 : index
    %get3A_79 = vector.load %arg8[%get3A_77, %get3A_78] : memref<1x2048xf32, #tpu.memory_space<vmem>>, vector<1x128xf32>
    %get3A_80 = arith.constant 0 : index
    %get3A_81 = arith.constant 128 : index
    %get3A_82 = vector.load %arg9[%get3A_80, %get3A_81] : memref<1x2048xf32, #tpu.memory_space<vmem>>, vector<1x128xf32>
    %get3A_83 = arith.constant 0 : index
    %get3A_84 = arith.constant 128 : index
    %get3A_85 = vector.load %arg10[%get3A_83, %get3A_84] : memref<1x2048xf32, #tpu.memory_space<vmem>>, vector<1x128xf32>
    %add3A_86 = vector.broadcast %get3A_7 : vector<512x1xf32> to vector<512x128xf32>
    %add3A_87 = vector.broadcast %get3A_82 : vector<1x128xf32> to vector<512x128xf32>
    %add3A_88 = arith.addf %add3A_86, %add3A_87 : vector<512x128xf32>
    %mul3A_89 = arith.mulf %sub3A_73, %add3A_88 : vector<512x128xf32>
    %mul3A_90 = arith.constant 5.000000e-01 : f32
    %mul3A_91 = vector.broadcast %mul3A_90 : f32 to vector<512x128xf32>
    %mul3A_92 = arith.mulf %mul3A_89, %mul3A_91 : vector<512x128xf32>
    %add3A_93 = vector.broadcast %get3A_4 : vector<512x1xf32> to vector<512x128xf32>
    %add3A_94 = vector.broadcast %get3A_76 : vector<1x128xf32> to vector<512x128xf32>
    %add3A_95 = arith.addf %add3A_93, %add3A_94 : vector<512x128xf32>
    %max3A_96 = arith.constant 0.000000e+00 : f32
    %max3A_97 = vector.broadcast %max3A_96 : f32 to vector<512x128xf32>
    %max3A_98 = arith.maximumf %add3A_95, %max3A_97 : vector<512x128xf32>
    %add3A_99 = arith.addf %max3A_98, %mul3A_92 : vector<512x128xf32>
    %exp3A_100 = math.exp %add3A_99 : vector<512x128xf32>
    %mul3A_101 = vector.broadcast %get3A_10 : vector<512x1xf32> to vector<512x128xf32>
    %mul3A_102 = arith.mulf %exp3A_100, %mul3A_101 : vector<512x128xf32>
    %add3A_103 = vector.broadcast %get3A_1 : vector<512x1xf32> to vector<512x128xf32>
    %add3A_104 = vector.broadcast %get3A_79 : vector<1x128xf32> to vector<512x128xf32>
    %add3A_105 = arith.addf %add3A_103, %add3A_104 : vector<512x128xf32>
    %max3A_106 = arith.constant 0.000000e+00 : f32
    %max3A_107 = vector.broadcast %max3A_106 : f32 to vector<512x128xf32>
    %max3A_108 = arith.maximumf %add3A_105, %max3A_107 : vector<512x128xf32>
    %add3A_109 = arith.addf %max3A_108, %mul3A_102 : vector<512x128xf32>
    %exp3A_110 = math.exp %add3A_109 : vector<512x128xf32>
    %mul3A_111 = vector.broadcast %get3A_85 : vector<1x128xf32> to vector<512x128xf32>
    %mul3A_112 = arith.mulf %mul3A_111, %exp3A_110 : vector<512x128xf32>
    %get3A_113 = arith.constant 128 : index
    %get3A_114 = arith.constant 0 : index
    %get3A_115 = vector.load %arg11[%get3A_113, %get3A_114] : memref<2048x64xf32, #tpu.memory_space<vmem>>, vector<128x64xf32>
    %dot_general3A_116 = arith.constant dense<0.000000e+00> : vector<512x64xf32>
    %dot_general3A_117 = tpu.matmul %mul3A_112, %get3A_115, %dot_general3A_116 {dimension_numbers = #tpu.dot_dimension_numbers<[1], [0], [0], [1], [0, 0, 1, 1], [], []>, transpose_lhs_hint = false} : vector<512x128xf32>, vector<128x64xf32>, vector<512x64xf32> -> vector<512x64xf32>
    %add3A_118 = arith.addf %add3A_62, %dot_general3A_117 : vector<512x64xf32>
    %reduce_sum3A_119 = arith.constant dense<0.000000e+00> : vector<512xf32>
    %reduce_sum3A_120 = vector.multi_reduction <add>, %mul3A_112, %reduce_sum3A_119 [1] : vector<512x128xf32> to vector<512xf32>
    %broadcast_in_dim3A_121 = vector.shape_cast %reduce_sum3A_120 : vector<512xf32> to vector<512x1xf32>
    %add3A_122 = arith.addf %add3A_65, %broadcast_in_dim3A_121 : vector<512x1xf32>
    %mul3A_123 = arith.constant 5.000000e-01 : f32
    %mul3A_124 = vector.broadcast %mul3A_123 : f32 to vector<512x128xf32>
    %mul3A_125 = arith.mulf %floor3A_69, %mul3A_124 : vector<512x128xf32>
    %floor3A_126 = math.floor %mul3A_125 : vector<512x128xf32>
    %mul3A_127 = arith.constant 2.000000e+00 : f32
    %mul3A_128 = vector.broadcast %mul3A_127 : f32 to vector<512x128xf32>
    %mul3A_129 = arith.mulf %mul3A_128, %floor3A_126 : vector<512x128xf32>
    %sub3A_130 = arith.subf %floor3A_69, %mul3A_129 : vector<512x128xf32>
    %get3A_131 = arith.constant 0 : index
    %get3A_132 = arith.constant 256 : index
    %get3A_133 = vector.load %arg7[%get3A_131, %get3A_132] : memref<1x2048xf32, #tpu.memory_space<vmem>>, vector<1x128xf32>
    %get3A_134 = arith.constant 0 : index
    %get3A_135 = arith.constant 256 : index
    %get3A_136 = vector.load %arg8[%get3A_134, %get3A_135] : memref<1x2048xf32, #tpu.memory_space<vmem>>, vector<1x128xf32>
    %get3A_137 = arith.constant 0 : index
    %get3A_138 = arith.constant 256 : index
    %get3A_139 = vector.load %arg9[%get3A_137, %get3A_138] : memref<1x2048xf32, #tpu.memory_space<vmem>>, vector<1x128xf32>
    %get3A_140 = arith.constant 0 : index
    %get3A_141 = arith.constant 256 : index
    %get3A_142 = vector.load %arg10[%get3A_140, %get3A_141] : memref<1x2048xf32, #tpu.memory_space<vmem>>, vector<1x128xf32>
    %add3A_143 = vector.broadcast %get3A_7 : vector<512x1xf32> to vector<512x128xf32>
    %add3A_144 = vector.broadcast %get3A_139 : vector<1x128xf32> to vector<512x128xf32>
    %add3A_145 = arith.addf %add3A_143, %add3A_144 : vector<512x128xf32>
    %mul3A_146 = arith.mulf %sub3A_130, %add3A_145 : vector<512x128xf32>
    %mul3A_147 = arith.constant 5.000000e-01 : f32
    %mul3A_148 = vector.broadcast %mul3A_147 : f32 to vector<512x128xf32>
    %mul3A_149 = arith.mulf %mul3A_146, %mul3A_148 : vector<512x128xf32>
    %add3A_150 = vector.broadcast %get3A_4 : vector<512x1xf32> to vector<512x128xf32>
    %add3A_151 = vector.broadcast %get3A_133 : vector<1x128xf32> to vector<512x128xf32>
    %add3A_152 = arith.addf %add3A_150, %add3A_151 : vector<512x128xf32>
    %max3A_153 = arith.constant 0.000000e+00 : f32
    %max3A_154 = vector.broadcast %max3A_153 : f32 to vector<512x128xf32>
    %max3A_155 = arith.maximumf %add3A_152, %max3A_154 : vector<512x128xf32>
    %add3A_156 = arith.addf %max3A_155, %mul3A_149 : vector<512x128xf32>
    %exp3A_157 = math.exp %add3A_156 : vector<512x128xf32>
    %mul3A_158 = vector.broadcast %get3A_10 : vector<512x1xf32> to vector<512x128xf32>
    %mul3A_159 = arith.mulf %exp3A_157, %mul3A_158 : vector<512x128xf32>
    %add3A_160 = vector.broadcast %get3A_1 : vector<512x1xf32> to vector<512x128xf32>
    %add3A_161 = vector.broadcast %get3A_136 : vector<1x128xf32> to vector<512x128xf32>
    %add3A_162 = arith.addf %add3A_160, %add3A_161 : vector<512x128xf32>
    %max3A_163 = arith.constant 0.000000e+00 : f32
    %max3A_164 = vector.broadcast %max3A_163 : f32 to vector<512x128xf32>
    %max3A_165 = arith.maximumf %add3A_162, %max3A_164 : vector<512x128xf32>
    %add3A_166 = arith.addf %max3A_165, %mul3A_159 : vector<512x128xf32>
    %exp3A_167 = math.exp %add3A_166 : vector<512x128xf32>
    %mul3A_168 = vector.broadcast %get3A_142 : vector<1x128xf32> to vector<512x128xf32>
    %mul3A_169 = arith.mulf %mul3A_168, %exp3A_167 : vector<512x128xf32>
    %get3A_170 = arith.constant 256 : index
    %get3A_171 = arith.constant 0 : index
    %get3A_172 = vector.load %arg11[%get3A_170, %get3A_171] : memref<2048x64xf32, #tpu.memory_space<vmem>>, vector<128x64xf32>
    %dot_general3A_173 = arith.constant dense<0.000000e+00> : vector<512x64xf32>
    %dot_general3A_174 = tpu.matmul %mul3A_169, %get3A_172, %dot_general3A_173 {dimension_numbers = #tpu.dot_dimension_numbers<[1], [0], [0], [1], [0, 0, 1, 1], [], []>, transpose_lhs_hint = false} : vector<512x128xf32>, vector<128x64xf32>, vector<512x64xf32> -> vector<512x64xf32>
    %add3A_175 = arith.addf %add3A_118, %dot_general3A_174 : vector<512x64xf32>
    %reduce_sum3A_176 = arith.constant dense<0.000000e+00> : vector<512xf32>
    %reduce_sum3A_177 = vector.multi_reduction <add>, %mul3A_169, %reduce_sum3A_176 [1] : vector<512x128xf32> to vector<512xf32>
    %broadcast_in_dim3A_178 = vector.shape_cast %reduce_sum3A_177 : vector<512xf32> to vector<512x1xf32>
    %add3A_179 = arith.addf %add3A_122, %broadcast_in_dim3A_178 : vector<512x1xf32>
    %mul3A_180 = arith.constant 5.000000e-01 : f32
    %mul3A_181 = vector.broadcast %mul3A_180 : f32 to vector<512x128xf32>
    %mul3A_182 = arith.mulf %floor3A_126, %mul3A_181 : vector<512x128xf32>
    %floor3A_183 = math.floor %mul3A_182 : vector<512x128xf32>
    %mul3A_184 = arith.constant 2.000000e+00 : f32
    %mul3A_185 = vector.broadcast %mul3A_184 : f32 to vector<512x128xf32>
    %mul3A_186 = arith.mulf %mul3A_185, %floor3A_183 : vector<512x128xf32>
    %sub3A_187 = arith.subf %floor3A_126, %mul3A_186 : vector<512x128xf32>
    %get3A_188 = arith.constant 0 : index
    %get3A_189 = arith.constant 384 : index
    %get3A_190 = vector.load %arg7[%get3A_188, %get3A_189] : memref<1x2048xf32, #tpu.memory_space<vmem>>, vector<1x128xf32>
    %get3A_191 = arith.constant 0 : index
    %get3A_192 = arith.constant 384 : index
    %get3A_193 = vector.load %arg8[%get3A_191, %get3A_192] : memref<1x2048xf32, #tpu.memory_space<vmem>>, vector<1x128xf32>
    %get3A_194 = arith.constant 0 : index
    %get3A_195 = arith.constant 384 : index
    %get3A_196 = vector.load %arg9[%get3A_194, %get3A_195] : memref<1x2048xf32, #tpu.memory_space<vmem>>, vector<1x128xf32>
    %get3A_197 = arith.constant 0 : index
    %get3A_198 = arith.constant 384 : index
    %get3A_199 = vector.load %arg10[%get3A_197, %get3A_198] : memref<1x2048xf32, #tpu.memory_space<vmem>>, vector<1x128xf32>
    %add3A_200 = vector.broadcast %get3A_7 : vector<512x1xf32> to vector<512x128xf32>
    %add3A_201 = vector.broadcast %get3A_196 : vector<1x128xf32> to vector<512x128xf32>
    %add3A_202 = arith.addf %add3A_200, %add3A_201 : vector<512x128xf32>
    %mul3A_203 = arith.mulf %sub3A_187, %add3A_202 : vector<512x128xf32>
    %mul3A_204 = arith.constant 5.000000e-01 : f32
    %mul3A_205 = vector.broadcast %mul3A_204 : f32 to vector<512x128xf32>
    %mul3A_206 = arith.mulf %mul3A_203, %mul3A_205 : vector<512x128xf32>
    %add3A_207 = vector.broadcast %get3A_4 : vector<512x1xf32> to vector<512x128xf32>
    %add3A_208 = vector.broadcast %get3A_190 : vector<1x128xf32> to vector<512x128xf32>
    %add3A_209 = arith.addf %add3A_207, %add3A_208 : vector<512x128xf32>
    %max3A_210 = arith.constant 0.000000e+00 : f32
    %max3A_211 = vector.broadcast %max3A_210 : f32 to vector<512x128xf32>
    %max3A_212 = arith.maximumf %add3A_209, %max3A_211 : vector<512x128xf32>
    %add3A_213 = arith.addf %max3A_212, %mul3A_206 : vector<512x128xf32>
    %exp3A_214 = math.exp %add3A_213 : vector<512x128xf32>
    %mul3A_215 = vector.broadcast %get3A_10 : vector<512x1xf32> to vector<512x128xf32>
    %mul3A_216 = arith.mulf %exp3A_214, %mul3A_215 : vector<512x128xf32>
    %add3A_217 = vector.broadcast %get3A_1 : vector<512x1xf32> to vector<512x128xf32>
    %add3A_218 = vector.broadcast %get3A_193 : vector<1x128xf32> to vector<512x128xf32>
    %add3A_219 = arith.addf %add3A_217, %add3A_218 : vector<512x128xf32>
    %max3A_220 = arith.constant 0.000000e+00 : f32
    %max3A_221 = vector.broadcast %max3A_220 : f32 to vector<512x128xf32>
    %max3A_222 = arith.maximumf %add3A_219, %max3A_221 : vector<512x128xf32>
    %add3A_223 = arith.addf %max3A_222, %mul3A_216 : vector<512x128xf32>
    %exp3A_224 = math.exp %add3A_223 : vector<512x128xf32>
    %mul3A_225 = vector.broadcast %get3A_199 : vector<1x128xf32> to vector<512x128xf32>
    %mul3A_226 = arith.mulf %mul3A_225, %exp3A_224 : vector<512x128xf32>
    %get3A_227 = arith.constant 384 : index
    %get3A_228 = arith.constant 0 : index
    %get3A_229 = vector.load %arg11[%get3A_227, %get3A_228] : memref<2048x64xf32, #tpu.memory_space<vmem>>, vector<128x64xf32>
    %dot_general3A_230 = arith.constant dense<0.000000e+00> : vector<512x64xf32>
    %dot_general3A_231 = tpu.matmul %mul3A_226, %get3A_229, %dot_general3A_230 {dimension_numbers = #tpu.dot_dimension_numbers<[1], [0], [0], [1], [0, 0, 1, 1], [], []>, transpose_lhs_hint = false} : vector<512x128xf32>, vector<128x64xf32>, vector<512x64xf32> -> vector<512x64xf32>
    %add3A_232 = arith.addf %add3A_175, %dot_general3A_231 : vector<512x64xf32>
    %reduce_sum3A_233 = arith.constant dense<0.000000e+00> : vector<512xf32>
    %reduce_sum3A_234 = vector.multi_reduction <add>, %mul3A_226, %reduce_sum3A_233 [1] : vector<512x128xf32> to vector<512xf32>
    %broadcast_in_dim3A_235 = vector.shape_cast %reduce_sum3A_234 : vector<512xf32> to vector<512x1xf32>
    %add3A_236 = arith.addf %add3A_179, %broadcast_in_dim3A_235 : vector<512x1xf32>
    %mul3A_237 = arith.constant 5.000000e-01 : f32
    %mul3A_238 = vector.broadcast %mul3A_237 : f32 to vector<512x128xf32>
    %mul3A_239 = arith.mulf %floor3A_183, %mul3A_238 : vector<512x128xf32>
    %floor3A_240 = math.floor %mul3A_239 : vector<512x128xf32>
    %mul3A_241 = arith.constant 2.000000e+00 : f32
    %mul3A_242 = vector.broadcast %mul3A_241 : f32 to vector<512x128xf32>
    %mul3A_243 = arith.mulf %mul3A_242, %floor3A_240 : vector<512x128xf32>
    %sub3A_244 = arith.subf %floor3A_183, %mul3A_243 : vector<512x128xf32>
    %get3A_245 = arith.constant 0 : index
    %get3A_246 = arith.constant 512 : index
    %get3A_247 = vector.load %arg7[%get3A_245, %get3A_246] : memref<1x2048xf32, #tpu.memory_space<vmem>>, vector<1x128xf32>
    %get3A_248 = arith.constant 0 : index
    %get3A_249 = arith.constant 512 : index
    %get3A_250 = vector.load %arg8[%get3A_248, %get3A_249] : memref<1x2048xf32, #tpu.memory_space<vmem>>, vector<1x128xf32>
    %get3A_251 = arith.constant 0 : index
    %get3A_252 = arith.constant 512 : index
    %get3A_253 = vector.load %arg9[%get3A_251, %get3A_252] : memref<1x2048xf32, #tpu.memory_space<vmem>>, vector<1x128xf32>
    %get3A_254 = arith.constant 0 : index
    %get3A_255 = arith.constant 512 : index
    %get3A_256 = vector.load %arg10[%get3A_254, %get3A_255] : memref<1x2048xf32, #tpu.memory_space<vmem>>, vector<1x128xf32>
    %add3A_257 = vector.broadcast %get3A_7 : vector<512x1xf32> to vector<512x128xf32>
    %add3A_258 = vector.broadcast %get3A_253 : vector<1x128xf32> to vector<512x128xf32>
    %add3A_259 = arith.addf %add3A_257, %add3A_258 : vector<512x128xf32>
    %mul3A_260 = arith.mulf %sub3A_244, %add3A_259 : vector<512x128xf32>
    %mul3A_261 = arith.constant 5.000000e-01 : f32
    %mul3A_262 = vector.broadcast %mul3A_261 : f32 to vector<512x128xf32>
    %mul3A_263 = arith.mulf %mul3A_260, %mul3A_262 : vector<512x128xf32>
    %add3A_264 = vector.broadcast %get3A_4 : vector<512x1xf32> to vector<512x128xf32>
    %add3A_265 = vector.broadcast %get3A_247 : vector<1x128xf32> to vector<512x128xf32>
    %add3A_266 = arith.addf %add3A_264, %add3A_265 : vector<512x128xf32>
    %max3A_267 = arith.constant 0.000000e+00 : f32
    %max3A_268 = vector.broadcast %max3A_267 : f32 to vector<512x128xf32>
    %max3A_269 = arith.maximumf %add3A_266, %max3A_268 : vector<512x128xf32>
    %add3A_270 = arith.addf %max3A_269, %mul3A_263 : vector<512x128xf32>
    %exp3A_271 = math.exp %add3A_270 : vector<512x128xf32>
    %mul3A_272 = vector.broadcast %get3A_10 : vector<512x1xf32> to vector<512x128xf32>
    %mul3A_273 = arith.mulf %exp3A_271, %mul3A_272 : vector<512x128xf32>
    %add3A_274 = vector.broadcast %get3A_1 : vector<512x1xf32> to vector<512x128xf32>
    %add3A_275 = vector.broadcast %get3A_250 : vector<1x128xf32> to vector<512x128xf32>
    %add3A_276 = arith.addf %add3A_274, %add3A_275 : vector<512x128xf32>
    %max3A_277 = arith.constant 0.000000e+00 : f32
    %max3A_278 = vector.broadcast %max3A_277 : f32 to vector<512x128xf32>
    %max3A_279 = arith.maximumf %add3A_276, %max3A_278 : vector<512x128xf32>
    %add3A_280 = arith.addf %max3A_279, %mul3A_273 : vector<512x128xf32>
    %exp3A_281 = math.exp %add3A_280 : vector<512x128xf32>
    %mul3A_282 = vector.broadcast %get3A_256 : vector<1x128xf32> to vector<512x128xf32>
    %mul3A_283 = arith.mulf %mul3A_282, %exp3A_281 : vector<512x128xf32>
    %get3A_284 = arith.constant 512 : index
    %get3A_285 = arith.constant 0 : index
    %get3A_286 = vector.load %arg11[%get3A_284, %get3A_285] : memref<2048x64xf32, #tpu.memory_space<vmem>>, vector<128x64xf32>
    %dot_general3A_287 = arith.constant dense<0.000000e+00> : vector<512x64xf32>
    %dot_general3A_288 = tpu.matmul %mul3A_283, %get3A_286, %dot_general3A_287 {dimension_numbers = #tpu.dot_dimension_numbers<[1], [0], [0], [1], [0, 0, 1, 1], [], []>, transpose_lhs_hint = false} : vector<512x128xf32>, vector<128x64xf32>, vector<512x64xf32> -> vector<512x64xf32>
    %add3A_289 = arith.addf %add3A_232, %dot_general3A_288 : vector<512x64xf32>
    %reduce_sum3A_290 = arith.constant dense<0.000000e+00> : vector<512xf32>
    %reduce_sum3A_291 = vector.multi_reduction <add>, %mul3A_283, %reduce_sum3A_290 [1] : vector<512x128xf32> to vector<512xf32>
    %broadcast_in_dim3A_292 = vector.shape_cast %reduce_sum3A_291 : vector<512xf32> to vector<512x1xf32>
    %add3A_293 = arith.addf %add3A_236, %broadcast_in_dim3A_292 : vector<512x1xf32>
    %mul3A_294 = arith.constant 5.000000e-01 : f32
    %mul3A_295 = vector.broadcast %mul3A_294 : f32 to vector<512x128xf32>
    %mul3A_296 = arith.mulf %floor3A_240, %mul3A_295 : vector<512x128xf32>
    %floor3A_297 = math.floor %mul3A_296 : vector<512x128xf32>
    %mul3A_298 = arith.constant 2.000000e+00 : f32
    %mul3A_299 = vector.broadcast %mul3A_298 : f32 to vector<512x128xf32>
    %mul3A_300 = arith.mulf %mul3A_299, %floor3A_297 : vector<512x128xf32>
    %sub3A_301 = arith.subf %floor3A_240, %mul3A_300 : vector<512x128xf32>
    %get3A_302 = arith.constant 0 : index
    %get3A_303 = arith.constant 640 : index
    %get3A_304 = vector.load %arg7[%get3A_302, %get3A_303] : memref<1x2048xf32, #tpu.memory_space<vmem>>, vector<1x128xf32>
    %get3A_305 = arith.constant 0 : index
    %get3A_306 = arith.constant 640 : index
    %get3A_307 = vector.load %arg8[%get3A_305, %get3A_306] : memref<1x2048xf32, #tpu.memory_space<vmem>>, vector<1x128xf32>
    %get3A_308 = arith.constant 0 : index
    %get3A_309 = arith.constant 640 : index
    %get3A_310 = vector.load %arg9[%get3A_308, %get3A_309] : memref<1x2048xf32, #tpu.memory_space<vmem>>, vector<1x128xf32>
    %get3A_311 = arith.constant 0 : index
    %get3A_312 = arith.constant 640 : index
    %get3A_313 = vector.load %arg10[%get3A_311, %get3A_312] : memref<1x2048xf32, #tpu.memory_space<vmem>>, vector<1x128xf32>
    %add3A_314 = vector.broadcast %get3A_7 : vector<512x1xf32> to vector<512x128xf32>
    %add3A_315 = vector.broadcast %get3A_310 : vector<1x128xf32> to vector<512x128xf32>
    %add3A_316 = arith.addf %add3A_314, %add3A_315 : vector<512x128xf32>
    %mul3A_317 = arith.mulf %sub3A_301, %add3A_316 : vector<512x128xf32>
    %mul3A_318 = arith.constant 5.000000e-01 : f32
    %mul3A_319 = vector.broadcast %mul3A_318 : f32 to vector<512x128xf32>
    %mul3A_320 = arith.mulf %mul3A_317, %mul3A_319 : vector<512x128xf32>
    %add3A_321 = vector.broadcast %get3A_4 : vector<512x1xf32> to vector<512x128xf32>
    %add3A_322 = vector.broadcast %get3A_304 : vector<1x128xf32> to vector<512x128xf32>
    %add3A_323 = arith.addf %add3A_321, %add3A_322 : vector<512x128xf32>
    %max3A_324 = arith.constant 0.000000e+00 : f32
    %max3A_325 = vector.broadcast %max3A_324 : f32 to vector<512x128xf32>
    %max3A_326 = arith.maximumf %add3A_323, %max3A_325 : vector<512x128xf32>
    %add3A_327 = arith.addf %max3A_326, %mul3A_320 : vector<512x128xf32>
    %exp3A_328 = math.exp %add3A_327 : vector<512x128xf32>
    %mul3A_329 = vector.broadcast %get3A_10 : vector<512x1xf32> to vector<512x128xf32>
    %mul3A_330 = arith.mulf %exp3A_328, %mul3A_329 : vector<512x128xf32>
    %add3A_331 = vector.broadcast %get3A_1 : vector<512x1xf32> to vector<512x128xf32>
    %add3A_332 = vector.broadcast %get3A_307 : vector<1x128xf32> to vector<512x128xf32>
    %add3A_333 = arith.addf %add3A_331, %add3A_332 : vector<512x128xf32>
    %max3A_334 = arith.constant 0.000000e+00 : f32
    %max3A_335 = vector.broadcast %max3A_334 : f32 to vector<512x128xf32>
    %max3A_336 = arith.maximumf %add3A_333, %max3A_335 : vector<512x128xf32>
    %add3A_337 = arith.addf %max3A_336, %mul3A_330 : vector<512x128xf32>
    %exp3A_338 = math.exp %add3A_337 : vector<512x128xf32>
    %mul3A_339 = vector.broadcast %get3A_313 : vector<1x128xf32> to vector<512x128xf32>
    %mul3A_340 = arith.mulf %mul3A_339, %exp3A_338 : vector<512x128xf32>
    %get3A_341 = arith.constant 640 : index
    %get3A_342 = arith.constant 0 : index
    %get3A_343 = vector.load %arg11[%get3A_341, %get3A_342] : memref<2048x64xf32, #tpu.memory_space<vmem>>, vector<128x64xf32>
    %dot_general3A_344 = arith.constant dense<0.000000e+00> : vector<512x64xf32>
    %dot_general3A_345 = tpu.matmul %mul3A_340, %get3A_343, %dot_general3A_344 {dimension_numbers = #tpu.dot_dimension_numbers<[1], [0], [0], [1], [0, 0, 1, 1], [], []>, transpose_lhs_hint = false} : vector<512x128xf32>, vector<128x64xf32>, vector<512x64xf32> -> vector<512x64xf32>
    %add3A_346 = arith.addf %add3A_289, %dot_general3A_345 : vector<512x64xf32>
    %reduce_sum3A_347 = arith.constant dense<0.000000e+00> : vector<512xf32>
    %reduce_sum3A_348 = vector.multi_reduction <add>, %mul3A_340, %reduce_sum3A_347 [1] : vector<512x128xf32> to vector<512xf32>
    %broadcast_in_dim3A_349 = vector.shape_cast %reduce_sum3A_348 : vector<512xf32> to vector<512x1xf32>
    %add3A_350 = arith.addf %add3A_293, %broadcast_in_dim3A_349 : vector<512x1xf32>
    %mul3A_351 = arith.constant 5.000000e-01 : f32
    %mul3A_352 = vector.broadcast %mul3A_351 : f32 to vector<512x128xf32>
    %mul3A_353 = arith.mulf %floor3A_297, %mul3A_352 : vector<512x128xf32>
    %floor3A_354 = math.floor %mul3A_353 : vector<512x128xf32>
    %mul3A_355 = arith.constant 2.000000e+00 : f32
    %mul3A_356 = vector.broadcast %mul3A_355 : f32 to vector<512x128xf32>
    %mul3A_357 = arith.mulf %mul3A_356, %floor3A_354 : vector<512x128xf32>
    %sub3A_358 = arith.subf %floor3A_297, %mul3A_357 : vector<512x128xf32>
    %get3A_359 = arith.constant 0 : index
    %get3A_360 = arith.constant 768 : index
    %get3A_361 = vector.load %arg7[%get3A_359, %get3A_360] : memref<1x2048xf32, #tpu.memory_space<vmem>>, vector<1x128xf32>
    %get3A_362 = arith.constant 0 : index
    %get3A_363 = arith.constant 768 : index
    %get3A_364 = vector.load %arg8[%get3A_362, %get3A_363] : memref<1x2048xf32, #tpu.memory_space<vmem>>, vector<1x128xf32>
    %get3A_365 = arith.constant 0 : index
    %get3A_366 = arith.constant 768 : index
    %get3A_367 = vector.load %arg9[%get3A_365, %get3A_366] : memref<1x2048xf32, #tpu.memory_space<vmem>>, vector<1x128xf32>
    %get3A_368 = arith.constant 0 : index
    %get3A_369 = arith.constant 768 : index
    %get3A_370 = vector.load %arg10[%get3A_368, %get3A_369] : memref<1x2048xf32, #tpu.memory_space<vmem>>, vector<1x128xf32>
    %add3A_371 = vector.broadcast %get3A_7 : vector<512x1xf32> to vector<512x128xf32>
    %add3A_372 = vector.broadcast %get3A_367 : vector<1x128xf32> to vector<512x128xf32>
    %add3A_373 = arith.addf %add3A_371, %add3A_372 : vector<512x128xf32>
    %mul3A_374 = arith.mulf %sub3A_358, %add3A_373 : vector<512x128xf32>
    %mul3A_375 = arith.constant 5.000000e-01 : f32
    %mul3A_376 = vector.broadcast %mul3A_375 : f32 to vector<512x128xf32>
    %mul3A_377 = arith.mulf %mul3A_374, %mul3A_376 : vector<512x128xf32>
    %add3A_378 = vector.broadcast %get3A_4 : vector<512x1xf32> to vector<512x128xf32>
    %add3A_379 = vector.broadcast %get3A_361 : vector<1x128xf32> to vector<512x128xf32>
    %add3A_380 = arith.addf %add3A_378, %add3A_379 : vector<512x128xf32>
    %max3A_381 = arith.constant 0.000000e+00 : f32
    %max3A_382 = vector.broadcast %max3A_381 : f32 to vector<512x128xf32>
    %max3A_383 = arith.maximumf %add3A_380, %max3A_382 : vector<512x128xf32>
    %add3A_384 = arith.addf %max3A_383, %mul3A_377 : vector<512x128xf32>
    %exp3A_385 = math.exp %add3A_384 : vector<512x128xf32>
    %mul3A_386 = vector.broadcast %get3A_10 : vector<512x1xf32> to vector<512x128xf32>
    %mul3A_387 = arith.mulf %exp3A_385, %mul3A_386 : vector<512x128xf32>
    %add3A_388 = vector.broadcast %get3A_1 : vector<512x1xf32> to vector<512x128xf32>
    %add3A_389 = vector.broadcast %get3A_364 : vector<1x128xf32> to vector<512x128xf32>
    %add3A_390 = arith.addf %add3A_388, %add3A_389 : vector<512x128xf32>
    %max3A_391 = arith.constant 0.000000e+00 : f32
    %max3A_392 = vector.broadcast %max3A_391 : f32 to vector<512x128xf32>
    %max3A_393 = arith.maximumf %add3A_390, %max3A_392 : vector<512x128xf32>
    %add3A_394 = arith.addf %max3A_393, %mul3A_387 : vector<512x128xf32>
    %exp3A_395 = math.exp %add3A_394 : vector<512x128xf32>
    %mul3A_396 = vector.broadcast %get3A_370 : vector<1x128xf32> to vector<512x128xf32>
    %mul3A_397 = arith.mulf %mul3A_396, %exp3A_395 : vector<512x128xf32>
    %get3A_398 = arith.constant 768 : index
    %get3A_399 = arith.constant 0 : index
    %get3A_400 = vector.load %arg11[%get3A_398, %get3A_399] : memref<2048x64xf32, #tpu.memory_space<vmem>>, vector<128x64xf32>
    %dot_general3A_401 = arith.constant dense<0.000000e+00> : vector<512x64xf32>
    %dot_general3A_402 = tpu.matmul %mul3A_397, %get3A_400, %dot_general3A_401 {dimension_numbers = #tpu.dot_dimension_numbers<[1], [0], [0], [1], [0, 0, 1, 1], [], []>, transpose_lhs_hint = false} : vector<512x128xf32>, vector<128x64xf32>, vector<512x64xf32> -> vector<512x64xf32>
    %add3A_403 = arith.addf %add3A_346, %dot_general3A_402 : vector<512x64xf32>
    %reduce_sum3A_404 = arith.constant dense<0.000000e+00> : vector<512xf32>
    %reduce_sum3A_405 = vector.multi_reduction <add>, %mul3A_397, %reduce_sum3A_404 [1] : vector<512x128xf32> to vector<512xf32>
    %broadcast_in_dim3A_406 = vector.shape_cast %reduce_sum3A_405 : vector<512xf32> to vector<512x1xf32>
    %add3A_407 = arith.addf %add3A_350, %broadcast_in_dim3A_406 : vector<512x1xf32>
    %mul3A_408 = arith.constant 5.000000e-01 : f32
    %mul3A_409 = vector.broadcast %mul3A_408 : f32 to vector<512x128xf32>
    %mul3A_410 = arith.mulf %floor3A_354, %mul3A_409 : vector<512x128xf32>
    %floor3A_411 = math.floor %mul3A_410 : vector<512x128xf32>
    %mul3A_412 = arith.constant 2.000000e+00 : f32
    %mul3A_413 = vector.broadcast %mul3A_412 : f32 to vector<512x128xf32>
    %mul3A_414 = arith.mulf %mul3A_413, %floor3A_411 : vector<512x128xf32>
    %sub3A_415 = arith.subf %floor3A_354, %mul3A_414 : vector<512x128xf32>
    %get3A_416 = arith.constant 0 : index
    %get3A_417 = arith.constant 896 : index
    %get3A_418 = vector.load %arg7[%get3A_416, %get3A_417] : memref<1x2048xf32, #tpu.memory_space<vmem>>, vector<1x128xf32>
    %get3A_419 = arith.constant 0 : index
    %get3A_420 = arith.constant 896 : index
    %get3A_421 = vector.load %arg8[%get3A_419, %get3A_420] : memref<1x2048xf32, #tpu.memory_space<vmem>>, vector<1x128xf32>
    %get3A_422 = arith.constant 0 : index
    %get3A_423 = arith.constant 896 : index
    %get3A_424 = vector.load %arg9[%get3A_422, %get3A_423] : memref<1x2048xf32, #tpu.memory_space<vmem>>, vector<1x128xf32>
    %get3A_425 = arith.constant 0 : index
    %get3A_426 = arith.constant 896 : index
    %get3A_427 = vector.load %arg10[%get3A_425, %get3A_426] : memref<1x2048xf32, #tpu.memory_space<vmem>>, vector<1x128xf32>
    %add3A_428 = vector.broadcast %get3A_7 : vector<512x1xf32> to vector<512x128xf32>
    %add3A_429 = vector.broadcast %get3A_424 : vector<1x128xf32> to vector<512x128xf32>
    %add3A_430 = arith.addf %add3A_428, %add3A_429 : vector<512x128xf32>
    %mul3A_431 = arith.mulf %sub3A_415, %add3A_430 : vector<512x128xf32>
    %mul3A_432 = arith.constant 5.000000e-01 : f32
    %mul3A_433 = vector.broadcast %mul3A_432 : f32 to vector<512x128xf32>
    %mul3A_434 = arith.mulf %mul3A_431, %mul3A_433 : vector<512x128xf32>
    %add3A_435 = vector.broadcast %get3A_4 : vector<512x1xf32> to vector<512x128xf32>
    %add3A_436 = vector.broadcast %get3A_418 : vector<1x128xf32> to vector<512x128xf32>
    %add3A_437 = arith.addf %add3A_435, %add3A_436 : vector<512x128xf32>
    %max3A_438 = arith.constant 0.000000e+00 : f32
    %max3A_439 = vector.broadcast %max3A_438 : f32 to vector<512x128xf32>
    %max3A_440 = arith.maximumf %add3A_437, %max3A_439 : vector<512x128xf32>
    %add3A_441 = arith.addf %max3A_440, %mul3A_434 : vector<512x128xf32>
    %exp3A_442 = math.exp %add3A_441 : vector<512x128xf32>
    %mul3A_443 = vector.broadcast %get3A_10 : vector<512x1xf32> to vector<512x128xf32>
    %mul3A_444 = arith.mulf %exp3A_442, %mul3A_443 : vector<512x128xf32>
    %add3A_445 = vector.broadcast %get3A_1 : vector<512x1xf32> to vector<512x128xf32>
    %add3A_446 = vector.broadcast %get3A_421 : vector<1x128xf32> to vector<512x128xf32>
    %add3A_447 = arith.addf %add3A_445, %add3A_446 : vector<512x128xf32>
    %max3A_448 = arith.constant 0.000000e+00 : f32
    %max3A_449 = vector.broadcast %max3A_448 : f32 to vector<512x128xf32>
    %max3A_450 = arith.maximumf %add3A_447, %max3A_449 : vector<512x128xf32>
    %add3A_451 = arith.addf %max3A_450, %mul3A_444 : vector<512x128xf32>
    %exp3A_452 = math.exp %add3A_451 : vector<512x128xf32>
    %mul3A_453 = vector.broadcast %get3A_427 : vector<1x128xf32> to vector<512x128xf32>
    %mul3A_454 = arith.mulf %mul3A_453, %exp3A_452 : vector<512x128xf32>
    %get3A_455 = arith.constant 896 : index
    %get3A_456 = arith.constant 0 : index
    %get3A_457 = vector.load %arg11[%get3A_455, %get3A_456] : memref<2048x64xf32, #tpu.memory_space<vmem>>, vector<128x64xf32>
    %dot_general3A_458 = arith.constant dense<0.000000e+00> : vector<512x64xf32>
    %dot_general3A_459 = tpu.matmul %mul3A_454, %get3A_457, %dot_general3A_458 {dimension_numbers = #tpu.dot_dimension_numbers<[1], [0], [0], [1], [0, 0, 1, 1], [], []>, transpose_lhs_hint = false} : vector<512x128xf32>, vector<128x64xf32>, vector<512x64xf32> -> vector<512x64xf32>
    %add3A_460 = arith.addf %add3A_403, %dot_general3A_459 : vector<512x64xf32>
    %reduce_sum3A_461 = arith.constant dense<0.000000e+00> : vector<512xf32>
    %reduce_sum3A_462 = vector.multi_reduction <add>, %mul3A_454, %reduce_sum3A_461 [1] : vector<512x128xf32> to vector<512xf32>
    %broadcast_in_dim3A_463 = vector.shape_cast %reduce_sum3A_462 : vector<512xf32> to vector<512x1xf32>
    %add3A_464 = arith.addf %add3A_407, %broadcast_in_dim3A_463 : vector<512x1xf32>
    %mul3A_465 = arith.constant 5.000000e-01 : f32
    %mul3A_466 = vector.broadcast %mul3A_465 : f32 to vector<512x128xf32>
    %mul3A_467 = arith.mulf %floor3A_411, %mul3A_466 : vector<512x128xf32>
    %floor3A_468 = math.floor %mul3A_467 : vector<512x128xf32>
    %mul3A_469 = arith.constant 2.000000e+00 : f32
    %mul3A_470 = vector.broadcast %mul3A_469 : f32 to vector<512x128xf32>
    %mul3A_471 = arith.mulf %mul3A_470, %floor3A_468 : vector<512x128xf32>
    %sub3A_472 = arith.subf %floor3A_411, %mul3A_471 : vector<512x128xf32>
    %get3A_473 = arith.constant 0 : index
    %get3A_474 = arith.constant 1024 : index
    %get3A_475 = vector.load %arg7[%get3A_473, %get3A_474] : memref<1x2048xf32, #tpu.memory_space<vmem>>, vector<1x128xf32>
    %get3A_476 = arith.constant 0 : index
    %get3A_477 = arith.constant 1024 : index
    %get3A_478 = vector.load %arg8[%get3A_476, %get3A_477] : memref<1x2048xf32, #tpu.memory_space<vmem>>, vector<1x128xf32>
    %get3A_479 = arith.constant 0 : index
    %get3A_480 = arith.constant 1024 : index
    %get3A_481 = vector.load %arg9[%get3A_479, %get3A_480] : memref<1x2048xf32, #tpu.memory_space<vmem>>, vector<1x128xf32>
    %get3A_482 = arith.constant 0 : index
    %get3A_483 = arith.constant 1024 : index
    %get3A_484 = vector.load %arg10[%get3A_482, %get3A_483] : memref<1x2048xf32, #tpu.memory_space<vmem>>, vector<1x128xf32>
    %add3A_485 = vector.broadcast %get3A_7 : vector<512x1xf32> to vector<512x128xf32>
    %add3A_486 = vector.broadcast %get3A_481 : vector<1x128xf32> to vector<512x128xf32>
    %add3A_487 = arith.addf %add3A_485, %add3A_486 : vector<512x128xf32>
    %mul3A_488 = arith.mulf %sub3A_472, %add3A_487 : vector<512x128xf32>
    %mul3A_489 = arith.constant 5.000000e-01 : f32
    %mul3A_490 = vector.broadcast %mul3A_489 : f32 to vector<512x128xf32>
    %mul3A_491 = arith.mulf %mul3A_488, %mul3A_490 : vector<512x128xf32>
    %add3A_492 = vector.broadcast %get3A_4 : vector<512x1xf32> to vector<512x128xf32>
    %add3A_493 = vector.broadcast %get3A_475 : vector<1x128xf32> to vector<512x128xf32>
    %add3A_494 = arith.addf %add3A_492, %add3A_493 : vector<512x128xf32>
    %max3A_495 = arith.constant 0.000000e+00 : f32
    %max3A_496 = vector.broadcast %max3A_495 : f32 to vector<512x128xf32>
    %max3A_497 = arith.maximumf %add3A_494, %max3A_496 : vector<512x128xf32>
    %add3A_498 = arith.addf %max3A_497, %mul3A_491 : vector<512x128xf32>
    %exp3A_499 = math.exp %add3A_498 : vector<512x128xf32>
    %mul3A_500 = vector.broadcast %get3A_10 : vector<512x1xf32> to vector<512x128xf32>
    %mul3A_501 = arith.mulf %exp3A_499, %mul3A_500 : vector<512x128xf32>
    %add3A_502 = vector.broadcast %get3A_1 : vector<512x1xf32> to vector<512x128xf32>
    %add3A_503 = vector.broadcast %get3A_478 : vector<1x128xf32> to vector<512x128xf32>
    %add3A_504 = arith.addf %add3A_502, %add3A_503 : vector<512x128xf32>
    %max3A_505 = arith.constant 0.000000e+00 : f32
    %max3A_506 = vector.broadcast %max3A_505 : f32 to vector<512x128xf32>
    %max3A_507 = arith.maximumf %add3A_504, %max3A_506 : vector<512x128xf32>
    %add3A_508 = arith.addf %max3A_507, %mul3A_501 : vector<512x128xf32>
    %exp3A_509 = math.exp %add3A_508 : vector<512x128xf32>
    %mul3A_510 = vector.broadcast %get3A_484 : vector<1x128xf32> to vector<512x128xf32>
    %mul3A_511 = arith.mulf %mul3A_510, %exp3A_509 : vector<512x128xf32>
    %get3A_512 = arith.constant 1024 : index
    %get3A_513 = arith.constant 0 : index
    %get3A_514 = vector.load %arg11[%get3A_512, %get3A_513] : memref<2048x64xf32, #tpu.memory_space<vmem>>, vector<128x64xf32>
    %dot_general3A_515 = arith.constant dense<0.000000e+00> : vector<512x64xf32>
    %dot_general3A_516 = tpu.matmul %mul3A_511, %get3A_514, %dot_general3A_515 {dimension_numbers = #tpu.dot_dimension_numbers<[1], [0], [0], [1], [0, 0, 1, 1], [], []>, transpose_lhs_hint = false} : vector<512x128xf32>, vector<128x64xf32>, vector<512x64xf32> -> vector<512x64xf32>
    %add3A_517 = arith.addf %add3A_460, %dot_general3A_516 : vector<512x64xf32>
    %reduce_sum3A_518 = arith.constant dense<0.000000e+00> : vector<512xf32>
    %reduce_sum3A_519 = vector.multi_reduction <add>, %mul3A_511, %reduce_sum3A_518 [1] : vector<512x128xf32> to vector<512xf32>
    %broadcast_in_dim3A_520 = vector.shape_cast %reduce_sum3A_519 : vector<512xf32> to vector<512x1xf32>
    %add3A_521 = arith.addf %add3A_464, %broadcast_in_dim3A_520 : vector<512x1xf32>
    %mul3A_522 = arith.constant 5.000000e-01 : f32
    %mul3A_523 = vector.broadcast %mul3A_522 : f32 to vector<512x128xf32>
    %mul3A_524 = arith.mulf %floor3A_468, %mul3A_523 : vector<512x128xf32>
    %floor3A_525 = math.floor %mul3A_524 : vector<512x128xf32>
    %mul3A_526 = arith.constant 2.000000e+00 : f32
    %mul3A_527 = vector.broadcast %mul3A_526 : f32 to vector<512x128xf32>
    %mul3A_528 = arith.mulf %mul3A_527, %floor3A_525 : vector<512x128xf32>
    %sub3A_529 = arith.subf %floor3A_468, %mul3A_528 : vector<512x128xf32>
    %get3A_530 = arith.constant 0 : index
    %get3A_531 = arith.constant 1152 : index
    %get3A_532 = vector.load %arg7[%get3A_530, %get3A_531] : memref<1x2048xf32, #tpu.memory_space<vmem>>, vector<1x128xf32>
    %get3A_533 = arith.constant 0 : index
    %get3A_534 = arith.constant 1152 : index
    %get3A_535 = vector.load %arg8[%get3A_533, %get3A_534] : memref<1x2048xf32, #tpu.memory_space<vmem>>, vector<1x128xf32>
    %get3A_536 = arith.constant 0 : index
    %get3A_537 = arith.constant 1152 : index
    %get3A_538 = vector.load %arg9[%get3A_536, %get3A_537] : memref<1x2048xf32, #tpu.memory_space<vmem>>, vector<1x128xf32>
    %get3A_539 = arith.constant 0 : index
    %get3A_540 = arith.constant 1152 : index
    %get3A_541 = vector.load %arg10[%get3A_539, %get3A_540] : memref<1x2048xf32, #tpu.memory_space<vmem>>, vector<1x128xf32>
    %add3A_542 = vector.broadcast %get3A_7 : vector<512x1xf32> to vector<512x128xf32>
    %add3A_543 = vector.broadcast %get3A_538 : vector<1x128xf32> to vector<512x128xf32>
    %add3A_544 = arith.addf %add3A_542, %add3A_543 : vector<512x128xf32>
    %mul3A_545 = arith.mulf %sub3A_529, %add3A_544 : vector<512x128xf32>
    %mul3A_546 = arith.constant 5.000000e-01 : f32
    %mul3A_547 = vector.broadcast %mul3A_546 : f32 to vector<512x128xf32>
    %mul3A_548 = arith.mulf %mul3A_545, %mul3A_547 : vector<512x128xf32>
    %add3A_549 = vector.broadcast %get3A_4 : vector<512x1xf32> to vector<512x128xf32>
    %add3A_550 = vector.broadcast %get3A_532 : vector<1x128xf32> to vector<512x128xf32>
    %add3A_551 = arith.addf %add3A_549, %add3A_550 : vector<512x128xf32>
    %max3A_552 = arith.constant 0.000000e+00 : f32
    %max3A_553 = vector.broadcast %max3A_552 : f32 to vector<512x128xf32>
    %max3A_554 = arith.maximumf %add3A_551, %max3A_553 : vector<512x128xf32>
    %add3A_555 = arith.addf %max3A_554, %mul3A_548 : vector<512x128xf32>
    %exp3A_556 = math.exp %add3A_555 : vector<512x128xf32>
    %mul3A_557 = vector.broadcast %get3A_10 : vector<512x1xf32> to vector<512x128xf32>
    %mul3A_558 = arith.mulf %exp3A_556, %mul3A_557 : vector<512x128xf32>
    %add3A_559 = vector.broadcast %get3A_1 : vector<512x1xf32> to vector<512x128xf32>
    %add3A_560 = vector.broadcast %get3A_535 : vector<1x128xf32> to vector<512x128xf32>
    %add3A_561 = arith.addf %add3A_559, %add3A_560 : vector<512x128xf32>
    %max3A_562 = arith.constant 0.000000e+00 : f32
    %max3A_563 = vector.broadcast %max3A_562 : f32 to vector<512x128xf32>
    %max3A_564 = arith.maximumf %add3A_561, %max3A_563 : vector<512x128xf32>
    %add3A_565 = arith.addf %max3A_564, %mul3A_558 : vector<512x128xf32>
    %exp3A_566 = math.exp %add3A_565 : vector<512x128xf32>
    %mul3A_567 = vector.broadcast %get3A_541 : vector<1x128xf32> to vector<512x128xf32>
    %mul3A_568 = arith.mulf %mul3A_567, %exp3A_566 : vector<512x128xf32>
    %get3A_569 = arith.constant 1152 : index
    %get3A_570 = arith.constant 0 : index
    %get3A_571 = vector.load %arg11[%get3A_569, %get3A_570] : memref<2048x64xf32, #tpu.memory_space<vmem>>, vector<128x64xf32>
    %dot_general3A_572 = arith.constant dense<0.000000e+00> : vector<512x64xf32>
    %dot_general3A_573 = tpu.matmul %mul3A_568, %get3A_571, %dot_general3A_572 {dimension_numbers = #tpu.dot_dimension_numbers<[1], [0], [0], [1], [0, 0, 1, 1], [], []>, transpose_lhs_hint = false} : vector<512x128xf32>, vector<128x64xf32>, vector<512x64xf32> -> vector<512x64xf32>
    %add3A_574 = arith.addf %add3A_517, %dot_general3A_573 : vector<512x64xf32>
    %reduce_sum3A_575 = arith.constant dense<0.000000e+00> : vector<512xf32>
    %reduce_sum3A_576 = vector.multi_reduction <add>, %mul3A_568, %reduce_sum3A_575 [1] : vector<512x128xf32> to vector<512xf32>
    %broadcast_in_dim3A_577 = vector.shape_cast %reduce_sum3A_576 : vector<512xf32> to vector<512x1xf32>
    %add3A_578 = arith.addf %add3A_521, %broadcast_in_dim3A_577 : vector<512x1xf32>
    %mul3A_579 = arith.constant 5.000000e-01 : f32
    %mul3A_580 = vector.broadcast %mul3A_579 : f32 to vector<512x128xf32>
    %mul3A_581 = arith.mulf %floor3A_525, %mul3A_580 : vector<512x128xf32>
    %floor3A_582 = math.floor %mul3A_581 : vector<512x128xf32>
    %mul3A_583 = arith.constant 2.000000e+00 : f32
    %mul3A_584 = vector.broadcast %mul3A_583 : f32 to vector<512x128xf32>
    %mul3A_585 = arith.mulf %mul3A_584, %floor3A_582 : vector<512x128xf32>
    %sub3A_586 = arith.subf %floor3A_525, %mul3A_585 : vector<512x128xf32>
    %get3A_587 = arith.constant 0 : index
    %get3A_588 = arith.constant 1280 : index
    %get3A_589 = vector.load %arg7[%get3A_587, %get3A_588] : memref<1x2048xf32, #tpu.memory_space<vmem>>, vector<1x128xf32>
    %get3A_590 = arith.constant 0 : index
    %get3A_591 = arith.constant 1280 : index
    %get3A_592 = vector.load %arg8[%get3A_590, %get3A_591] : memref<1x2048xf32, #tpu.memory_space<vmem>>, vector<1x128xf32>
    %get3A_593 = arith.constant 0 : index
    %get3A_594 = arith.constant 1280 : index
    %get3A_595 = vector.load %arg9[%get3A_593, %get3A_594] : memref<1x2048xf32, #tpu.memory_space<vmem>>, vector<1x128xf32>
    %get3A_596 = arith.constant 0 : index
    %get3A_597 = arith.constant 1280 : index
    %get3A_598 = vector.load %arg10[%get3A_596, %get3A_597] : memref<1x2048xf32, #tpu.memory_space<vmem>>, vector<1x128xf32>
    %add3A_599 = vector.broadcast %get3A_7 : vector<512x1xf32> to vector<512x128xf32>
    %add3A_600 = vector.broadcast %get3A_595 : vector<1x128xf32> to vector<512x128xf32>
    %add3A_601 = arith.addf %add3A_599, %add3A_600 : vector<512x128xf32>
    %mul3A_602 = arith.mulf %sub3A_586, %add3A_601 : vector<512x128xf32>
    %mul3A_603 = arith.constant 5.000000e-01 : f32
    %mul3A_604 = vector.broadcast %mul3A_603 : f32 to vector<512x128xf32>
    %mul3A_605 = arith.mulf %mul3A_602, %mul3A_604 : vector<512x128xf32>
    %add3A_606 = vector.broadcast %get3A_4 : vector<512x1xf32> to vector<512x128xf32>
    %add3A_607 = vector.broadcast %get3A_589 : vector<1x128xf32> to vector<512x128xf32>
    %add3A_608 = arith.addf %add3A_606, %add3A_607 : vector<512x128xf32>
    %max3A_609 = arith.constant 0.000000e+00 : f32
    %max3A_610 = vector.broadcast %max3A_609 : f32 to vector<512x128xf32>
    %max3A_611 = arith.maximumf %add3A_608, %max3A_610 : vector<512x128xf32>
    %add3A_612 = arith.addf %max3A_611, %mul3A_605 : vector<512x128xf32>
    %exp3A_613 = math.exp %add3A_612 : vector<512x128xf32>
    %mul3A_614 = vector.broadcast %get3A_10 : vector<512x1xf32> to vector<512x128xf32>
    %mul3A_615 = arith.mulf %exp3A_613, %mul3A_614 : vector<512x128xf32>
    %add3A_616 = vector.broadcast %get3A_1 : vector<512x1xf32> to vector<512x128xf32>
    %add3A_617 = vector.broadcast %get3A_592 : vector<1x128xf32> to vector<512x128xf32>
    %add3A_618 = arith.addf %add3A_616, %add3A_617 : vector<512x128xf32>
    %max3A_619 = arith.constant 0.000000e+00 : f32
    %max3A_620 = vector.broadcast %max3A_619 : f32 to vector<512x128xf32>
    %max3A_621 = arith.maximumf %add3A_618, %max3A_620 : vector<512x128xf32>
    %add3A_622 = arith.addf %max3A_621, %mul3A_615 : vector<512x128xf32>
    %exp3A_623 = math.exp %add3A_622 : vector<512x128xf32>
    %mul3A_624 = vector.broadcast %get3A_598 : vector<1x128xf32> to vector<512x128xf32>
    %mul3A_625 = arith.mulf %mul3A_624, %exp3A_623 : vector<512x128xf32>
    %get3A_626 = arith.constant 1280 : index
    %get3A_627 = arith.constant 0 : index
    %get3A_628 = vector.load %arg11[%get3A_626, %get3A_627] : memref<2048x64xf32, #tpu.memory_space<vmem>>, vector<128x64xf32>
    %dot_general3A_629 = arith.constant dense<0.000000e+00> : vector<512x64xf32>
    %dot_general3A_630 = tpu.matmul %mul3A_625, %get3A_628, %dot_general3A_629 {dimension_numbers = #tpu.dot_dimension_numbers<[1], [0], [0], [1], [0, 0, 1, 1], [], []>, transpose_lhs_hint = false} : vector<512x128xf32>, vector<128x64xf32>, vector<512x64xf32> -> vector<512x64xf32>
    %add3A_631 = arith.addf %add3A_574, %dot_general3A_630 : vector<512x64xf32>
    %reduce_sum3A_632 = arith.constant dense<0.000000e+00> : vector<512xf32>
    %reduce_sum3A_633 = vector.multi_reduction <add>, %mul3A_625, %reduce_sum3A_632 [1] : vector<512x128xf32> to vector<512xf32>
    %broadcast_in_dim3A_634 = vector.shape_cast %reduce_sum3A_633 : vector<512xf32> to vector<512x1xf32>
    %add3A_635 = arith.addf %add3A_578, %broadcast_in_dim3A_634 : vector<512x1xf32>
    %mul3A_636 = arith.constant 5.000000e-01 : f32
    %mul3A_637 = vector.broadcast %mul3A_636 : f32 to vector<512x128xf32>
    %mul3A_638 = arith.mulf %floor3A_582, %mul3A_637 : vector<512x128xf32>
    %floor3A_639 = math.floor %mul3A_638 : vector<512x128xf32>
    %mul3A_640 = arith.constant 2.000000e+00 : f32
    %mul3A_641 = vector.broadcast %mul3A_640 : f32 to vector<512x128xf32>
    %mul3A_642 = arith.mulf %mul3A_641, %floor3A_639 : vector<512x128xf32>
    %sub3A_643 = arith.subf %floor3A_582, %mul3A_642 : vector<512x128xf32>
    %get3A_644 = arith.constant 0 : index
    %get3A_645 = arith.constant 1408 : index
    %get3A_646 = vector.load %arg7[%get3A_644, %get3A_645] : memref<1x2048xf32, #tpu.memory_space<vmem>>, vector<1x128xf32>
    %get3A_647 = arith.constant 0 : index
    %get3A_648 = arith.constant 1408 : index
    %get3A_649 = vector.load %arg8[%get3A_647, %get3A_648] : memref<1x2048xf32, #tpu.memory_space<vmem>>, vector<1x128xf32>
    %get3A_650 = arith.constant 0 : index
    %get3A_651 = arith.constant 1408 : index
    %get3A_652 = vector.load %arg9[%get3A_650, %get3A_651] : memref<1x2048xf32, #tpu.memory_space<vmem>>, vector<1x128xf32>
    %get3A_653 = arith.constant 0 : index
    %get3A_654 = arith.constant 1408 : index
    %get3A_655 = vector.load %arg10[%get3A_653, %get3A_654] : memref<1x2048xf32, #tpu.memory_space<vmem>>, vector<1x128xf32>
    %add3A_656 = vector.broadcast %get3A_7 : vector<512x1xf32> to vector<512x128xf32>
    %add3A_657 = vector.broadcast %get3A_652 : vector<1x128xf32> to vector<512x128xf32>
    %add3A_658 = arith.addf %add3A_656, %add3A_657 : vector<512x128xf32>
    %mul3A_659 = arith.mulf %sub3A_643, %add3A_658 : vector<512x128xf32>
    %mul3A_660 = arith.constant 5.000000e-01 : f32
    %mul3A_661 = vector.broadcast %mul3A_660 : f32 to vector<512x128xf32>
    %mul3A_662 = arith.mulf %mul3A_659, %mul3A_661 : vector<512x128xf32>
    %add3A_663 = vector.broadcast %get3A_4 : vector<512x1xf32> to vector<512x128xf32>
    %add3A_664 = vector.broadcast %get3A_646 : vector<1x128xf32> to vector<512x128xf32>
    %add3A_665 = arith.addf %add3A_663, %add3A_664 : vector<512x128xf32>
    %max3A_666 = arith.constant 0.000000e+00 : f32
    %max3A_667 = vector.broadcast %max3A_666 : f32 to vector<512x128xf32>
    %max3A_668 = arith.maximumf %add3A_665, %max3A_667 : vector<512x128xf32>
    %add3A_669 = arith.addf %max3A_668, %mul3A_662 : vector<512x128xf32>
    %exp3A_670 = math.exp %add3A_669 : vector<512x128xf32>
    %mul3A_671 = vector.broadcast %get3A_10 : vector<512x1xf32> to vector<512x128xf32>
    %mul3A_672 = arith.mulf %exp3A_670, %mul3A_671 : vector<512x128xf32>
    %add3A_673 = vector.broadcast %get3A_1 : vector<512x1xf32> to vector<512x128xf32>
    %add3A_674 = vector.broadcast %get3A_649 : vector<1x128xf32> to vector<512x128xf32>
    %add3A_675 = arith.addf %add3A_673, %add3A_674 : vector<512x128xf32>
    %max3A_676 = arith.constant 0.000000e+00 : f32
    %max3A_677 = vector.broadcast %max3A_676 : f32 to vector<512x128xf32>
    %max3A_678 = arith.maximumf %add3A_675, %max3A_677 : vector<512x128xf32>
    %add3A_679 = arith.addf %max3A_678, %mul3A_672 : vector<512x128xf32>
    %exp3A_680 = math.exp %add3A_679 : vector<512x128xf32>
    %mul3A_681 = vector.broadcast %get3A_655 : vector<1x128xf32> to vector<512x128xf32>
    %mul3A_682 = arith.mulf %mul3A_681, %exp3A_680 : vector<512x128xf32>
    %get3A_683 = arith.constant 1408 : index
    %get3A_684 = arith.constant 0 : index
    %get3A_685 = vector.load %arg11[%get3A_683, %get3A_684] : memref<2048x64xf32, #tpu.memory_space<vmem>>, vector<128x64xf32>
    %dot_general3A_686 = arith.constant dense<0.000000e+00> : vector<512x64xf32>
    %dot_general3A_687 = tpu.matmul %mul3A_682, %get3A_685, %dot_general3A_686 {dimension_numbers = #tpu.dot_dimension_numbers<[1], [0], [0], [1], [0, 0, 1, 1], [], []>, transpose_lhs_hint = false} : vector<512x128xf32>, vector<128x64xf32>, vector<512x64xf32> -> vector<512x64xf32>
    %add3A_688 = arith.addf %add3A_631, %dot_general3A_687 : vector<512x64xf32>
    %reduce_sum3A_689 = arith.constant dense<0.000000e+00> : vector<512xf32>
    %reduce_sum3A_690 = vector.multi_reduction <add>, %mul3A_682, %reduce_sum3A_689 [1] : vector<512x128xf32> to vector<512xf32>
    %broadcast_in_dim3A_691 = vector.shape_cast %reduce_sum3A_690 : vector<512xf32> to vector<512x1xf32>
    %add3A_692 = arith.addf %add3A_635, %broadcast_in_dim3A_691 : vector<512x1xf32>
    %mul3A_693 = arith.constant 5.000000e-01 : f32
    %mul3A_694 = vector.broadcast %mul3A_693 : f32 to vector<512x128xf32>
    %mul3A_695 = arith.mulf %floor3A_639, %mul3A_694 : vector<512x128xf32>
    %floor3A_696 = math.floor %mul3A_695 : vector<512x128xf32>
    %mul3A_697 = arith.constant 2.000000e+00 : f32
    %mul3A_698 = vector.broadcast %mul3A_697 : f32 to vector<512x128xf32>
    %mul3A_699 = arith.mulf %mul3A_698, %floor3A_696 : vector<512x128xf32>
    %sub3A_700 = arith.subf %floor3A_639, %mul3A_699 : vector<512x128xf32>
    %get3A_701 = arith.constant 0 : index
    %get3A_702 = arith.constant 1536 : index
    %get3A_703 = vector.load %arg7[%get3A_701, %get3A_702] : memref<1x2048xf32, #tpu.memory_space<vmem>>, vector<1x128xf32>
    %get3A_704 = arith.constant 0 : index
    %get3A_705 = arith.constant 1536 : index
    %get3A_706 = vector.load %arg8[%get3A_704, %get3A_705] : memref<1x2048xf32, #tpu.memory_space<vmem>>, vector<1x128xf32>
    %get3A_707 = arith.constant 0 : index
    %get3A_708 = arith.constant 1536 : index
    %get3A_709 = vector.load %arg9[%get3A_707, %get3A_708] : memref<1x2048xf32, #tpu.memory_space<vmem>>, vector<1x128xf32>
    %get3A_710 = arith.constant 0 : index
    %get3A_711 = arith.constant 1536 : index
    %get3A_712 = vector.load %arg10[%get3A_710, %get3A_711] : memref<1x2048xf32, #tpu.memory_space<vmem>>, vector<1x128xf32>
    %add3A_713 = vector.broadcast %get3A_7 : vector<512x1xf32> to vector<512x128xf32>
    %add3A_714 = vector.broadcast %get3A_709 : vector<1x128xf32> to vector<512x128xf32>
    %add3A_715 = arith.addf %add3A_713, %add3A_714 : vector<512x128xf32>
    %mul3A_716 = arith.mulf %sub3A_700, %add3A_715 : vector<512x128xf32>
    %mul3A_717 = arith.constant 5.000000e-01 : f32
    %mul3A_718 = vector.broadcast %mul3A_717 : f32 to vector<512x128xf32>
    %mul3A_719 = arith.mulf %mul3A_716, %mul3A_718 : vector<512x128xf32>
    %add3A_720 = vector.broadcast %get3A_4 : vector<512x1xf32> to vector<512x128xf32>
    %add3A_721 = vector.broadcast %get3A_703 : vector<1x128xf32> to vector<512x128xf32>
    %add3A_722 = arith.addf %add3A_720, %add3A_721 : vector<512x128xf32>
    %max3A_723 = arith.constant 0.000000e+00 : f32
    %max3A_724 = vector.broadcast %max3A_723 : f32 to vector<512x128xf32>
    %max3A_725 = arith.maximumf %add3A_722, %max3A_724 : vector<512x128xf32>
    %add3A_726 = arith.addf %max3A_725, %mul3A_719 : vector<512x128xf32>
    %exp3A_727 = math.exp %add3A_726 : vector<512x128xf32>
    %mul3A_728 = vector.broadcast %get3A_10 : vector<512x1xf32> to vector<512x128xf32>
    %mul3A_729 = arith.mulf %exp3A_727, %mul3A_728 : vector<512x128xf32>
    %add3A_730 = vector.broadcast %get3A_1 : vector<512x1xf32> to vector<512x128xf32>
    %add3A_731 = vector.broadcast %get3A_706 : vector<1x128xf32> to vector<512x128xf32>
    %add3A_732 = arith.addf %add3A_730, %add3A_731 : vector<512x128xf32>
    %max3A_733 = arith.constant 0.000000e+00 : f32
    %max3A_734 = vector.broadcast %max3A_733 : f32 to vector<512x128xf32>
    %max3A_735 = arith.maximumf %add3A_732, %max3A_734 : vector<512x128xf32>
    %add3A_736 = arith.addf %max3A_735, %mul3A_729 : vector<512x128xf32>
    %exp3A_737 = math.exp %add3A_736 : vector<512x128xf32>
    %mul3A_738 = vector.broadcast %get3A_712 : vector<1x128xf32> to vector<512x128xf32>
    %mul3A_739 = arith.mulf %mul3A_738, %exp3A_737 : vector<512x128xf32>
    %get3A_740 = arith.constant 1536 : index
    %get3A_741 = arith.constant 0 : index
    %get3A_742 = vector.load %arg11[%get3A_740, %get3A_741] : memref<2048x64xf32, #tpu.memory_space<vmem>>, vector<128x64xf32>
    %dot_general3A_743 = arith.constant dense<0.000000e+00> : vector<512x64xf32>
    %dot_general3A_744 = tpu.matmul %mul3A_739, %get3A_742, %dot_general3A_743 {dimension_numbers = #tpu.dot_dimension_numbers<[1], [0], [0], [1], [0, 0, 1, 1], [], []>, transpose_lhs_hint = false} : vector<512x128xf32>, vector<128x64xf32>, vector<512x64xf32> -> vector<512x64xf32>
    %add3A_745 = arith.addf %add3A_688, %dot_general3A_744 : vector<512x64xf32>
    %reduce_sum3A_746 = arith.constant dense<0.000000e+00> : vector<512xf32>
    %reduce_sum3A_747 = vector.multi_reduction <add>, %mul3A_739, %reduce_sum3A_746 [1] : vector<512x128xf32> to vector<512xf32>
    %broadcast_in_dim3A_748 = vector.shape_cast %reduce_sum3A_747 : vector<512xf32> to vector<512x1xf32>
    %add3A_749 = arith.addf %add3A_692, %broadcast_in_dim3A_748 : vector<512x1xf32>
    %mul3A_750 = arith.constant 5.000000e-01 : f32
    %mul3A_751 = vector.broadcast %mul3A_750 : f32 to vector<512x128xf32>
    %mul3A_752 = arith.mulf %floor3A_696, %mul3A_751 : vector<512x128xf32>
    %floor3A_753 = math.floor %mul3A_752 : vector<512x128xf32>
    %mul3A_754 = arith.constant 2.000000e+00 : f32
    %mul3A_755 = vector.broadcast %mul3A_754 : f32 to vector<512x128xf32>
    %mul3A_756 = arith.mulf %mul3A_755, %floor3A_753 : vector<512x128xf32>
    %sub3A_757 = arith.subf %floor3A_696, %mul3A_756 : vector<512x128xf32>
    %get3A_758 = arith.constant 0 : index
    %get3A_759 = arith.constant 1664 : index
    %get3A_760 = vector.load %arg7[%get3A_758, %get3A_759] : memref<1x2048xf32, #tpu.memory_space<vmem>>, vector<1x128xf32>
    %get3A_761 = arith.constant 0 : index
    %get3A_762 = arith.constant 1664 : index
    %get3A_763 = vector.load %arg8[%get3A_761, %get3A_762] : memref<1x2048xf32, #tpu.memory_space<vmem>>, vector<1x128xf32>
    %get3A_764 = arith.constant 0 : index
    %get3A_765 = arith.constant 1664 : index
    %get3A_766 = vector.load %arg9[%get3A_764, %get3A_765] : memref<1x2048xf32, #tpu.memory_space<vmem>>, vector<1x128xf32>
    %get3A_767 = arith.constant 0 : index
    %get3A_768 = arith.constant 1664 : index
    %get3A_769 = vector.load %arg10[%get3A_767, %get3A_768] : memref<1x2048xf32, #tpu.memory_space<vmem>>, vector<1x128xf32>
    %add3A_770 = vector.broadcast %get3A_7 : vector<512x1xf32> to vector<512x128xf32>
    %add3A_771 = vector.broadcast %get3A_766 : vector<1x128xf32> to vector<512x128xf32>
    %add3A_772 = arith.addf %add3A_770, %add3A_771 : vector<512x128xf32>
    %mul3A_773 = arith.mulf %sub3A_757, %add3A_772 : vector<512x128xf32>
    %mul3A_774 = arith.constant 5.000000e-01 : f32
    %mul3A_775 = vector.broadcast %mul3A_774 : f32 to vector<512x128xf32>
    %mul3A_776 = arith.mulf %mul3A_773, %mul3A_775 : vector<512x128xf32>
    %add3A_777 = vector.broadcast %get3A_4 : vector<512x1xf32> to vector<512x128xf32>
    %add3A_778 = vector.broadcast %get3A_760 : vector<1x128xf32> to vector<512x128xf32>
    %add3A_779 = arith.addf %add3A_777, %add3A_778 : vector<512x128xf32>
    %max3A_780 = arith.constant 0.000000e+00 : f32
    %max3A_781 = vector.broadcast %max3A_780 : f32 to vector<512x128xf32>
    %max3A_782 = arith.maximumf %add3A_779, %max3A_781 : vector<512x128xf32>
    %add3A_783 = arith.addf %max3A_782, %mul3A_776 : vector<512x128xf32>
    %exp3A_784 = math.exp %add3A_783 : vector<512x128xf32>
    %mul3A_785 = vector.broadcast %get3A_10 : vector<512x1xf32> to vector<512x128xf32>
    %mul3A_786 = arith.mulf %exp3A_784, %mul3A_785 : vector<512x128xf32>
    %add3A_787 = vector.broadcast %get3A_1 : vector<512x1xf32> to vector<512x128xf32>
    %add3A_788 = vector.broadcast %get3A_763 : vector<1x128xf32> to vector<512x128xf32>
    %add3A_789 = arith.addf %add3A_787, %add3A_788 : vector<512x128xf32>
    %max3A_790 = arith.constant 0.000000e+00 : f32
    %max3A_791 = vector.broadcast %max3A_790 : f32 to vector<512x128xf32>
    %max3A_792 = arith.maximumf %add3A_789, %max3A_791 : vector<512x128xf32>
    %add3A_793 = arith.addf %max3A_792, %mul3A_786 : vector<512x128xf32>
    %exp3A_794 = math.exp %add3A_793 : vector<512x128xf32>
    %mul3A_795 = vector.broadcast %get3A_769 : vector<1x128xf32> to vector<512x128xf32>
    %mul3A_796 = arith.mulf %mul3A_795, %exp3A_794 : vector<512x128xf32>
    %get3A_797 = arith.constant 1664 : index
    %get3A_798 = arith.constant 0 : index
    %get3A_799 = vector.load %arg11[%get3A_797, %get3A_798] : memref<2048x64xf32, #tpu.memory_space<vmem>>, vector<128x64xf32>
    %dot_general3A_800 = arith.constant dense<0.000000e+00> : vector<512x64xf32>
    %dot_general3A_801 = tpu.matmul %mul3A_796, %get3A_799, %dot_general3A_800 {dimension_numbers = #tpu.dot_dimension_numbers<[1], [0], [0], [1], [0, 0, 1, 1], [], []>, transpose_lhs_hint = false} : vector<512x128xf32>, vector<128x64xf32>, vector<512x64xf32> -> vector<512x64xf32>
    %add3A_802 = arith.addf %add3A_745, %dot_general3A_801 : vector<512x64xf32>
    %reduce_sum3A_803 = arith.constant dense<0.000000e+00> : vector<512xf32>
    %reduce_sum3A_804 = vector.multi_reduction <add>, %mul3A_796, %reduce_sum3A_803 [1] : vector<512x128xf32> to vector<512xf32>
    %broadcast_in_dim3A_805 = vector.shape_cast %reduce_sum3A_804 : vector<512xf32> to vector<512x1xf32>
    %add3A_806 = arith.addf %add3A_749, %broadcast_in_dim3A_805 : vector<512x1xf32>
    %mul3A_807 = arith.constant 5.000000e-01 : f32
    %mul3A_808 = vector.broadcast %mul3A_807 : f32 to vector<512x128xf32>
    %mul3A_809 = arith.mulf %floor3A_753, %mul3A_808 : vector<512x128xf32>
    %floor3A_810 = math.floor %mul3A_809 : vector<512x128xf32>
    %mul3A_811 = arith.constant 2.000000e+00 : f32
    %mul3A_812 = vector.broadcast %mul3A_811 : f32 to vector<512x128xf32>
    %mul3A_813 = arith.mulf %mul3A_812, %floor3A_810 : vector<512x128xf32>
    %sub3A_814 = arith.subf %floor3A_753, %mul3A_813 : vector<512x128xf32>
    %get3A_815 = arith.constant 0 : index
    %get3A_816 = arith.constant 1792 : index
    %get3A_817 = vector.load %arg7[%get3A_815, %get3A_816] : memref<1x2048xf32, #tpu.memory_space<vmem>>, vector<1x128xf32>
    %get3A_818 = arith.constant 0 : index
    %get3A_819 = arith.constant 1792 : index
    %get3A_820 = vector.load %arg8[%get3A_818, %get3A_819] : memref<1x2048xf32, #tpu.memory_space<vmem>>, vector<1x128xf32>
    %get3A_821 = arith.constant 0 : index
    %get3A_822 = arith.constant 1792 : index
    %get3A_823 = vector.load %arg9[%get3A_821, %get3A_822] : memref<1x2048xf32, #tpu.memory_space<vmem>>, vector<1x128xf32>
    %get3A_824 = arith.constant 0 : index
    %get3A_825 = arith.constant 1792 : index
    %get3A_826 = vector.load %arg10[%get3A_824, %get3A_825] : memref<1x2048xf32, #tpu.memory_space<vmem>>, vector<1x128xf32>
    %add3A_827 = vector.broadcast %get3A_7 : vector<512x1xf32> to vector<512x128xf32>
    %add3A_828 = vector.broadcast %get3A_823 : vector<1x128xf32> to vector<512x128xf32>
    %add3A_829 = arith.addf %add3A_827, %add3A_828 : vector<512x128xf32>
    %mul3A_830 = arith.mulf %sub3A_814, %add3A_829 : vector<512x128xf32>
    %mul3A_831 = arith.constant 5.000000e-01 : f32
    %mul3A_832 = vector.broadcast %mul3A_831 : f32 to vector<512x128xf32>
    %mul3A_833 = arith.mulf %mul3A_830, %mul3A_832 : vector<512x128xf32>
    %add3A_834 = vector.broadcast %get3A_4 : vector<512x1xf32> to vector<512x128xf32>
    %add3A_835 = vector.broadcast %get3A_817 : vector<1x128xf32> to vector<512x128xf32>
    %add3A_836 = arith.addf %add3A_834, %add3A_835 : vector<512x128xf32>
    %max3A_837 = arith.constant 0.000000e+00 : f32
    %max3A_838 = vector.broadcast %max3A_837 : f32 to vector<512x128xf32>
    %max3A_839 = arith.maximumf %add3A_836, %max3A_838 : vector<512x128xf32>
    %add3A_840 = arith.addf %max3A_839, %mul3A_833 : vector<512x128xf32>
    %exp3A_841 = math.exp %add3A_840 : vector<512x128xf32>
    %mul3A_842 = vector.broadcast %get3A_10 : vector<512x1xf32> to vector<512x128xf32>
    %mul3A_843 = arith.mulf %exp3A_841, %mul3A_842 : vector<512x128xf32>
    %add3A_844 = vector.broadcast %get3A_1 : vector<512x1xf32> to vector<512x128xf32>
    %add3A_845 = vector.broadcast %get3A_820 : vector<1x128xf32> to vector<512x128xf32>
    %add3A_846 = arith.addf %add3A_844, %add3A_845 : vector<512x128xf32>
    %max3A_847 = arith.constant 0.000000e+00 : f32
    %max3A_848 = vector.broadcast %max3A_847 : f32 to vector<512x128xf32>
    %max3A_849 = arith.maximumf %add3A_846, %max3A_848 : vector<512x128xf32>
    %add3A_850 = arith.addf %max3A_849, %mul3A_843 : vector<512x128xf32>
    %exp3A_851 = math.exp %add3A_850 : vector<512x128xf32>
    %mul3A_852 = vector.broadcast %get3A_826 : vector<1x128xf32> to vector<512x128xf32>
    %mul3A_853 = arith.mulf %mul3A_852, %exp3A_851 : vector<512x128xf32>
    %get3A_854 = arith.constant 1792 : index
    %get3A_855 = arith.constant 0 : index
    %get3A_856 = vector.load %arg11[%get3A_854, %get3A_855] : memref<2048x64xf32, #tpu.memory_space<vmem>>, vector<128x64xf32>
    %dot_general3A_857 = arith.constant dense<0.000000e+00> : vector<512x64xf32>
    %dot_general3A_858 = tpu.matmul %mul3A_853, %get3A_856, %dot_general3A_857 {dimension_numbers = #tpu.dot_dimension_numbers<[1], [0], [0], [1], [0, 0, 1, 1], [], []>, transpose_lhs_hint = false} : vector<512x128xf32>, vector<128x64xf32>, vector<512x64xf32> -> vector<512x64xf32>
    %add3A_859 = arith.addf %add3A_802, %dot_general3A_858 : vector<512x64xf32>
    %reduce_sum3A_860 = arith.constant dense<0.000000e+00> : vector<512xf32>
    %reduce_sum3A_861 = vector.multi_reduction <add>, %mul3A_853, %reduce_sum3A_860 [1] : vector<512x128xf32> to vector<512xf32>
    %broadcast_in_dim3A_862 = vector.shape_cast %reduce_sum3A_861 : vector<512xf32> to vector<512x1xf32>
    %add3A_863 = arith.addf %add3A_806, %broadcast_in_dim3A_862 : vector<512x1xf32>
    %mul3A_864 = arith.constant 5.000000e-01 : f32
    %mul3A_865 = vector.broadcast %mul3A_864 : f32 to vector<512x128xf32>
    %mul3A_866 = arith.mulf %floor3A_810, %mul3A_865 : vector<512x128xf32>
    %floor3A_867 = math.floor %mul3A_866 : vector<512x128xf32>
    %mul3A_868 = arith.constant 2.000000e+00 : f32
    %mul3A_869 = vector.broadcast %mul3A_868 : f32 to vector<512x128xf32>
    %mul3A_870 = arith.mulf %mul3A_869, %floor3A_867 : vector<512x128xf32>
    %sub3A_871 = arith.subf %floor3A_810, %mul3A_870 : vector<512x128xf32>
    %get3A_872 = arith.constant 0 : index
    %get3A_873 = arith.constant 1920 : index
    %get3A_874 = vector.load %arg7[%get3A_872, %get3A_873] : memref<1x2048xf32, #tpu.memory_space<vmem>>, vector<1x128xf32>
    %get3A_875 = arith.constant 0 : index
    %get3A_876 = arith.constant 1920 : index
    %get3A_877 = vector.load %arg8[%get3A_875, %get3A_876] : memref<1x2048xf32, #tpu.memory_space<vmem>>, vector<1x128xf32>
    %get3A_878 = arith.constant 0 : index
    %get3A_879 = arith.constant 1920 : index
    %get3A_880 = vector.load %arg9[%get3A_878, %get3A_879] : memref<1x2048xf32, #tpu.memory_space<vmem>>, vector<1x128xf32>
    %get3A_881 = arith.constant 0 : index
    %get3A_882 = arith.constant 1920 : index
    %get3A_883 = vector.load %arg10[%get3A_881, %get3A_882] : memref<1x2048xf32, #tpu.memory_space<vmem>>, vector<1x128xf32>
    %add3A_884 = vector.broadcast %get3A_7 : vector<512x1xf32> to vector<512x128xf32>
    %add3A_885 = vector.broadcast %get3A_880 : vector<1x128xf32> to vector<512x128xf32>
    %add3A_886 = arith.addf %add3A_884, %add3A_885 : vector<512x128xf32>
    %mul3A_887 = arith.mulf %sub3A_871, %add3A_886 : vector<512x128xf32>
    %mul3A_888 = arith.constant 5.000000e-01 : f32
    %mul3A_889 = vector.broadcast %mul3A_888 : f32 to vector<512x128xf32>
    %mul3A_890 = arith.mulf %mul3A_887, %mul3A_889 : vector<512x128xf32>
    %add3A_891 = vector.broadcast %get3A_4 : vector<512x1xf32> to vector<512x128xf32>
    %add3A_892 = vector.broadcast %get3A_874 : vector<1x128xf32> to vector<512x128xf32>
    %add3A_893 = arith.addf %add3A_891, %add3A_892 : vector<512x128xf32>
    %max3A_894 = arith.constant 0.000000e+00 : f32
    %max3A_895 = vector.broadcast %max3A_894 : f32 to vector<512x128xf32>
    %max3A_896 = arith.maximumf %add3A_893, %max3A_895 : vector<512x128xf32>
    %add3A_897 = arith.addf %max3A_896, %mul3A_890 : vector<512x128xf32>
    %exp3A_898 = math.exp %add3A_897 : vector<512x128xf32>
    %mul3A_899 = vector.broadcast %get3A_10 : vector<512x1xf32> to vector<512x128xf32>
    %mul3A_900 = arith.mulf %exp3A_898, %mul3A_899 : vector<512x128xf32>
    %add3A_901 = vector.broadcast %get3A_1 : vector<512x1xf32> to vector<512x128xf32>
    %add3A_902 = vector.broadcast %get3A_877 : vector<1x128xf32> to vector<512x128xf32>
    %add3A_903 = arith.addf %add3A_901, %add3A_902 : vector<512x128xf32>
    %max3A_904 = arith.constant 0.000000e+00 : f32
    %max3A_905 = vector.broadcast %max3A_904 : f32 to vector<512x128xf32>
    %max3A_906 = arith.maximumf %add3A_903, %max3A_905 : vector<512x128xf32>
    %add3A_907 = arith.addf %max3A_906, %mul3A_900 : vector<512x128xf32>
    %exp3A_908 = math.exp %add3A_907 : vector<512x128xf32>
    %mul3A_909 = vector.broadcast %get3A_883 : vector<1x128xf32> to vector<512x128xf32>
    %mul3A_910 = arith.mulf %mul3A_909, %exp3A_908 : vector<512x128xf32>
    %get3A_911 = arith.constant 1920 : index
    %get3A_912 = arith.constant 0 : index
    %get3A_913 = vector.load %arg11[%get3A_911, %get3A_912] : memref<2048x64xf32, #tpu.memory_space<vmem>>, vector<128x64xf32>
    %dot_general3A_914 = arith.constant dense<0.000000e+00> : vector<512x64xf32>
    %dot_general3A_915 = tpu.matmul %mul3A_910, %get3A_913, %dot_general3A_914 {dimension_numbers = #tpu.dot_dimension_numbers<[1], [0], [0], [1], [0, 0, 1, 1], [], []>, transpose_lhs_hint = false} : vector<512x128xf32>, vector<128x64xf32>, vector<512x64xf32> -> vector<512x64xf32>
    %add3A_916 = arith.addf %add3A_859, %dot_general3A_915 : vector<512x64xf32>
    %reduce_sum3A_917 = arith.constant dense<0.000000e+00> : vector<512xf32>
    %reduce_sum3A_918 = vector.multi_reduction <add>, %mul3A_910, %reduce_sum3A_917 [1] : vector<512x128xf32> to vector<512xf32>
    %broadcast_in_dim3A_919 = vector.shape_cast %reduce_sum3A_918 : vector<512xf32> to vector<512x1xf32>
    %add3A_920 = arith.addf %add3A_863, %broadcast_in_dim3A_919 : vector<512x1xf32>
    %broadcast_in_dim3A_921 = vector.shape_cast %add3A_920 : vector<512x1xf32> to vector<512x1xf32>
    %broadcast_in_dim3A_922 = vector.broadcast %broadcast_in_dim3A_921 : vector<512x1xf32> to vector<512x64xf32>
    %concatenate3A = tpu.concatenate %add3A_916, %broadcast_in_dim3A_922 in 1 : vector<512x64xf32>, vector<512x64xf32> -> vector<512x128xf32>
    %eq3A = arith.constant 0 : i32
    %eq3A_923 = arith.cmpi eq, %arg1, %eq3A : i32
    %convert_element_type3A = arith.extui %eq3A_923 : i1 to i32
    %cond3A = arith.constant 0 : i32
    %cond3A_924 = arith.cmpi ne, %convert_element_type3A, %cond3A : i32
    scf.if %cond3A_924 {
      %swap3A = arith.constant 0 : index
      %swap3A_929 = arith.constant 0 : index
      %swap3A_930 = vector.load %arg12[%swap3A, %swap3A_929] : memref<512x128xf32, #tpu.memory_space<vmem>>, vector<512x128xf32>
      tpu.vector_store %arg12[%swap3A, %swap3A_929], %concatenate3A {strides = array<i32>} : memref<512x128xf32, #tpu.memory_space<vmem>>, vector<512x128xf32>,
    } else {
    }
    %gt3A = arith.constant 0 : i32
    %gt3A_925 = arith.cmpi sgt, %arg1, %gt3A : i32
    %convert_element_type3A_926 = arith.extui %gt3A_925 : i1 to i32
    %cond3A_927 = arith.constant 0 : i32
    %cond3A_928 = arith.cmpi ne, %convert_element_type3A_926, %cond3A_927 : i32
    scf.if %cond3A_928 {
      %get3A_929 = arith.constant 0 : index
      %get3A_930 = arith.constant 0 : index
      %get3A_931 = vector.load %arg12[%get3A_929, %get3A_930] : memref<512x128xf32, #tpu.memory_space<vmem>>, vector<512x128xf32>
      %add3A_932 = arith.addf %get3A_931, %concatenate3A : vector<512x128xf32>
      %swap3A = arith.constant 0 : index
      %swap3A_933 = arith.constant 0 : index
      %swap3A_934 = vector.load %arg12[%swap3A, %swap3A_933] : memref<512x128xf32, #tpu.memory_space<vmem>>, vector<512x128xf32>
      tpu.vector_store %arg12[%swap3A, %swap3A_933], %add3A_932 {strides = array<i32>} : memref<512x128xf32, #tpu.memory_space<vmem>>, vector<512x128xf32>,
    } else {
    }
    return
  }
  func.func @transform_0(%arg0: i32, %arg1: i32) -> (i32, i32) {
    %c0_i32 = arith.constant 0 : i32
    %c0_i32_0 = arith.constant 0 : i32
    return %arg0, %c0_i32 : i32, i32
  }
  func.func @transform_1(%arg0: i32, %arg1: i32) -> (i32, i32) {
    %c0_i32 = arith.constant 0 : i32
    %c0_i32_0 = arith.constant 0 : i32
    return %arg0, %c0_i32 : i32, i32
  }
  func.func @transform_2(%arg0: i32, %arg1: i32) -> (i32, i32) {
    %c0_i32 = arith.constant 0 : i32
    %c0_i32_0 = arith.constant 0 : i32
    return %arg0, %c0_i32 : i32, i32
  }
  func.func @transform_3(%arg0: i32, %arg1: i32) -> (i32, i32) {
    %c0_i32 = arith.constant 0 : i32
    %c0_i32_0 = arith.constant 0 : i32
    return %arg0, %c0_i32 : i32, i32
  }
  func.func @transform_4(%arg0: i32, %arg1: i32) -> (i32, i32) {
    %c0_i32 = arith.constant 0 : i32
    return %arg0, %arg1 : i32, i32
  }
  func.func @transform_5(%arg0: i32, %arg1: i32) -> (i32, i32) {
    %c0_i32 = arith.constant 0 : i32
    %c0_i32_0 = arith.constant 0 : i32
    return %c0_i32, %arg1 : i32, i32
  }
  func.func @transform_6(%arg0: i32, %arg1: i32) -> (i32, i32) {
    %c0_i32 = arith.constant 0 : i32
    %c0_i32_0 = arith.constant 0 : i32
    return %c0_i32, %arg1 : i32, i32
  }
  func.func @transform_7(%arg0: i32, %arg1: i32) -> (i32, i32) {
    %c0_i32 = arith.constant 0 : i32
    %c0_i32_0 = arith.constant 0 : i32
    return %c0_i32, %arg1 : i32, i32
  }
  func.func @transform_8(%arg0: i32, %arg1: i32) -> (i32, i32) {
    %c0_i32 = arith.constant 0 : i32
    %c0_i32_0 = arith.constant 0 : i32
    return %c0_i32, %arg1 : i32, i32
  }
  func.func @transform_9(%arg0: i32, %arg1: i32) -> (i32, i32) {
    %c0_i32 = arith.constant 0 : i32
    %c0_i32_0 = arith.constant 0 : i32
    return %arg1, %c0_i32 : i32, i32
  }
  func.func @transform_10(%arg0: i32, %arg1: i32) -> (i32, i32) {
    %c0_i32 = arith.constant 0 : i32
    %c0_i32_0 = arith.constant 0 : i32
    return %arg0, %c0_i32 : i32, i32
  }
}

</mosaic_0001>

<sc_bundles>
// kernel: gather_offload_async_start.1
scs
__scs_entry_jumppad:
0x0: {  	(pc) =	sbr.rel $0x88, $3  }
0x1: {  	(tag) =	ssettag $0x0;
	lr =	simm.s32 $0x1  }
0x2: {  	[smem:$0x3F91] =	sst lr;
	_ =	strace $0xD0000000  }
0x3: {  	_ = 	snop  }
0x4: {  	_ = 	snop  }
0x5: {  	_ = 	snop  }
0x6: {  	_ = 	snop  }
0x7: {  	_ = 	snop  }
__scs_overlays_trampoline_lowered:
0x8: {  	[smem:$0x3FA0] =	sst s0  }
0x9: {  	[smem:$0x3FA1] =	sst s1  }
0xa: {  	[smem:$0x3FA2] =	sst s2  }
0xb: {  	[smem:$0x3FA3] =	sst s3  }
0xc: {  	[smem:$0x3FA4] =	sst s4  }
0xd: {  	[smem:$0x3FA5] =	sst s5  }
0xe: {  	[smem:$0x3FA6] =	sst s6  }
0xf: {  	[smem:$0x3FA7] =	sst s7  }
0x10: {  	[smem:$0x3FA8] =	sst s8  }
0x11: {  	[smem:$0x3FA9] =	sst s9;
	s0 =	simm.s32 @!p0 $0x0  }
0x12: {  	s1 =	sld [smem:$0x3F8F];
	s0 =	simm.s32 @p0 $0x1  }
0x13: {  	[smem:$0x3FAA] =	sst s0;
	s0 =	simm.s32 @!p1 $0x0  }
0x14: {  	s2 =	sld [smem:$0x3F8E];
	s0 =	simm.s32 @p1 $0x1  }
0x15: {  	[smem:$0x3FAB] =	sst s0;
	s0 =	simm.s32 @!p2 $0x0  }
0x16: {  	s3 =	sld [smem:$0x3FDB];
	s0 =	simm.s32 @p2 $0x1  }
0x17: {  	s4 =	simm.s32 $0x1BF5;
	[smem:$0x3FAD] =	sst s0  }
0x18: {  	s0 =	sld [smem:$0x3F90];
	_ =	swait.ge [sflag:s4], $0x0  }
0x19: {  	s7 =	sld [smem:$0x3F91]  }
0x1a: {  	s8 =	sadd.s32 $0xFFFFE003, lr  }
0x1b: {  	s9 =	sadd.s32 $0xFFFFFEF7, lr;
	s5 =	simm.s32 $0xFFFFFFFF;
	p2 =	slt.u32 s8, $0xFFFFF086  }
0x1c: {  	p1 =	slt.u32 s9, $0xF7A;
	s5 =	simm.s32 @!p2 $0x0  }
0x1d: {  	s5 =	simm.s32 @p1 $0x1;
	p0 =	seq.s32 s7, s2  }
0x1e: {  	s7 =	smul.u32 @!p0 $0xF7A, s2;
	p2 =	seq.s32 @!p0 s5, $0x0  }
0x1f: {  	s9 =	smul.u32 $0xF7A, s1;
	s8 =	simm.s32 @!p0 $0x1BF5;
	p2 =	por !p2, p0  }
0x20: {  	[sflag:s8] =	ssyncset.s32 @!p0 $0xFFFFF086;
	s6 =	sadd.s32 @!p0 s3, s7;
	s7 =	simm.s32 @!p0 $0x108  }
0x21: {  	s3 =	sadd.s32 s3, s9;
	s6 =	sadd.s32 @!p0 $0x88, s6;
	s7 =	simm.s32 @p2 $0x1082  }
0x22: {  	[simem:s7], [sflag:s8] =	dma.local @!p0 [hbm:s6], $0xF7A  }
0x23: {  	s9 =	sor.u32 $0xD0000000, s2;
	s6 =	simm.s32 $0x108;
	_ =	swait.ge @!p0 [sflag:s8], $0x0  }
0x24: {  	s3 =	sadd.s32 $0x88, s3;
	s6 =	simm.s32 @!p1 $0x1082;
	[sflag:s4] =	ssyncset.s32 $0xFFFFF086  }
0x25: {  	[simem:s6], [sflag:s4] =	dma.local [hbm:s3], $0xF7A  }
0x26: {  	[smem:$0x3F91] =	sst s1;
	(tag) =	ssettag s2;
	_ =	strace s9  }
0x27: {  	s1 =	sld [smem:$0x3FA1]  }
0x28: {  	s2 =	sld [smem:$0x3FA2]  }
0x29: {  	s4 =	sld [smem:$0x3FA4]  }
0x2a: {  	p0 =	seq.s32 s5, $0x0;
	s5 =	sld [smem:$0x3FA5]  }
0x2b: {  	s6 =	sld [smem:$0x3FA6]  }
0x2c: {  	s7 =	sld [smem:$0x3FA7]  }
0x2d: {  	s3 =	simm.s32 $0x108;
	s8 =	sld [smem:$0x3FA8]  }
0x2e: {  	s3 =	simm.s32 @!p0 $0x1082;
	s9 =	sld [smem:$0x3FA9]  }
0x2f: {  	lr =	sadd.s32 s0, s3;
	s0 =	sld [smem:$0x3FA0]  }
0x30: {  	s3 =	sld [smem:$0x3FA3]  }
0x31: {  	[smem:$0x3FAC] =	sst s10  }
0x32: {  	s10 =	sld [smem:$0x3FAA];
	_ =	sdelay $0x3  }
0x33: {  	p0 =	seq.s32 s10, $0x1;
	s10 =	sld [smem:$0x3FAC];
	_ =	sdelay $0x3  }
0x34: {  	[smem:$0x3FAC] =	sst s10  }
0x35: {  	s10 =	sld [smem:$0x3FAB];
	_ =	sdelay $0x3  }
0x36: {  	p1 =	seq.s32 s10, $0x1;
	s10 =	sld [smem:$0x3FAC];
	_ =	sdelay $0x3  }
0x37: {  	[smem:$0x3FAC] =	sst s10  }
0x38: {  	s10 =	sld [smem:$0x3FAD]  }
0x39: {  	_ = 	snop;
	(pc) =	sbr.ind lr, $3  }
0x3a: {  	_ = 	snop  }
0x3b: {  	_ = 	snop  }
0x3c: {  	p2 =	seq.s32 s10, $0x1;
	s10 =	sld [smem:$0x3FAC]  }
0x3d: {  	_ =	shalt  }
0x3e: {  	_ =	shalt  }
0x3f: {  	_ =	shalt  }
0x40: {  	_ =	shalt  }
0x41: {  	_ =	shalt  }
0x42: {  	_ =	shalt  }
0x43: {  	_ =	shalt  }
0x44: {  	_ =	shalt  }
0x45: {  	_ =	shalt  }
0x46: {  	_ =	shalt  }
0x47: {  	_ =	shalt  }
0x48: {  	_ =	shalt  }
0x49: {  	_ =	shalt  }
0x4a: {  	_ =	shalt  }
0x4b: {  	_ =	shalt  }
0x4c: {  	_ =	shalt  }
0x4d: {  	_ =	shalt  }
0x4e: {  	_ =	shalt  }
0x4f: {  	_ =	shalt  }
0x50: {  	_ =	shalt  }
0x51: {  	_ =	shalt  }
0x52: {  	_ =	shalt  }
0x53: {  	_ =	shalt  }
0x54: {  	_ =	shalt  }
0x55: {  	_ =	shalt  }
0x56: {  	_ =	shalt  }
0x57: {  	_ =	shalt  }
0x58: {  	_ =	shalt  }
0x59: {  	_ =	shalt  }
0x5a: {  	_ =	shalt  }
0x5b: {  	_ =	shalt  }
0x5c: {  	_ =	shalt  }
0x5d: {  	_ =	shalt  }
0x5e: {  	_ =	shalt  }
0x5f: {  	_ =	shalt  }
0x60: {  	_ =	shalt  }
0x61: {  	_ =	shalt  }
0x62: {  	_ =	shalt  }
0x63: {  	_ =	shalt  }
0x64: {  	_ =	shalt  }
0x65: {  	_ =	shalt  }
0x66: {  	_ =	shalt  }
0x67: {  	_ =	shalt  }
0x68: {  	_ =	shalt  }
0x69: {  	_ =	shalt  }
0x6a: {  	_ =	shalt  }
0x6b: {  	_ =	shalt  }
0x6c: {  	_ =	shalt  }
0x6d: {  	_ =	shalt  }
0x6e: {  	_ =	shalt  }
0x6f: {  	_ =	shalt  }
0x70: {  	_ =	shalt  }
0x71: {  	_ =	shalt  }
0x72: {  	_ =	shalt  }
0x73: {  	_ =	shalt  }
0x74: {  	_ =	shalt  }
0x75: {  	_ =	shalt  }
0x76: {  	_ =	shalt  }
0x77: {  	_ =	shalt  }
0x78: {  	_ =	shalt  }
0x79: {  	_ =	shalt  }
0x7a: {  	_ =	shalt  }
0x7b: {  	_ =	shalt  }
0x7c: {  	_ =	shalt  }
0x7d: {  	_ =	shalt  }
0x7e: {  	_ =	shalt  }
0x7f: {  	_ =	shalt  }
0x80: {  	_ =	shalt  }
0x81: {  	_ =	shalt  }
0x82: {  	_ =	shalt  }
0x83: {  	_ =	shalt  }
0x84: {  	_ =	shalt  }
0x85: {  	_ =	shalt  }
0x86: {  	_ =	shalt  }
0x87: {  	_ =	shalt  }
.Lfunc_end0:
.L_simem_size_0:
called_computation.2_lowered:
.L_overlay_start_0:
0x88: {  	s0 =	sld [smem:$0x3FD9]  }
0x89: {  	s1 =	sld [smem:$0x3FFE];
	_ =	sdelay $0x3  }
0x8a: {  	s0 =	sadd.s32 s1, s0  }
0x8b: {  	[smem:$0x3FB8] =	sst s0  }
0x8c: {  	_ = 	snop  }
0x8d: {  	(tm) =	ssettm $0x1  }
0x8e: {  	s15 =	sld [smem:$0x3FFB];
	_ =	sdelay $0x3  }
0x8f: {  	_ =	strace s15  }
0x90: {  	s0 =	sld [smem:$0x3FFC];
	_ =	sdelay $0x3  }
0x91: {  	_ =	strace s0  }
0x92: {  	s0 =	sld [smem:$0x3FFD];
	_ =	sdelay $0x3  }
0x93: {  	_ =	strace s0  }
0x94: {  	_ =	strace $0x8FFFFFFF  }
0x95: {  	s16 =	sld [smem:$0x3FDB];
	_ =	sdelay $0x1  }
0x96: {  	s17 =	simm.s32 $_scs_section_size  }
0x97: {  	s2 =	simm.s32 $_size__tile_overlayer_lowered;
	s3 =	simm.s32 $_tile_overlayer_lowered  }
0x98: {  	s20 =	simm.s32 $0x1BFF;
	s19 =	sshll.u32 s3, $0x1;
	s0 =	sadd.s32 s17, s16  }
0x99: {  	s4 =	simm.s32 $0x0;
	s18 =	sshll.u32 s2, $0x1;
	s2 =	sadd.s32 s19, s0  }
0x9a: {  	[timem:s4], [sflag:s20] =	dma.local [hbm:s2], s18  }
0x9b: {  	_ =	swait.ge [sflag:s20], s18  }
0x9c: {  	s1 =	ssub.s32 $0x0, s18;
	[sflag:s20] =	ssyncset.done $0x0  }
0x9d: {  	[sflag:s20] =	ssyncadd.s32 s1;
	_ =	sdelay $0x1  }
0x9e: {  	s21 =	simm.s32 $0x1B8B  }
0x9f: {  	_ =	swait.ge [sflag:s21], $0x1  }
0xa0: {  	[sflag:s21] =	ssyncset.done $0x0  }
0xa1: {  	s23 =	simm.s32 $0x1B8E;
	s22 =	sld [smem:$0x3FFE];
	[sflag:s21] =	ssyncadd.s32 $0xFFFFFFFF  }
0xa2: {  	s24 =	simm.s32 $execute0_lowered;
	[smem:$0x3FD2] =	sst s23  }
0xa3: {  	s2 =	sshll.u32 s24, $0x1;
	_ =	strace $0x80000049;
	[dreg:$0x1] =	wrdreg $0xFFFFFFFF  }
0xa4: {  	s25 =	simm.s32 $_size_execute0_lowered;
	s0 =	sadd.s32 s0, s2;
	[dreg:$0x0] =	wrdreg $0x0  }
0xa5: {  	s2 =	sshll.u32 s25, $0x1;
	[dreg:$0x2] =	wrdreg s0  }
0xa6: {  	[dreg:$0x3] =	wrdreg s2  }
0xa7: {  	[dreg:$0x4] =	wrdreg $0xC0  }
0xa8: {  	_ =	task [dreg:s4], $0x5FFFF  }
0xa9: {  	[dreg:$0x1] =	wrdreg $0xFFFFFFFF  }
0xaa: {  	[dreg:$0x0] =	wrdreg $0x60  }
0xab: {  	[dreg:$0x2] =	wrdreg s22  }
0xac: {  	[dreg:$0x3] =	wrdreg $0xA  }
0xad: {  	_ =	task.clear_ibuf [dreg:s4], $0x4FFFF;
	_ =	strace $0x90000049  }
0xae: {  	s26 =	simm.s32 $0xA;
	_ =	strace $0x8000004B  }
0xaf: {  	_ =	swait.ge [sflag:s26], $0x1  }
0xb0: {  	[sflag:s26] =	ssyncadd.s32 $0xFFFFFFFF  }
0xb1: {  	_ =	strace $0x9000004B  }
0xb2: {  	_ =	sfence  }
0xb3: {  	s28 =	sld [smem:$0x0];
	_ =	sdelay $0x1  }
0xb4: {  	s29 =	srdreg.scid  }
0xb5: {  	s30 =	sshll.u32 s29, $0xD;
	s31 =	sshrl.u32 s29, $0x2  }
0xb6: {  	s1 =	sand.u32 $0x1, s29;
	s2 =	sand.u32 $0x4000, s30;
	s0 =	sadd.s32 s31, s28  }
0xb7: {  	s1 =	sor.u32 s2, s1;
	s0 =	sshll.u32 s0, $0x11  }
0xb8: {  	s0 =	sor.u32 s0, s1  }
0xb9: {  	s0 =	sadd.s32 $0x8F2B, s0  }
0xba: {  	[sflag:s0] =	ssyncadd.remote.s32 $0x1  }
0xbb: {  	_ =	sfence.sel $0xFFFF  }
0xbc: {  	[dreg:$0x0] =	wrdreg $0xFFFFFFFF;
	(pc) =	sbr.abs _section_cstart, $3  }
0xbd: {  	[dreg:$0x1] =	wrdreg $0xFFFFFFFF  }
0xbe: {  	_ =	task.clear_ibuf [dreg:s4], $0x2FFFF;
	_ =	strace $0x9FFFFFFF  }
0xbf: {  	(tm) =	ssettm $0x7FFFFFFF  }
tec
execute0_lowered:
.L_overlay_start_1:
0x0: {  	(tag) =	ssettag $0x1  }
0x1: {  	s2 =	rddreg [dreg:$0x0]  }
0x2: {  	s0 =	rddreg [dreg:$0x1];
	s1 =	stileid.u32;
	_ =	strace $0x8000004A  }
0x3: {  	s6 =	simm.s32 $0x1;
	s8 =	simm.s32 $0x2;
	s30 =	simm.s32 $0x3  }
0x4: {  	s12 =	simm.s32 $0x0;
	s9 =	simm.s32 $0x0;
	s4 =	sshll.u32 s1, $0x4  }
0x5: {  	s10 =	simm.s32 $0x0;
	s3 =	sadd.s32 $0xA00, s2;
	s7 =	ssub.s32 $0x1380, s4  }
0x6: {  	s5 =	sadd.s32 $0xE00, s2;
	[sflag:s6] =	ssyncpa.u1 $0x0;
	s6 =	sshrl.u32 s7, $0x8  }
0x7: {  	[sflag:s8] =	ssyncpa.u1 $0x0;
	s11 =	smov.u32 s4;
	s31 =	sshll.u32 s6, $0x4  }
0x8: {  	[sflag:s30] =	ssyncpa.u1 $0x0;
	s7 =	sadd.s32 $0x2, s6;
	s8 =	sadd.s32 $0x30, s31  }
.LBB2_1:
0x9: {  	p0 =	sgt.u32 s10, s6  }
0xa: {  	s13 =	sxor.u32 @!p0 $0xFFFFFFFF, s9;
	s14 =	sshrl.u32 @!p0 s11, $0x3  }
0xb: {  	s15 =	sand.u32 @!p0 $0x7, s11;
	s13 =	sand.u32 @!p0 $0x10, s13;
	s14 =	sadd.s32 @!p0 s3, s14  }
0xc: {  	[tilespmem:s13], [sflag:$0x2] =	stream.linear.gather @!p0 [hbm4b:s14+s15], $0x10, $0x38;
	[tilespmem:$0x40] =	vst v63  }
0xd: {  	p0 =	seq.s32 s9, $0x0  }
0xe: {  	p1 =	sge.u32 @!p0 s10, s7  }
0xf: {  	p0 =	por p1, p0  }
0x10: {  	s13 =	simm.s32 @!p0 $0x2  }
0x11: {  	_ =	swait.ge @!p0 [sflag:s13], $0x10  }
0x12: {  	[sflag:s13] =	ssyncset.done @!p0 $0x0  }
0x13: {  	[sflag:s13] =	ssyncadd.s32 @!p0 $0xFFFFFFF0;
	s13 =	sand.u32 @!p0 $0x10, s9  }
0x14: {  	(ifvalue) =	ssetifvalue @!p0 $0x7FFFFFFF;
	v0 =	vld.msk @!p0 [tilespmem:s13+$0x0 ss:$0x1], $0xffff;
	_ =	sdelay $0x4  }
0x15: {  	vm0 =	vgt.s32 @!p0 v0, $0x0  }
0x16: {  	v0 =	vnsel @!p0 vm0, $0x0, v0  }
0x17: {  	v0 =	vmin.u32 @!p0 v0, $0x270F;
	_ =	sdelay $0x3  }
0x18: {  	s14 =	simm.s32 @!p0 $0x0;
	s13 =	sor.u32 @!p0 $0x20, s13;
	(ifvalue) =	ssetifvalue @!p0 $0x7FFFFFFF;
	vm0 =	vmmov @!p0 $0xffff  }
0x19: {  	[tilespmem:s13], [sflag:$0x1] =	stream.indirect_vreg.gather @!p0 [hbm4b:s2+s14], $0x1, v0, vm0, $0x4038;
	[tilespmem:$0x40] =	vst v63  }
0x1a: {  	s14 =	simm.s32 @!p0 $0x1  }
0x1b: {  	_ =	swait.ge @!p0 [sflag:s14], $0x10  }
0x1c: {  	s15 =	sshrl.u32 @!p0 s12, $0x3;
	[sflag:s14] =	ssyncset.done @!p0 $0x0  }
0x1d: {  	s12 =	sand.u32 @!p0 $0x7, s12;
	[sflag:s14] =	ssyncadd.s32 @!p0 $0xFFFFFFF0;
	s14 =	sadd.s32 @!p0 s5, s15  }
0x1e: {  	[hbm4b:s14+s12] =	stream.linear.scatter @!p0 [tilespmem:s13], [sflag:$0x3], $0x10, $0x38;
	[tilespmem:$0x40] =	vst v63  }
0x1f: {  	s14 =	sadd.s32 $0x100, s11  }
0x20: {  	s9 =	sadd.s32 $0x10, s9;
	p1 =	sgt.s32 s14, $0x1387  }
0x21: {  	s14 =	smov.u32 @p1 s4;
	p1 =	sne.s32 s8, s9  }
.Ltmp0:
0x22: {  	p0 =	slt.u32 s10, $0x2;
	(pc) =	sbr.rel @p1 .LBB2_1-.Ltmp0, $4  }
0x23: {  	s13 =	simm.s32 @!p0 $0x3  }
0x24: {  	_ =	swait.ge @!p0 [sflag:s13], $0x10  }
0x25: {  	s12 =	smov.u32 s11;
	[sflag:s13] =	ssyncset.done @!p0 $0x0  }
0x26: {  	s10 =	sadd.s32 $0x1, s10;
	s11 =	smov.u32 s14;
	[sflag:s13] =	ssyncadd.s32 @!p0 $0xFFFFFFF0  }
0x27: {  	_ =	sfence.sel $0x180000  }
0x28: {  	s2 =	simm.s32 $0x2;
	[bflag:$0x0] =	sbarrier.arrive $0xFFFF  }
0x29: {  	s30 =	simm.s32 $0x3;
	[sflag:s2] =	ssyncpa.u1 $0x1  }
0x2a: {  	s31 =	simm.s32 $0x1;
	[sflag:s30] =	ssyncpa.u1 $0x1  }
0x2b: {  	[sflag:s31] =	ssyncpa.u1 $0x1  }
0x2c: {  	p0 =	sne.s32 s1, $0x0;
	_ =	strace $0x9000004A  }
0x2d: {  	s0 =	sadd.s32 @!p0 $0x100000, s0;
	[bflag:$0x2] =	sbarrier.arrive $0xFFFF  }
0x2e: {  	[sflag:s0] =	ssyncadd.tile.s32 @!p0 $0x1;
	_ =	shalt  }
.Lfunc_end2:
_tile_overlayer_lowered:
.L_overlay_start_2:
0x2f: {  	(tag) =	ssettag $0x2  }
0x30: {  	s0 =	rddreg [dreg:$0x0];
	s2 =	stileid.u32  }
0x31: {  	s1 =	rddreg [dreg:$0x1];
	p0 =	sne.s32 s2, $0x0  }
0x32: {  	s3 =	rddreg [dreg:$0x2];
	[bflag:$0x3] =	sbarrier.arrive $0xFFFF;
	s2 =	simm.s32 @!p0 $0x1C01  }
0x33: {  	[timem:s3], [sflag:s2] =	dma.local @!p0 [hbm:s0], s1  }
0x34: {  	s0 =	simm.s32 @!p0 $0x1  }
0x35: {  	_ =	swait.ge @!p0 [sflag:s0], s1  }
0x36: {  	s1 =	ssub.s32 @!p0 $0x0, s1;
	[sflag:s0] =	ssyncset.done @!p0 $0x0  }
0x37: {  	[sflag:s0] =	ssyncadd.s32 @!p0 s1  }
0x38: {  	[bflag:$0x3] =	sbarrier.arrive $0xFFFF  }
0x39: {  	_ =	shalt  }

// kernel: gather_offload_async_start.2
scs
__scs_entry_jumppad:
0x0: {  	(pc) =	sbr.rel $0x88, $3  }
0x1: {  	(tag) =	ssettag $0x0;
	lr =	simm.s32 $0x1  }
0x2: {  	[smem:$0x3F91] =	sst lr;
	_ =	strace $0xD0000000  }
0x3: {  	_ = 	snop  }
0x4: {  	_ = 	snop  }
0x5: {  	_ = 	snop  }
0x6: {  	_ = 	snop  }
0x7: {  	_ = 	snop  }
__scs_overlays_trampoline_lowered:
0x8: {  	[smem:$0x3FA0] =	sst s0  }
0x9: {  	[smem:$0x3FA1] =	sst s1  }
0xa: {  	[smem:$0x3FA2] =	sst s2  }
0xb: {  	[smem:$0x3FA3] =	sst s3  }
0xc: {  	[smem:$0x3FA4] =	sst s4  }
0xd: {  	[smem:$0x3FA5] =	sst s5  }
0xe: {  	[smem:$0x3FA6] =	sst s6  }
0xf: {  	[smem:$0x3FA7] =	sst s7  }
0x10: {  	[smem:$0x3FA8] =	sst s8  }
0x11: {  	[smem:$0x3FA9] =	sst s9;
	s0 =	simm.s32 @!p0 $0x0  }
0x12: {  	s1 =	sld [smem:$0x3F8F];
	s0 =	simm.s32 @p0 $0x1  }
0x13: {  	[smem:$0x3FAA] =	sst s0;
	s0 =	simm.s32 @!p1 $0x0  }
0x14: {  	s2 =	sld [smem:$0x3F8E];
	s0 =	simm.s32 @p1 $0x1  }
0x15: {  	[smem:$0x3FAB] =	sst s0;
	s0 =	simm.s32 @!p2 $0x0  }
0x16: {  	s3 =	sld [smem:$0x3FDB];
	s0 =	simm.s32 @p2 $0x1  }
0x17: {  	s4 =	simm.s32 $0x1BF5;
	[smem:$0x3FAD] =	sst s0  }
0x18: {  	s0 =	sld [smem:$0x3F90];
	_ =	swait.ge [sflag:s4], $0x0  }
0x19: {  	s7 =	sld [smem:$0x3F91]  }
0x1a: {  	s8 =	sadd.s32 $0xFFFFE003, lr  }
0x1b: {  	s9 =	sadd.s32 $0xFFFFFEF7, lr;
	s5 =	simm.s32 $0xFFFFFFFF;
	p2 =	slt.u32 s8, $0xFFFFF086  }
0x1c: {  	p1 =	slt.u32 s9, $0xF7A;
	s5 =	simm.s32 @!p2 $0x0  }
0x1d: {  	s5 =	simm.s32 @p1 $0x1;
	p0 =	seq.s32 s7, s2  }
0x1e: {  	s7 =	smul.u32 @!p0 $0xF7A, s2;
	p2 =	seq.s32 @!p0 s5, $0x0  }
0x1f: {  	s9 =	smul.u32 $0xF7A, s1;
	s8 =	simm.s32 @!p0 $0x1BF5;
	p2 =	por !p2, p0  }
0x20: {  	[sflag:s8] =	ssyncset.s32 @!p0 $0xFFFFF086;
	s6 =	sadd.s32 @!p0 s3, s7;
	s7 =	simm.s32 @!p0 $0x108  }
0x21: {  	s3 =	sadd.s32 s3, s9;
	s6 =	sadd.s32 @!p0 $0x88, s6;
	s7 =	simm.s32 @p2 $0x1082  }
0x22: {  	[simem:s7], [sflag:s8] =	dma.local @!p0 [hbm:s6], $0xF7A  }
0x23: {  	s9 =	sor.u32 $0xD0000000, s2;
	s6 =	simm.s32 $0x108;
	_ =	swait.ge @!p0 [sflag:s8], $0x0  }
0x24: {  	s3 =	sadd.s32 $0x88, s3;
	s6 =	simm.s32 @!p1 $0x1082;
	[sflag:s4] =	ssyncset.s32 $0xFFFFF086  }
0x25: {  	[simem:s6], [sflag:s4] =	dma.local [hbm:s3], $0xF7A  }
0x26: {  	[smem:$0x3F91] =	sst s1;
	(tag) =	ssettag s2;
	_ =	strace s9  }
0x27: {  	s1 =	sld [smem:$0x3FA1]  }
0x28: {  	s2 =	sld [smem:$0x3FA2]  }
0x29: {  	s4 =	sld [smem:$0x3FA4]  }
0x2a: {  	p0 =	seq.s32 s5, $0x0;
	s5 =	sld [smem:$0x3FA5]  }
0x2b: {  	s6 =	sld [smem:$0x3FA6]  }
0x2c: {  	s7 =	sld [smem:$0x3FA7]  }
0x2d: {  	s3 =	simm.s32 $0x108;
	s8 =	sld [smem:$0x3FA8]  }
0x2e: {  	s3 =	simm.s32 @!p0 $0x1082;
	s9 =	sld [smem:$0x3FA9]  }
0x2f: {  	lr =	sadd.s32 s0, s3;
	s0 =	sld [smem:$0x3FA0]  }
0x30: {  	s3 =	sld [smem:$0x3FA3]  }
0x31: {  	[smem:$0x3FAC] =	sst s10  }
0x32: {  	s10 =	sld [smem:$0x3FAA];
	_ =	sdelay $0x3  }
0x33: {  	p0 =	seq.s32 s10, $0x1;
	s10 =	sld [smem:$0x3FAC];
	_ =	sdelay $0x3  }
0x34: {  	[smem:$0x3FAC] =	sst s10  }
0x35: {  	s10 =	sld [smem:$0x3FAB];
	_ =	sdelay $0x3  }
0x36: {  	p1 =	seq.s32 s10, $0x1;
	s10 =	sld [smem:$0x3FAC];
	_ =	sdelay $0x3  }
0x37: {  	[smem:$0x3FAC] =	sst s10  }
0x38: {  	s10 =	sld [smem:$0x3FAD]  }
0x39: {  	_ = 	snop;
	(pc) =	sbr.ind lr, $3  }
0x3a: {  	_ = 	snop  }
0x3b: {  	_ = 	snop  }
0x3c: {  	p2 =	seq.s32 s10, $0x1;
	s10 =	sld [smem:$0x3FAC]  }
0x3d: {  	_ =	shalt  }
0x3e: {  	_ =	shalt  }
0x3f: {  	_ =	shalt  }
0x40: {  	_ =	shalt  }
0x41: {  	_ =	shalt  }
0x42: {  	_ =	shalt  }
0x43: {  	_ =	shalt  }
0x44: {  	_ =	shalt  }
0x45: {  	_ =	shalt  }
0x46: {  	_ =	shalt  }
0x47: {  	_ =	shalt  }
0x48: {  	_ =	shalt  }
0x49: {  	_ =	shalt  }
0x4a: {  	_ =	shalt  }
0x4b: {  	_ =	shalt  }
0x4c: {  	_ =	shalt  }
0x4d: {  	_ =	shalt  }
0x4e: {  	_ =	shalt  }
0x4f: {  	_ =	shalt  }
0x50: {  	_ =	shalt  }
0x51: {  	_ =	shalt  }
0x52: {  	_ =	shalt  }
0x53: {  	_ =	shalt  }
0x54: {  	_ =	shalt  }
0x55: {  	_ =	shalt  }
0x56: {  	_ =	shalt  }
0x57: {  	_ =	shalt  }
0x58: {  	_ =	shalt  }
0x59: {  	_ =	shalt  }
0x5a: {  	_ =	shalt  }
0x5b: {  	_ =	shalt  }
0x5c: {  	_ =	shalt  }
0x5d: {  	_ =	shalt  }
0x5e: {  	_ =	shalt  }
0x5f: {  	_ =	shalt  }
0x60: {  	_ =	shalt  }
0x61: {  	_ =	shalt  }
0x62: {  	_ =	shalt  }
0x63: {  	_ =	shalt  }
0x64: {  	_ =	shalt  }
0x65: {  	_ =	shalt  }
0x66: {  	_ =	shalt  }
0x67: {  	_ =	shalt  }
0x68: {  	_ =	shalt  }
0x69: {  	_ =	shalt  }
0x6a: {  	_ =	shalt  }
0x6b: {  	_ =	shalt  }
0x6c: {  	_ =	shalt  }
0x6d: {  	_ =	shalt  }
0x6e: {  	_ =	shalt  }
0x6f: {  	_ =	shalt  }
0x70: {  	_ =	shalt  }
0x71: {  	_ =	shalt  }
0x72: {  	_ =	shalt  }
0x73: {  	_ =	shalt  }
0x74: {  	_ =	shalt  }
0x75: {  	_ =	shalt  }
0x76: {  	_ =	shalt  }
0x77: {  	_ =	shalt  }
0x78: {  	_ =	shalt  }
0x79: {  	_ =	shalt  }
0x7a: {  	_ =	shalt  }
0x7b: {  	_ =	shalt  }
0x7c: {  	_ =	shalt  }
0x7d: {  	_ =	shalt  }
0x7e: {  	_ =	shalt  }
0x7f: {  	_ =	shalt  }
0x80: {  	_ =	shalt  }
0x81: {  	_ =	shalt  }
0x82: {  	_ =	shalt  }
0x83: {  	_ =	shalt  }
0x84: {  	_ =	shalt  }
0x85: {  	_ =	shalt  }
0x86: {  	_ =	shalt  }
0x87: {  	_ =	shalt  }
.Lfunc_end0:
.L_simem_size_0:
called_computation.3_lowered:
.L_overlay_start_0:
0x88: {  	s0 =	sld [smem:$0x3FD9]  }
0x89: {  	s1 =	sld [smem:$0x3FFE];
	_ =	sdelay $0x3  }
0x8a: {  	s0 =	sadd.s32 s1, s0  }
0x8b: {  	[smem:$0x3FB8] =	sst s0  }
0x8c: {  	_ = 	snop  }
0x8d: {  	(tm) =	ssettm $0x1  }
0x8e: {  	s15 =	sld [smem:$0x3FFB];
	_ =	sdelay $0x3  }
0x8f: {  	_ =	strace s15  }
0x90: {  	s0 =	sld [smem:$0x3FFC];
	_ =	sdelay $0x3  }
0x91: {  	_ =	strace s0  }
0x92: {  	s0 =	sld [smem:$0x3FFD];
	_ =	sdelay $0x3  }
0x93: {  	_ =	strace s0  }
0x94: {  	_ =	strace $0x8FFFFFFF  }
0x95: {  	s16 =	sld [smem:$0x3FDB];
	_ =	sdelay $0x1  }
0x96: {  	s17 =	simm.s32 $_scs_section_size  }
0x97: {  	s2 =	simm.s32 $_size__tile_overlayer_lowered;
	s3 =	simm.s32 $_tile_overlayer_lowered  }
0x98: {  	s20 =	simm.s32 $0x1BFF;
	s19 =	sshll.u32 s3, $0x1;
	s0 =	sadd.s32 s17, s16  }
0x99: {  	s4 =	simm.s32 $0x0;
	s18 =	sshll.u32 s2, $0x1;
	s2 =	sadd.s32 s19, s0  }
0x9a: {  	[timem:s4], [sflag:s20] =	dma.local [hbm:s2], s18  }
0x9b: {  	_ =	swait.ge [sflag:s20], s18  }
0x9c: {  	s1 =	ssub.s32 $0x0, s18;
	[sflag:s20] =	ssyncset.done $0x0  }
0x9d: {  	[sflag:s20] =	ssyncadd.s32 s1;
	_ =	sdelay $0x1  }
0x9e: {  	s21 =	simm.s32 $0x1B8B  }
0x9f: {  	_ =	swait.ge [sflag:s21], $0x1  }
0xa0: {  	[sflag:s21] =	ssyncset.done $0x0  }
0xa1: {  	s23 =	simm.s32 $0x1B8E;
	s22 =	sld [smem:$0x3FFE];
	[sflag:s21] =	ssyncadd.s32 $0xFFFFFFFF  }
0xa2: {  	s24 =	simm.s32 $execute0_lowered;
	[smem:$0x3FD2] =	sst s23  }
0xa3: {  	s2 =	sshll.u32 s24, $0x1;
	_ =	strace $0x8000004F;
	[dreg:$0x1] =	wrdreg $0xFFFFFFFF  }
0xa4: {  	s25 =	simm.s32 $_size_execute0_lowered;
	s0 =	sadd.s32 s0, s2;
	[dreg:$0x0] =	wrdreg $0x0  }
0xa5: {  	s2 =	sshll.u32 s25, $0x1;
	[dreg:$0x2] =	wrdreg s0  }
0xa6: {  	[dreg:$0x3] =	wrdreg s2  }
0xa7: {  	[dreg:$0x4] =	wrdreg $0xC0  }
0xa8: {  	_ =	task [dreg:s4], $0x5FFFF  }
0xa9: {  	[dreg:$0x1] =	wrdreg $0xFFFFFFFF  }
0xaa: {  	[dreg:$0x0] =	wrdreg $0x60  }
0xab: {  	[dreg:$0x2] =	wrdreg s22  }
0xac: {  	[dreg:$0x3] =	wrdreg $0xB  }
0xad: {  	_ =	task.clear_ibuf [dreg:s4], $0x4FFFF;
	_ =	strace $0x9000004F  }
0xae: {  	s26 =	simm.s32 $0xB;
	_ =	strace $0x80000051  }
0xaf: {  	_ =	swait.ge [sflag:s26], $0x1  }
0xb0: {  	[sflag:s26] =	ssyncadd.s32 $0xFFFFFFFF  }
0xb1: {  	_ =	strace $0x90000051  }
0xb2: {  	_ =	sfence  }
0xb3: {  	s28 =	sld [smem:$0x0];
	_ =	sdelay $0x1  }
0xb4: {  	s29 =	srdreg.scid  }
0xb5: {  	s30 =	sshll.u32 s29, $0xD;
	s31 =	sshrl.u32 s29, $0x2  }
0xb6: {  	s1 =	sand.u32 $0x1, s29;
	s2 =	sand.u32 $0x4000, s30;
	s0 =	sadd.s32 s31, s28  }
0xb7: {  	s1 =	sor.u32 s2, s1;
	s0 =	sshll.u32 s0, $0x11  }
0xb8: {  	s0 =	sor.u32 s0, s1  }
0xb9: {  	s0 =	sadd.s32 $0x8F2B, s0  }
0xba: {  	[sflag:s0] =	ssyncadd.remote.s32 $0x1  }
0xbb: {  	_ =	sfence.sel $0xFFFF  }
0xbc: {  	[dreg:$0x0] =	wrdreg $0xFFFFFFFF;
	(pc) =	sbr.abs _section_cstart, $3  }
0xbd: {  	[dreg:$0x1] =	wrdreg $0xFFFFFFFF  }
0xbe: {  	_ =	task.clear_ibuf [dreg:s4], $0x2FFFF;
	_ =	strace $0x9FFFFFFF  }
0xbf: {  	(tm) =	ssettm $0x7FFFFFFF  }
tec
execute0_lowered:
.L_overlay_start_1:
0x0: {  	(tag) =	ssettag $0x1  }
0x1: {  	s0 =	stileid.u32  }
0x2: {  	s1 =	smul.u32 $0x7, s0  }
0x3: {  	s2 =	smin.u32 s0, $0xD  }
0x4: {  	s1 =	sadd.s32 s2, s1  }
0x5: {  	p0 =	slt.u32 s0, $0xD;
	s2 =	smul.u32 $0x28, s1;
	s1 =	simm.s32 $0x140  }
0x6: {  	s1 =	simm.s32 @!p0 $0x118  }
0x7: {  	s1 =	sadd.s32 s1, s2  }
0x8: {  	s3 =	smin.u32 s1, $0x1388  }
0x9: {  	s7 =	ssub.s32 s3, s2  }
0xa: {  	p0 =	sgt.s32 s7, $0x0  }
0xb: {  	s7 =	simm.s32 @!p0 $0x0  }
0xc: {  	s31 =	smul.u32 $0xCCCD, s7  }
0xd: {  	s9 =	rddreg [dreg:$0x0];
	s6 =	simm.s32 $0x1;
	s11 =	simm.s32 $0x3  }
0xe: {  	s13 =	simm.s32 $0x0;
	s12 =	simm.s32 $0x0;
	s8 =	sshrl.u32 s31, $0x15  }
0xf: {  	s4 =	sadd.s32 $0x3D800, s9;
	s5 =	sadd.s32 $0x3C600, s9;
	s10 =	smul.u32 $0x28, s8  }
.Ltmp0:
0x10: {  	s9 =	sadd.s32 $0x105800, s9;
	s1 =	rddreg [dreg:$0x1];
	(pc) =	sbr.rel .LBB2_1-.Ltmp0, $4  }
0x11: {  	_ =	strace $0x80000050;
	p0 =	sne.s32 s7, s10;
	s10 =	simm.s32 $0x1  }
0x12: {  	[sflag:s6] =	ssyncpa.u1 $0x0;
	s7 =	simm.s32 $0x2;
	s10 =	simm.s32 @!p0 $0x0  }
0x13: {  	[sflag:s7] =	ssyncpa.u1 $0x0;
	p0 =	por $0x0, $0x0;
	s8 =	sadd.s32 s8, s10  }
0x14: {  	vm0 =	vmmov $0xff;
	vm1 =	vcmask $0x3F20;
	[sflag:s11] =	ssyncpa.u1 $0x0;
	s11 =	smov.u32 s2;
	s10 =	sadd.s32 $0x1, s8  }
.LBB2_11:
0x15: {  	s13 =	sadd.s32 $0x28, s11  }
0x16: {  	s15 =	smov.u32 s2;
	p2 =	slt.s32 s13, s3  }
0x17: {  	s15 =	smov.u32 @p2 s13;
	p2 =	sne.s32 s12, s10  }
.Ltmp1:
0x18: {  	p1 =	slt.u32 s12, $0x2;
	(pc) =	sbr.rel @!p2 .LBB2_12-.Ltmp1, $4  }
0x19: {  	s14 =	simm.s32 @!p1 $0x3  }
0x1a: {  	s16 =	sadd.s32 $0x1, s12;
	_ =	swait.ge @!p1 [sflag:s14], $0x6400  }
0x1b: {  	p0 =	por !p0, !p0;
	s13 =	smov.u32 s11;
	[sflag:s14] =	ssyncset.done @!p1 $0x0  }
0x1c: {  	s12 =	smov.u32 s16;
	s11 =	smov.u32 s15;
	[sflag:s14] =	ssyncadd.s32 @!p1 $0xFFFF9C00  }
.LBB2_1:
0x1d: {  	p1 =	sge.u32 s12, s8  }
0x1e: {  	s14 =	sxor.u32 @!p1 $0xFFFFFFFF, s12  }
0x1f: {  	s14 =	sand.u32 @!p1 $0x1, s14  }
0x20: {  	s14 =	smul.u32 @!p1 $0xA0, s14  }
0x21: {  	s31 =	sadd.s32 $0xFFFFFFFF, s12;
	s15 =	sshrl.u32 @!p1 s11, $0x3  }
0x22: {  	s16 =	sand.u32 @!p1 $0x7, s11;
	s15 =	sadd.s32 @!p1 s5, s15;
	s14 =	sshrl.u32 @!p1 s14, $0x2  }
0x23: {  	[tilespmem:s14], [sflag:$0x2] =	stream.linear.gather @!p1 [hbm4b:s15+s16], $0x28, $0x38;
	[tilespmem:$0xC850] =	vst v63  }
0x24: {  	p1 =	sge.u32 s31, s8  }
.Ltmp2:
0x25: {  	_ = 	snop;
	(pc) =	sbr.rel @p1 .LBB2_11-.Ltmp2, $1  }
0x26: {  	_ =	sdelay $0x3  }
0x27: {  	s14 =	simm.s32 $0x1;
	s15 =	sand.u32 $0x1, s12  }
0x28: {  	s14 =	simm.s32 @!p0 $0x0;
	s16 =	smul.u32 $0xA0, s15  }
0x29: {  	_ =	swait.ge [sflag:s7], $0x28;
	s14 =	smul.u32 $0x19000, s14  }
0x2a: {  	s18 =	simm.s32 $0x0;
	p2 =	por $0x1, $0x1;
	[sflag:s7] =	ssyncset.done $0x0  }
0x2b: {  	[sflag:s7] =	ssyncadd.s32 $0xFFFFFFD8;
	s16 =	sshrl.u32 s16, $0x2;
	s17 =	sshrl.u32 s14, $0x2  }
0x2c: {  	s14 =	sor.u32 $0x50, s17;
	s15 =	sadd.s32 $0x5050, s17;
	s17 =	sadd.s32 $0x50, s17  }
.LBB2_3:
0x2d: {  	s19 =	sshll.u32 s18, $0x4  }
0x2e: {  	s19 =	sand.u32 $0x3FFFFFF0, s19  }
0x2f: {  	s19 =	sadd.s32 s19, s16  }
0x30: {  	v0 =	vld.msk [tilespmem:s19+$0x0 ss:$0x1], $0xffff;
	_ =	sdelay $0x4  }
0x31: {  	vm2 =	vgt.s32 v0, $0x0  }
0x32: {  	v0 =	vnsel vm2, $0x0, v0  }
0x33: {  	v0 =	vmin.u32 v0, $0x27FF  }
0x34: {  	v1 =	vshrl.u32 v0, $0x3  }
0x35: {  	v0 =	vshll.u32 v0, $0x7;
	v1 =	vmul.u32 $0x1400, v1  }
0x36: {  	v0 =	vand.u32 $0x380, v0  }
0x37: {  	v0 =	vor.u32 v0, v1  }
0x38: {  	s31 =	smul.u32 $0xA000, s18;
	v0 =	vshrl.u32 v0, $0x3;
	_ =	sdelay $0x1  }
0x39: {  	s18 =	sshra.s32 s31, $0x2  }
0x3a: {  	s18 =	sadd.s32 s18, s17  }
0x3b: {  	s20 =	sadd.s32 $0x0, s18  }
0x3c: {  	[tilespmem:s20], [sflag:$0x1] =	stream.indirect_vreg.gather [hbm:s4], $0x80, v0, vm0, $0x38;
	[tilespmem:$0xC850] =	vst v63  }
0x3d: {  	p1 =	por p2, p2;
	s19 =	simm.s32 $0x1000;
	v1 =	vadd.s32 $0x80, v0;
	s20 =	sadd.s32 $0x1400, s20  }
.LBB2_4:
0x3e: {  	[tilespmem:s20], [sflag:$0x1] =	stream.indirect_vreg.gather [hbm:s4], $0x80, v0, vm1, $0x38;
	[tilespmem:$0xC850] =	vst v63  }
0x3f: {  	v0 =	vmov v1;
	s20 =	smov.u32 s19;
	p2 =	sne.s32 s19, $0x4000  }
.Ltmp3:
0x40: {  	s19 =	sadd.s32 $0x1000, s19;
	(pc) =	sbr.rel @p2 .LBB2_4-.Ltmp3, $4  }
0x41: {  	s20 =	sshra.s32 s20, $0x2  }
0x42: {  	s20 =	sadd.s32 s20, s18  }
0x43: {  	[tilespmem:s20], [sflag:$0x1] =	stream.indirect_vreg.gather [hbm:s4], $0x80, v1, vm0, $0x38;
	[tilespmem:$0xC850] =	vst v63  }
0x44: {  	s20 =	sadd.s32 $0x1400, s20;
	v1 =	vadd.s32 $0x80, v1  }
0x45: {  	_ = 	snop  }
.Ltmp4:
0x46: {  	_ = 	snop;
	(pc) =	sbr.rel @p1 .LBB2_3-.Ltmp4, $3  }
0x47: {  	_ =	sdelay $0x1  }
0x48: {  	[tilespmem:s20], [sflag:$0x1] =	stream.indirect_vreg.gather [hbm:s4], $0x80, v0, vm1, $0x38;
	[tilespmem:$0xC850] =	vst v63  }
0x49: {  	s18 =	simm.s32 $0x1;
	p2 =	por $0x0, $0x0  }
0x4a: {  	v0 =	vld.msk [tilespmem:s16+$0x20 ss:$0x1], $0xff;
	_ =	sdelay $0x4  }
0x4b: {  	vm2 =	vgt.s32 v0, $0x0  }
0x4c: {  	v0 =	vnsel vm2, $0x0, v0  }
0x4d: {  	v0 =	vmin.u32 v0, $0x27FF  }
0x4e: {  	v1 =	vshrl.u32 v0, $0x3  }
0x4f: {  	v0 =	vshll.u32 v0, $0x7;
	v1 =	vmul.u32 $0x1400, v1  }
0x50: {  	v0 =	vand.u32 $0x380, v0  }
0x51: {  	v0 =	vor.u32 v0, v1  }
0x52: {  	v0 =	vshrl.u32 v0, $0x3;
	_ =	sdelay $0x3  }
0x53: {  	s16 =	simm.s32 $0x1000;
	s17 =	sadd.s32 $0x0, s15  }
.LBB2_7:
0x54: {  	[tilespmem:s17], [sflag:$0x1] =	stream.indirect_vreg.gather [hbm:s4], $0x80, v0, vm0, $0x38;
	[tilespmem:$0xC850] =	vst v63  }
0x55: {  	v0 =	vadd.s32 $0x80, v0;
	s17 =	smov.u32 s16;
	p1 =	sne.s32 s16, $0x4000  }
.Ltmp5:
0x56: {  	s16 =	sadd.s32 $0x1000, s16;
	(pc) =	sbr.rel @p1 .LBB2_7-.Ltmp5, $3  }
0x57: {  	_ =	sdelay $0x1  }
0x58: {  	s17 =	sshra.s32 s17, $0x2  }
0x59: {  	s17 =	sadd.s32 s17, s15  }
0x5a: {  	_ =	sdelay $0x3  }
0x5b: {  	[tilespmem:s17], [sflag:$0x1] =	stream.indirect_vreg.gather [hbm:s4], $0x80, v0, vm0, $0x38;
	[tilespmem:$0xC850] =	vst v63  }
0x5c: {  	s15 =	sshrl.u32 s13, $0x3  }
0x5d: {  	s15 =	smul.u32 $0x280, s15  }
0x5e: {  	s31 =	sshll.u32 s13, $0x4  }
0x5f: {  	_ =	swait.ge [sflag:s6], $0x6400;
	s13 =	sand.u32 $0x70, s31;
	s15 =	sadd.s32 s15, s9  }
0x60: {  	s16 =	sadd.s32 $0x1400, s14;
	[sflag:s6] =	ssyncset.done $0x0;
	s13 =	sadd.s32 s13, s15  }
0x61: {  	[sflag:s6] =	ssyncadd.s32 $0xFFFF9C00;
	s15 =	simm.s32 $0x280;
	s17 =	sadd.s32 $0x0, s13  }
.LBB2_9:
0x62: {  	[hbm:s17] =	stream.linear.scatter [tilespmem:s14], [sflag:$0x3], $0x1400, $0x38;
	[tilespmem:$0xC850] =	vst v63  }
0x63: {  	s17 =	smov.u32 s15;
	s14 =	smov.u32 s16;
	p1 =	sne.s32 s15, $0xA00  }
.Ltmp6:
0x64: {  	s15 =	sadd.s32 $0x280, s15;
	(pc) =	sbr.rel @p1 .LBB2_9-.Ltmp6, $2  }
0x65: {  	_ =	sdelay $0x2  }
0x66: {  	s16 =	sadd.s32 $0x1400, s16;
	s17 =	sadd.s32 s17, s13  }
.Ltmp7:
0x67: {  	(pc) =	sbr.rel .LBB2_11-.Ltmp7, $2  }
0x68: {  	_ =	sdelay $0x2  }
0x69: {  	[hbm:s17] =	stream.linear.scatter [tilespmem:s14], [sflag:$0x3], $0x1400, $0x38;
	[tilespmem:$0xC850] =	vst v63  }
.LBB2_12:
0x6a: {  	_ =	sfence.sel $0x180000  }
0x6b: {  	s2 =	simm.s32 $0x2;
	[bflag:$0x0] =	sbarrier.arrive $0xFFFF  }
0x6c: {  	s30 =	simm.s32 $0x3;
	[sflag:s2] =	ssyncpa.u1 $0x1  }
0x6d: {  	s31 =	simm.s32 $0x1;
	[sflag:s30] =	ssyncpa.u1 $0x1  }
0x6e: {  	[sflag:s31] =	ssyncpa.u1 $0x1  }
0x6f: {  	p0 =	sne.s32 s0, $0x0;
	_ =	strace $0x90000050  }
0x70: {  	s0 =	sadd.s32 @!p0 $0x100000, s1;
	[bflag:$0x2] =	sbarrier.arrive $0xFFFF  }
0x71: {  	[sflag:s0] =	ssyncadd.tile.s32 @!p0 $0x1;
	_ =	shalt  }
.Lfunc_end2:
_tile_overlayer_lowered:
.L_overlay_start_2:
0x72: {  	(tag) =	ssettag $0x2  }
0x73: {  	s0 =	rddreg [dreg:$0x0];
	s2 =	stileid.u32  }
0x74: {  	s1 =	rddreg [dreg:$0x1];
	p0 =	sne.s32 s2, $0x0  }
0x75: {  	s3 =	rddreg [dreg:$0x2];
	[bflag:$0x3] =	sbarrier.arrive $0xFFFF;
	s2 =	simm.s32 @!p0 $0x1C01  }
0x76: {  	[timem:s3], [sflag:s2] =	dma.local @!p0 [hbm:s0], s1  }
0x77: {  	s0 =	simm.s32 @!p0 $0x1  }
0x78: {  	_ =	swait.ge @!p0 [sflag:s0], s1  }
0x79: {  	s1 =	ssub.s32 @!p0 $0x0, s1;
	[sflag:s0] =	ssyncset.done @!p0 $0x0  }
0x7a: {  	[sflag:s0] =	ssyncadd.s32 @!p0 s1  }
0x7b: {  	[bflag:$0x3] =	sbarrier.arrive $0xFFFF  }
0x7c: {  	_ =	shalt  }

// kernel: gather_offload_async_start
scs
__scs_entry_jumppad:
0x0: {  	(pc) =	sbr.rel $0x88, $3  }
0x1: {  	(tag) =	ssettag $0x0;
	lr =	simm.s32 $0x1  }
0x2: {  	[smem:$0x3F91] =	sst lr;
	_ =	strace $0xD0000000  }
0x3: {  	_ = 	snop  }
0x4: {  	_ = 	snop  }
0x5: {  	_ = 	snop  }
0x6: {  	_ = 	snop  }
0x7: {  	_ = 	snop  }
__scs_overlays_trampoline_lowered:
0x8: {  	[smem:$0x3FA0] =	sst s0  }
0x9: {  	[smem:$0x3FA1] =	sst s1  }
0xa: {  	[smem:$0x3FA2] =	sst s2  }
0xb: {  	[smem:$0x3FA3] =	sst s3  }
0xc: {  	[smem:$0x3FA4] =	sst s4  }
0xd: {  	[smem:$0x3FA5] =	sst s5  }
0xe: {  	[smem:$0x3FA6] =	sst s6  }
0xf: {  	[smem:$0x3FA7] =	sst s7  }
0x10: {  	[smem:$0x3FA8] =	sst s8  }
0x11: {  	[smem:$0x3FA9] =	sst s9;
	s0 =	simm.s32 @!p0 $0x0  }
0x12: {  	s1 =	sld [smem:$0x3F8F];
	s0 =	simm.s32 @p0 $0x1  }
0x13: {  	[smem:$0x3FAA] =	sst s0;
	s0 =	simm.s32 @!p1 $0x0  }
0x14: {  	s2 =	sld [smem:$0x3F8E];
	s0 =	simm.s32 @p1 $0x1  }
0x15: {  	[smem:$0x3FAB] =	sst s0;
	s0 =	simm.s32 @!p2 $0x0  }
0x16: {  	s3 =	sld [smem:$0x3FDB];
	s0 =	simm.s32 @p2 $0x1  }
0x17: {  	s4 =	simm.s32 $0x1BF5;
	[smem:$0x3FAD] =	sst s0  }
0x18: {  	s0 =	sld [smem:$0x3F90];
	_ =	swait.ge [sflag:s4], $0x0  }
0x19: {  	s7 =	sld [smem:$0x3F91]  }
0x1a: {  	s8 =	sadd.s32 $0xFFFFE003, lr  }
0x1b: {  	s9 =	sadd.s32 $0xFFFFFEF7, lr;
	s5 =	simm.s32 $0xFFFFFFFF;
	p2 =	slt.u32 s8, $0xFFFFF086  }
0x1c: {  	p1 =	slt.u32 s9, $0xF7A;
	s5 =	simm.s32 @!p2 $0x0  }
0x1d: {  	s5 =	simm.s32 @p1 $0x1;
	p0 =	seq.s32 s7, s2  }
0x1e: {  	s7 =	smul.u32 @!p0 $0xF7A, s2;
	p2 =	seq.s32 @!p0 s5, $0x0  }
0x1f: {  	s9 =	smul.u32 $0xF7A, s1;
	s8 =	simm.s32 @!p0 $0x1BF5;
	p2 =	por !p2, p0  }
0x20: {  	[sflag:s8] =	ssyncset.s32 @!p0 $0xFFFFF086;
	s6 =	sadd.s32 @!p0 s3, s7;
	s7 =	simm.s32 @!p0 $0x108  }
0x21: {  	s3 =	sadd.s32 s3, s9;
	s6 =	sadd.s32 @!p0 $0x88, s6;
	s7 =	simm.s32 @p2 $0x1082  }
0x22: {  	[simem:s7], [sflag:s8] =	dma.local @!p0 [hbm:s6], $0xF7A  }
0x23: {  	s9 =	sor.u32 $0xD0000000, s2;
	s6 =	simm.s32 $0x108;
	_ =	swait.ge @!p0 [sflag:s8], $0x0  }
0x24: {  	s3 =	sadd.s32 $0x88, s3;
	s6 =	simm.s32 @!p1 $0x1082;
	[sflag:s4] =	ssyncset.s32 $0xFFFFF086  }
0x25: {  	[simem:s6], [sflag:s4] =	dma.local [hbm:s3], $0xF7A  }
0x26: {  	[smem:$0x3F91] =	sst s1;
	(tag) =	ssettag s2;
	_ =	strace s9  }
0x27: {  	s1 =	sld [smem:$0x3FA1]  }
0x28: {  	s2 =	sld [smem:$0x3FA2]  }
0x29: {  	s4 =	sld [smem:$0x3FA4]  }
0x2a: {  	p0 =	seq.s32 s5, $0x0;
	s5 =	sld [smem:$0x3FA5]  }
0x2b: {  	s6 =	sld [smem:$0x3FA6]  }
0x2c: {  	s7 =	sld [smem:$0x3FA7]  }
0x2d: {  	s3 =	simm.s32 $0x108;
	s8 =	sld [smem:$0x3FA8]  }
0x2e: {  	s3 =	simm.s32 @!p0 $0x1082;
	s9 =	sld [smem:$0x3FA9]  }
0x2f: {  	lr =	sadd.s32 s0, s3;
	s0 =	sld [smem:$0x3FA0]  }
0x30: {  	s3 =	sld [smem:$0x3FA3]  }
0x31: {  	[smem:$0x3FAC] =	sst s10  }
0x32: {  	s10 =	sld [smem:$0x3FAA];
	_ =	sdelay $0x3  }
0x33: {  	p0 =	seq.s32 s10, $0x1;
	s10 =	sld [smem:$0x3FAC];
	_ =	sdelay $0x3  }
0x34: {  	[smem:$0x3FAC] =	sst s10  }
0x35: {  	s10 =	sld [smem:$0x3FAB];
	_ =	sdelay $0x3  }
0x36: {  	p1 =	seq.s32 s10, $0x1;
	s10 =	sld [smem:$0x3FAC];
	_ =	sdelay $0x3  }
0x37: {  	[smem:$0x3FAC] =	sst s10  }
0x38: {  	s10 =	sld [smem:$0x3FAD]  }
0x39: {  	_ = 	snop;
	(pc) =	sbr.ind lr, $3  }
0x3a: {  	_ = 	snop  }
0x3b: {  	_ = 	snop  }
0x3c: {  	p2 =	seq.s32 s10, $0x1;
	s10 =	sld [smem:$0x3FAC]  }
0x3d: {  	_ =	shalt  }
0x3e: {  	_ =	shalt  }
0x3f: {  	_ =	shalt  }
0x40: {  	_ =	shalt  }
0x41: {  	_ =	shalt  }
0x42: {  	_ =	shalt  }
0x43: {  	_ =	shalt  }
0x44: {  	_ =	shalt  }
0x45: {  	_ =	shalt  }
0x46: {  	_ =	shalt  }
0x47: {  	_ =	shalt  }
0x48: {  	_ =	shalt  }
0x49: {  	_ =	shalt  }
0x4a: {  	_ =	shalt  }
0x4b: {  	_ =	shalt  }
0x4c: {  	_ =	shalt  }
0x4d: {  	_ =	shalt  }
0x4e: {  	_ =	shalt  }
0x4f: {  	_ =	shalt  }
0x50: {  	_ =	shalt  }
0x51: {  	_ =	shalt  }
0x52: {  	_ =	shalt  }
0x53: {  	_ =	shalt  }
0x54: {  	_ =	shalt  }
0x55: {  	_ =	shalt  }
0x56: {  	_ =	shalt  }
0x57: {  	_ =	shalt  }
0x58: {  	_ =	shalt  }
0x59: {  	_ =	shalt  }
0x5a: {  	_ =	shalt  }
0x5b: {  	_ =	shalt  }
0x5c: {  	_ =	shalt  }
0x5d: {  	_ =	shalt  }
0x5e: {  	_ =	shalt  }
0x5f: {  	_ =	shalt  }
0x60: {  	_ =	shalt  }
0x61: {  	_ =	shalt  }
0x62: {  	_ =	shalt  }
0x63: {  	_ =	shalt  }
0x64: {  	_ =	shalt  }
0x65: {  	_ =	shalt  }
0x66: {  	_ =	shalt  }
0x67: {  	_ =	shalt  }
0x68: {  	_ =	shalt  }
0x69: {  	_ =	shalt  }
0x6a: {  	_ =	shalt  }
0x6b: {  	_ =	shalt  }
0x6c: {  	_ =	shalt  }
0x6d: {  	_ =	shalt  }
0x6e: {  	_ =	shalt  }
0x6f: {  	_ =	shalt  }
0x70: {  	_ =	shalt  }
0x71: {  	_ =	shalt  }
0x72: {  	_ =	shalt  }
0x73: {  	_ =	shalt  }
0x74: {  	_ =	shalt  }
0x75: {  	_ =	shalt  }
0x76: {  	_ =	shalt  }
0x77: {  	_ =	shalt  }
0x78: {  	_ =	shalt  }
0x79: {  	_ =	shalt  }
0x7a: {  	_ =	shalt  }
0x7b: {  	_ =	shalt  }
0x7c: {  	_ =	shalt  }
0x7d: {  	_ =	shalt  }
0x7e: {  	_ =	shalt  }
0x7f: {  	_ =	shalt  }
0x80: {  	_ =	shalt  }
0x81: {  	_ =	shalt  }
0x82: {  	_ =	shalt  }
0x83: {  	_ =	shalt  }
0x84: {  	_ =	shalt  }
0x85: {  	_ =	shalt  }
0x86: {  	_ =	shalt  }
0x87: {  	_ =	shalt  }
.Lfunc_end0:
.L_simem_size_0:
called_computation.1_lowered:
.L_overlay_start_0:
0x88: {  	s0 =	sld [smem:$0x3FD9]  }
0x89: {  	s1 =	sld [smem:$0x3FFE];
	_ =	sdelay $0x3  }
0x8a: {  	s0 =	sadd.s32 s1, s0  }
0x8b: {  	[smem:$0x3FB8] =	sst s0  }
0x8c: {  	_ = 	snop  }
0x8d: {  	(tm) =	ssettm $0x1  }
0x8e: {  	s15 =	sld [smem:$0x3FFB];
	_ =	sdelay $0x3  }
0x8f: {  	_ =	strace s15  }
0x90: {  	s0 =	sld [smem:$0x3FFC];
	_ =	sdelay $0x3  }
0x91: {  	_ =	strace s0  }
0x92: {  	s0 =	sld [smem:$0x3FFD];
	_ =	sdelay $0x3  }
0x93: {  	_ =	strace s0  }
0x94: {  	_ =	strace $0x8FFFFFFF  }
0x95: {  	s16 =	sld [smem:$0x3FDB];
	_ =	sdelay $0x1  }
0x96: {  	s17 =	simm.s32 $_scs_section_size  }
0x97: {  	s2 =	simm.s32 $_size__tile_overlayer_lowered;
	s3 =	simm.s32 $_tile_overlayer_lowered  }
0x98: {  	s20 =	simm.s32 $0x1BFF;
	s19 =	sshll.u32 s3, $0x1;
	s0 =	sadd.s32 s17, s16  }
0x99: {  	s4 =	simm.s32 $0x0;
	s18 =	sshll.u32 s2, $0x1;
	s2 =	sadd.s32 s19, s0  }
0x9a: {  	[timem:s4], [sflag:s20] =	dma.local [hbm:s2], s18  }
0x9b: {  	_ =	swait.ge [sflag:s20], s18  }
0x9c: {  	s1 =	ssub.s32 $0x0, s18;
	[sflag:s20] =	ssyncset.done $0x0  }
0x9d: {  	[sflag:s20] =	ssyncadd.s32 s1;
	_ =	sdelay $0x1  }
0x9e: {  	s21 =	simm.s32 $0x1B8B  }
0x9f: {  	_ =	swait.ge [sflag:s21], $0x1  }
0xa0: {  	[sflag:s21] =	ssyncset.done $0x0  }
0xa1: {  	s23 =	simm.s32 $0x1B8E;
	s22 =	sld [smem:$0x3FFE];
	[sflag:s21] =	ssyncadd.s32 $0xFFFFFFFF  }
0xa2: {  	s24 =	simm.s32 $execute0_lowered;
	[smem:$0x3FD2] =	sst s23  }
0xa3: {  	s2 =	sshll.u32 s24, $0x1;
	_ =	strace $0x8000004C;
	[dreg:$0x1] =	wrdreg $0xFFFFFFFF  }
0xa4: {  	s25 =	simm.s32 $_size_execute0_lowered;
	s0 =	sadd.s32 s0, s2;
	[dreg:$0x0] =	wrdreg $0x0  }
0xa5: {  	s2 =	sshll.u32 s25, $0x1;
	[dreg:$0x2] =	wrdreg s0  }
0xa6: {  	[dreg:$0x3] =	wrdreg s2  }
0xa7: {  	[dreg:$0x4] =	wrdreg $0xC0  }
0xa8: {  	_ =	task [dreg:s4], $0x5FFFF  }
0xa9: {  	[dreg:$0x1] =	wrdreg $0xFFFFFFFF  }
0xaa: {  	[dreg:$0x0] =	wrdreg $0x60  }
0xab: {  	[dreg:$0x2] =	wrdreg s22  }
0xac: {  	[dreg:$0x3] =	wrdreg $0x9  }
0xad: {  	_ =	task.clear_ibuf [dreg:s4], $0x4FFFF;
	_ =	strace $0x9000004C  }
0xae: {  	s26 =	simm.s32 $0x9;
	_ =	strace $0x8000004E  }
0xaf: {  	_ =	swait.ge [sflag:s26], $0x1  }
0xb0: {  	[sflag:s26] =	ssyncadd.s32 $0xFFFFFFFF  }
0xb1: {  	_ =	strace $0x9000004E  }
0xb2: {  	_ =	sfence  }
0xb3: {  	s28 =	sld [smem:$0x0];
	_ =	sdelay $0x1  }
0xb4: {  	s29 =	srdreg.scid  }
0xb5: {  	s30 =	sshll.u32 s29, $0xD;
	s31 =	sshrl.u32 s29, $0x2  }
0xb6: {  	s1 =	sand.u32 $0x1, s29;
	s2 =	sand.u32 $0x4000, s30;
	s0 =	sadd.s32 s31, s28  }
0xb7: {  	s1 =	sor.u32 s2, s1;
	s0 =	sshll.u32 s0, $0x11  }
0xb8: {  	s0 =	sor.u32 s0, s1  }
0xb9: {  	s0 =	sadd.s32 $0x8F2B, s0  }
0xba: {  	[sflag:s0] =	ssyncadd.remote.s32 $0x1  }
0xbb: {  	_ =	sfence.sel $0xFFFF  }
0xbc: {  	[dreg:$0x0] =	wrdreg $0xFFFFFFFF;
	(pc) =	sbr.abs _section_cstart, $3  }
0xbd: {  	[dreg:$0x1] =	wrdreg $0xFFFFFFFF  }
0xbe: {  	_ =	task.clear_ibuf [dreg:s4], $0x2FFFF;
	_ =	strace $0x9FFFFFFF  }
0xbf: {  	(tm) =	ssettm $0x7FFFFFFF  }
tec
execute0_lowered:
.L_overlay_start_1:
0x0: {  	(tag) =	ssettag $0x1  }
0x1: {  	s0 =	stileid.u32  }
0x2: {  	s1 =	smin.u32 s0, $0x9  }
0x3: {  	s1 =	sadd.s32 s0, s1  }
0x4: {  	s2 =	simm.s32 $0x190;
	p0 =	slt.u32 s0, $0x9;
	s1 =	smul.u32 $0xC8, s1  }
0x5: {  	s2 =	simm.s32 @!p0 $0xC8  }
0x6: {  	s2 =	sadd.s32 s2, s1  }
0x7: {  	s3 =	smin.u32 s2, $0x1388  }
0x8: {  	s7 =	ssub.s32 s3, s1  }
0x9: {  	p0 =	sgt.s32 s7, $0x0  }
0xa: {  	s7 =	simm.s32 @!p0 $0x0  }
0xb: {  	s31 =	sand.u32 $0xFFF8, s7  }
0xc: {  	s2 =	sshrl.u32 s31, $0x3  }
0xd: {  	s2 =	smul.u32 $0x147B, s2  }
0xe: {  	s9 =	rddreg [dreg:$0x0];
	s6 =	simm.s32 $0x1;
	s11 =	simm.s32 $0x3  }
0xf: {  	s13 =	simm.s32 $0x0;
	s12 =	simm.s32 $0x0;
	s8 =	sshrl.u32 s2, $0x11  }
0x10: {  	s4 =	sadd.s32 $0x1A00, s9;
	s5 =	sadd.s32 $0xA00, s9;
	s10 =	smul.u32 $0xC8, s8  }
.Ltmp0:
0x11: {  	s9 =	sadd.s32 $0x28C00, s9;
	s2 =	rddreg [dreg:$0x1];
	(pc) =	sbr.rel .LBB2_1-.Ltmp0, $4  }
0x12: {  	_ =	strace $0x8000004D;
	p0 =	sne.s32 s7, s10;
	s10 =	simm.s32 $0x1  }
0x13: {  	[sflag:s6] =	ssyncpa.u1 $0x0;
	s7 =	simm.s32 $0x2;
	s10 =	simm.s32 @!p0 $0x0  }
0x14: {  	[sflag:s7] =	ssyncpa.u1 $0x0;
	p0 =	por $0x0, $0x0;
	s8 =	sadd.s32 s8, s10  }
0x15: {  	vm0 =	vmmov $0xff;
	vm1 =	vcmask $0x3F20;
	[sflag:s11] =	ssyncpa.u1 $0x0;
	s11 =	smov.u32 s1;
	s10 =	sadd.s32 $0x1, s8  }
.LBB2_6:
0x16: {  	[hbm:s17] =	stream.linear.scatter [tilespmem:s14], [sflag:$0x3], $0x400, $0x38;
	[tilespmem:$0xC990] =	vst v63  }
.LBB2_7:
0x17: {  	s13 =	sadd.s32 $0xC8, s11  }
0x18: {  	s15 =	smov.u32 s1;
	p2 =	slt.s32 s13, s3  }
0x19: {  	s15 =	smov.u32 @p2 s13;
	p2 =	sne.s32 s12, s10  }
.Ltmp1:
0x1a: {  	p1 =	slt.u32 s12, $0x2;
	(pc) =	sbr.rel @!p2 .LBB2_8-.Ltmp1, $4  }
0x1b: {  	s14 =	simm.s32 @!p1 $0x3  }
0x1c: {  	s16 =	sadd.s32 $0x1, s12;
	_ =	swait.ge @!p1 [sflag:s14], $0x6400  }
0x1d: {  	p0 =	por !p0, !p0;
	s13 =	smov.u32 s11;
	[sflag:s14] =	ssyncset.done @!p1 $0x0  }
0x1e: {  	s12 =	smov.u32 s16;
	s11 =	smov.u32 s15;
	[sflag:s14] =	ssyncadd.s32 @!p1 $0xFFFF9C00  }
.LBB2_1:
0x1f: {  	p1 =	sge.u32 s12, s8  }
0x20: {  	s14 =	sxor.u32 @!p1 $0xFFFFFFFF, s12  }
0x21: {  	s14 =	sand.u32 @!p1 $0x1, s14  }
0x22: {  	s14 =	smul.u32 @!p1 $0x320, s14  }
0x23: {  	s31 =	sadd.s32 $0xFFFFFFFF, s12;
	s15 =	sshrl.u32 @!p1 s11, $0x3  }
0x24: {  	s16 =	sand.u32 @!p1 $0x7, s11;
	s15 =	sadd.s32 @!p1 s5, s15;
	s14 =	sshrl.u32 @!p1 s14, $0x2  }
0x25: {  	[tilespmem:s14], [sflag:$0x2] =	stream.linear.gather @!p1 [hbm4b:s15+s16], $0xC8, $0x38;
	[tilespmem:$0xC990] =	vst v63  }
0x26: {  	p1 =	sge.u32 s31, s8  }
.Ltmp2:
0x27: {  	_ = 	snop;
	(pc) =	sbr.rel @p1 .LBB2_7-.Ltmp2, $1  }
0x28: {  	_ =	sdelay $0x3  }
0x29: {  	s14 =	simm.s32 $0x1  }
0x2a: {  	s14 =	simm.s32 @!p0 $0x0  }
0x2b: {  	s15 =	smul.u32 $0x320, s14  }
0x2c: {  	_ =	swait.ge [sflag:s7], $0xC8  }
0x2d: {  	[sflag:s7] =	ssyncset.done $0x0;
	s16 =	sshrl.u32 s15, $0x2  }
0x2e: {  	[sflag:s7] =	ssyncadd.s32 $0xFFFFFF38;
	s15 =	sadd.s32 $0x0, s16  }
0x2f: {  	v0 =	vld.msk [tilespmem:s15+$0x0 ss:$0x1], $0xffff;
	_ =	sdelay $0x4  }
0x30: {  	vm2 =	vgt.s32 v0, $0x0  }
0x31: {  	v0 =	vnsel vm2, $0x0, v0  }
0x32: {  	v0 =	vmin.u32 v0, $0x270F  }
0x33: {  	v0 =	vshll.u32 v0, $0x4  }
0x34: {  	s14 =	smul.u32 $0x19000, s14  }
0x35: {  	s31 =	sand.u32 $0x1, s12  }
0x36: {  	s17 =	smul.u32 $0x320, s31;
	s14 =	sshrl.u32 s14, $0x2  }
0x37: {  	s19 =	smul.u32 $0x19000, s31;
	s14 =	sor.u32 $0x190, s14  }
0x38: {  	[tilespmem:s14], [sflag:$0x1] =	stream.indirect_vreg.gather [hbm:s4], $0x80, v0, vm0, $0x38;
	[tilespmem:$0xC990] =	vst v63  }
0x39: {  	s18 =	sshrl.u32 s17, $0x2;
	s20 =	sadd.s32 $0x10, s16;
	s15 =	sadd.s32 $0x400, s14  }
0x3a: {  	[tilespmem:s15], [sflag:$0x1] =	stream.indirect_vreg.gather [hbm:s4], $0x80, v0, vm1, $0x38;
	[tilespmem:$0xC990] =	vst v63  }
0x3b: {  	s17 =	sshrl.u32 s19, $0x2;
	s19 =	smov.u32 s14;
	v0 =	vld.msk [tilespmem:s20+$0x0 ss:$0x1], $0xffff;
	s20 =	simm.s32 $0x80  }
.LBB2_3:
0x3c: {  	p1 =	sne.s32 s20, $0x2C0;
	_ =	sdelay $0x4  }
0x3d: {  	vm2 =	vgt.s32 v0, $0x0  }
0x3e: {  	v0 =	vnsel vm2, $0x0, v0  }
0x3f: {  	v0 =	vmin.u32 v0, $0x270F  }
0x40: {  	v0 =	vshll.u32 v0, $0x4;
	_ =	sdelay $0x3  }
.Ltmp3:
0x41: {  	s21 =	sshra.s32 s20, $0x2;
	s19 =	sadd.s32 $0x800, s19;
	(pc) =	sbr.rel @p1 .LBB2_3-.Ltmp3, $4  }
0x42: {  	[tilespmem:s19], [sflag:$0x1] =	stream.indirect_vreg.gather [hbm:s4], $0x80, v0, vm0, $0x38;
	[tilespmem:$0xC990] =	vst v63  }
0x43: {  	s21 =	sadd.s32 s21, s16;
	s22 =	sadd.s32 $0x400, s19  }
0x44: {  	[tilespmem:s22], [sflag:$0x1] =	stream.indirect_vreg.gather [hbm:s4], $0x80, v0, vm1, $0x38;
	[tilespmem:$0xC990] =	vst v63  }
0x45: {  	s20 =	sadd.s32 $0x40, s20;
	v0 =	vld.msk [tilespmem:s21+$0x0 ss:$0x1], $0xffff  }
0x46: {  	_ =	sdelay $0x3  }
0x47: {  	vm2 =	vgt.s32 v0, $0x0  }
0x48: {  	v0 =	vnsel vm2, $0x0, v0  }
0x49: {  	v0 =	vmin.u32 v0, $0x270F  }
0x4a: {  	v0 =	vshll.u32 v0, $0x4;
	_ =	sdelay $0x3  }
0x4b: {  	s16 =	sadd.s32 $0x800, s19  }
0x4c: {  	[tilespmem:s16], [sflag:$0x1] =	stream.indirect_vreg.gather [hbm:s4], $0x80, v0, vm0, $0x38;
	[tilespmem:$0xC990] =	vst v63  }
0x4d: {  	s16 =	sadd.s32 $0x400, s16  }
0x4e: {  	[tilespmem:s16], [sflag:$0x1] =	stream.indirect_vreg.gather [hbm:s4], $0x80, v0, vm1, $0x38;
	[tilespmem:$0xC990] =	vst v63  }
0x4f: {  	v0 =	vld.msk [tilespmem:s18+$0xC0 ss:$0x1], $0xff;
	_ =	sdelay $0x4  }
0x50: {  	vm2 =	vgt.s32 v0, $0x0  }
0x51: {  	v0 =	vnsel vm2, $0x0, v0  }
0x52: {  	v0 =	vmin.u32 v0, $0x270F  }
0x53: {  	v0 =	vshll.u32 v0, $0x4;
	_ =	sdelay $0x3  }
0x54: {  	s31 =	sadd.s32 $0x6190, s17  }
0x55: {  	[tilespmem:s31], [sflag:$0x1] =	stream.indirect_vreg.gather [hbm:s4], $0x80, v0, vm0, $0x38;
	[tilespmem:$0xC990] =	vst v63  }
0x56: {  	s13 =	sshll.u32 s13, $0x4;
	_ =	swait.ge [sflag:s6], $0x6400  }
0x57: {  	s13 =	sadd.s32 s13, s9;
	[sflag:s6] =	ssyncset.done $0x0  }
0x58: {  	s17 =	sadd.s32 $0x0, s13;
	s16 =	simm.s32 $0x80;
	[sflag:s6] =	ssyncadd.s32 $0xFFFF9C00  }
.LBB2_5:
0x59: {  	[hbm:s17] =	stream.linear.scatter [tilespmem:s14], [sflag:$0x3], $0x400, $0x38;
	[tilespmem:$0xC990] =	vst v63  }
0x5a: {  	s17 =	smov.u32 s16;
	s14 =	smov.u32 s15;
	p1 =	sne.s32 s16, $0xC00  }
.Ltmp4:
0x5b: {  	s16 =	sadd.s32 $0x80, s16;
	(pc) =	sbr.rel @p1 .LBB2_5-.Ltmp4, $2  }
0x5c: {  	_ =	sdelay $0x2  }
0x5d: {  	s15 =	sadd.s32 $0x400, s15;
	s17 =	sadd.s32 s17, s13  }
.Ltmp5:
0x5e: {  	_ = 	snop;
	(pc) =	sbr.rel .LBB2_6-.Ltmp5, $1  }
0x5f: {  	_ =	sdelay $0x3  }
.LBB2_8:
0x60: {  	_ =	sfence.sel $0x180000  }
0x61: {  	s1 =	simm.s32 $0x2;
	[bflag:$0x0] =	sbarrier.arrive $0xFFFF  }
0x62: {  	s30 =	simm.s32 $0x3;
	[sflag:s1] =	ssyncpa.u1 $0x1  }
0x63: {  	s31 =	simm.s32 $0x1;
	[sflag:s30] =	ssyncpa.u1 $0x1  }
0x64: {  	[sflag:s31] =	ssyncpa.u1 $0x1  }
0x65: {  	p0 =	sne.s32 s0, $0x0;
	_ =	strace $0x9000004D  }
0x66: {  	s0 =	sadd.s32 @!p0 $0x100000, s2;
	[bflag:$0x2] =	sbarrier.arrive $0xFFFF  }
0x67: {  	[sflag:s0] =	ssyncadd.tile.s32 @!p0 $0x1;
	_ =	shalt  }
.Lfunc_end2:
_tile_overlayer_lowered:
.L_overlay_start_2:
0x68: {  	(tag) =	ssettag $0x2  }
0x69: {  	s0 =	rddreg [dreg:$0x0];
	s2 =	stileid.u32  }
0x6a: {  	s1 =	rddreg [dreg:$0x1];
	p0 =	sne.s32 s2, $0x0  }
0x6b: {  	s3 =	rddreg [dreg:$0x2];
	[bflag:$0x3] =	sbarrier.arrive $0xFFFF;
	s2 =	simm.s32 @!p0 $0x1C01  }
0x6c: {  	[timem:s3], [sflag:s2] =	dma.local @!p0 [hbm:s0], s1  }
0x6d: {  	s0 =	simm.s32 @!p0 $0x1  }
0x6e: {  	_ =	swait.ge @!p0 [sflag:s0], s1  }
0x6f: {  	s1 =	ssub.s32 @!p0 $0x0, s1;
	[sflag:s0] =	ssyncset.done @!p0 $0x0  }
0x70: {  	[sflag:s0] =	ssyncadd.s32 @!p0 s1  }
0x71: {  	[bflag:$0x3] =	sbarrier.arrive $0xFFFF  }
0x72: {  	_ =	shalt  }

// kernel: scatter_offload_async_start
scs
__scs_entry_jumppad:
0x0: {  	(pc) =	sbr.rel $0x88, $3  }
0x1: {  	(tag) =	ssettag $0x0;
	lr =	simm.s32 $0x1  }
0x2: {  	[smem:$0x3F91] =	sst lr;
	_ =	strace $0xD0000000  }
0x3: {  	_ = 	snop  }
0x4: {  	_ = 	snop  }
0x5: {  	_ = 	snop  }
0x6: {  	_ = 	snop  }
0x7: {  	_ = 	snop  }
__scs_overlays_trampoline_lowered:
0x8: {  	[smem:$0x3FA0] =	sst s0  }
0x9: {  	[smem:$0x3FA1] =	sst s1  }
0xa: {  	[smem:$0x3FA2] =	sst s2  }
0xb: {  	[smem:$0x3FA3] =	sst s3  }
0xc: {  	[smem:$0x3FA4] =	sst s4  }
0xd: {  	[smem:$0x3FA5] =	sst s5  }
0xe: {  	[smem:$0x3FA6] =	sst s6  }
0xf: {  	[smem:$0x3FA7] =	sst s7  }
0x10: {  	[smem:$0x3FA8] =	sst s8  }
0x11: {  	[smem:$0x3FA9] =	sst s9;
	s0 =	simm.s32 @!p0 $0x0  }
0x12: {  	s1 =	sld [smem:$0x3F8F];
	s0 =	simm.s32 @p0 $0x1  }
0x13: {  	[smem:$0x3FAA] =	sst s0;
	s0 =	simm.s32 @!p1 $0x0  }
0x14: {  	s2 =	sld [smem:$0x3F8E];
	s0 =	simm.s32 @p1 $0x1  }
0x15: {  	[smem:$0x3FAB] =	sst s0;
	s0 =	simm.s32 @!p2 $0x0  }
0x16: {  	s3 =	sld [smem:$0x3FDB];
	s0 =	simm.s32 @p2 $0x1  }
0x17: {  	s4 =	simm.s32 $0x1BF5;
	[smem:$0x3FAD] =	sst s0  }
0x18: {  	s0 =	sld [smem:$0x3F90];
	_ =	swait.ge [sflag:s4], $0x0  }
0x19: {  	s7 =	sld [smem:$0x3F91]  }
0x1a: {  	s8 =	sadd.s32 $0xFFFFE003, lr  }
0x1b: {  	s9 =	sadd.s32 $0xFFFFFEF7, lr;
	s5 =	simm.s32 $0xFFFFFFFF;
	p2 =	slt.u32 s8, $0xFFFFF086  }
0x1c: {  	p1 =	slt.u32 s9, $0xF7A;
	s5 =	simm.s32 @!p2 $0x0  }
0x1d: {  	s5 =	simm.s32 @p1 $0x1;
	p0 =	seq.s32 s7, s2  }
0x1e: {  	s7 =	smul.u32 @!p0 $0xF7A, s2;
	p2 =	seq.s32 @!p0 s5, $0x0  }
0x1f: {  	s9 =	smul.u32 $0xF7A, s1;
	s8 =	simm.s32 @!p0 $0x1BF5;
	p2 =	por !p2, p0  }
0x20: {  	[sflag:s8] =	ssyncset.s32 @!p0 $0xFFFFF086;
	s6 =	sadd.s32 @!p0 s3, s7;
	s7 =	simm.s32 @!p0 $0x108  }
0x21: {  	s3 =	sadd.s32 s3, s9;
	s6 =	sadd.s32 @!p0 $0x88, s6;
	s7 =	simm.s32 @p2 $0x1082  }
0x22: {  	[simem:s7], [sflag:s8] =	dma.local @!p0 [hbm:s6], $0xF7A  }
0x23: {  	s9 =	sor.u32 $0xD0000000, s2;
	s6 =	simm.s32 $0x108;
	_ =	swait.ge @!p0 [sflag:s8], $0x0  }
0x24: {  	s3 =	sadd.s32 $0x88, s3;
	s6 =	simm.s32 @!p1 $0x1082;
	[sflag:s4] =	ssyncset.s32 $0xFFFFF086  }
0x25: {  	[simem:s6], [sflag:s4] =	dma.local [hbm:s3], $0xF7A  }
0x26: {  	[smem:$0x3F91] =	sst s1;
	(tag) =	ssettag s2;
	_ =	strace s9  }
0x27: {  	s1 =	sld [smem:$0x3FA1]  }
0x28: {  	s2 =	sld [smem:$0x3FA2]  }
0x29: {  	s4 =	sld [smem:$0x3FA4]  }
0x2a: {  	p0 =	seq.s32 s5, $0x0;
	s5 =	sld [smem:$0x3FA5]  }
0x2b: {  	s6 =	sld [smem:$0x3FA6]  }
0x2c: {  	s7 =	sld [smem:$0x3FA7]  }
0x2d: {  	s3 =	simm.s32 $0x108;
	s8 =	sld [smem:$0x3FA8]  }
0x2e: {  	s3 =	simm.s32 @!p0 $0x1082;
	s9 =	sld [smem:$0x3FA9]  }
0x2f: {  	lr =	sadd.s32 s0, s3;
	s0 =	sld [smem:$0x3FA0]  }
0x30: {  	s3 =	sld [smem:$0x3FA3]  }
0x31: {  	[smem:$0x3FAC] =	sst s10  }
0x32: {  	s10 =	sld [smem:$0x3FAA];
	_ =	sdelay $0x3  }
0x33: {  	p0 =	seq.s32 s10, $0x1;
	s10 =	sld [smem:$0x3FAC];
	_ =	sdelay $0x3  }
0x34: {  	[smem:$0x3FAC] =	sst s10  }
0x35: {  	s10 =	sld [smem:$0x3FAB];
	_ =	sdelay $0x3  }
0x36: {  	p1 =	seq.s32 s10, $0x1;
	s10 =	sld [smem:$0x3FAC];
	_ =	sdelay $0x3  }
0x37: {  	[smem:$0x3FAC] =	sst s10  }
0x38: {  	s10 =	sld [smem:$0x3FAD]  }
0x39: {  	_ = 	snop;
	(pc) =	sbr.ind lr, $3  }
0x3a: {  	_ = 	snop  }
0x3b: {  	_ = 	snop  }
0x3c: {  	p2 =	seq.s32 s10, $0x1;
	s10 =	sld [smem:$0x3FAC]  }
0x3d: {  	_ =	shalt  }
0x3e: {  	_ =	shalt  }
0x3f: {  	_ =	shalt  }
0x40: {  	_ =	shalt  }
0x41: {  	_ =	shalt  }
0x42: {  	_ =	shalt  }
0x43: {  	_ =	shalt  }
0x44: {  	_ =	shalt  }
0x45: {  	_ =	shalt  }
0x46: {  	_ =	shalt  }
0x47: {  	_ =	shalt  }
0x48: {  	_ =	shalt  }
0x49: {  	_ =	shalt  }
0x4a: {  	_ =	shalt  }
0x4b: {  	_ =	shalt  }
0x4c: {  	_ =	shalt  }
0x4d: {  	_ =	shalt  }
0x4e: {  	_ =	shalt  }
0x4f: {  	_ =	shalt  }
0x50: {  	_ =	shalt  }
0x51: {  	_ =	shalt  }
0x52: {  	_ =	shalt  }
0x53: {  	_ =	shalt  }
0x54: {  	_ =	shalt  }
0x55: {  	_ =	shalt  }
0x56: {  	_ =	shalt  }
0x57: {  	_ =	shalt  }
0x58: {  	_ =	shalt  }
0x59: {  	_ =	shalt  }
0x5a: {  	_ =	shalt  }
0x5b: {  	_ =	shalt  }
0x5c: {  	_ =	shalt  }
0x5d: {  	_ =	shalt  }
0x5e: {  	_ =	shalt  }
0x5f: {  	_ =	shalt  }
0x60: {  	_ =	shalt  }
0x61: {  	_ =	shalt  }
0x62: {  	_ =	shalt  }
0x63: {  	_ =	shalt  }
0x64: {  	_ =	shalt  }
0x65: {  	_ =	shalt  }
0x66: {  	_ =	shalt  }
0x67: {  	_ =	shalt  }
0x68: {  	_ =	shalt  }
0x69: {  	_ =	shalt  }
0x6a: {  	_ =	shalt  }
0x6b: {  	_ =	shalt  }
0x6c: {  	_ =	shalt  }
0x6d: {  	_ =	shalt  }
0x6e: {  	_ =	shalt  }
0x6f: {  	_ =	shalt  }
0x70: {  	_ =	shalt  }
0x71: {  	_ =	shalt  }
0x72: {  	_ =	shalt  }
0x73: {  	_ =	shalt  }
0x74: {  	_ =	shalt  }
0x75: {  	_ =	shalt  }
0x76: {  	_ =	shalt  }
0x77: {  	_ =	shalt  }
0x78: {  	_ =	shalt  }
0x79: {  	_ =	shalt  }
0x7a: {  	_ =	shalt  }
0x7b: {  	_ =	shalt  }
0x7c: {  	_ =	shalt  }
0x7d: {  	_ =	shalt  }
0x7e: {  	_ =	shalt  }
0x7f: {  	_ =	shalt  }
0x80: {  	_ =	shalt  }
0x81: {  	_ =	shalt  }
0x82: {  	_ =	shalt  }
0x83: {  	_ =	shalt  }
0x84: {  	_ =	shalt  }
0x85: {  	_ =	shalt  }
0x86: {  	_ =	shalt  }
0x87: {  	_ =	shalt  }
.Lfunc_end0:
.L_simem_size_0:
called_computation_lowered:
.L_overlay_start_0:
0x88: {  	s0 =	sld [smem:$0x3FD9]  }
0x89: {  	s1 =	sld [smem:$0x3FFE];
	_ =	sdelay $0x3  }
0x8a: {  	s0 =	sadd.s32 s1, s0  }
0x8b: {  	[smem:$0x3FB8] =	sst s0  }
0x8c: {  	_ = 	snop  }
0x8d: {  	(tm) =	ssettm $0x1  }
0x8e: {  	s15 =	sld [smem:$0x3FFB];
	_ =	sdelay $0x3  }
0x8f: {  	_ =	strace s15  }
0x90: {  	s0 =	sld [smem:$0x3FFC];
	_ =	sdelay $0x3  }
0x91: {  	_ =	strace s0  }
0x92: {  	s0 =	sld [smem:$0x3FFD];
	_ =	sdelay $0x3  }
0x93: {  	_ =	strace s0  }
0x94: {  	_ =	strace $0x8FFFFFFF  }
0x95: {  	s16 =	sld [smem:$0x3FDB];
	_ =	sdelay $0x1  }
0x96: {  	s17 =	simm.s32 $_scs_section_size  }
0x97: {  	s2 =	simm.s32 $_size__tile_overlayer_lowered;
	s3 =	simm.s32 $_tile_overlayer_lowered  }
0x98: {  	s20 =	simm.s32 $0x1BFF;
	s19 =	sshll.u32 s3, $0x1;
	s0 =	sadd.s32 s17, s16  }
0x99: {  	s4 =	simm.s32 $0x0;
	s18 =	sshll.u32 s2, $0x1;
	s2 =	sadd.s32 s19, s0  }
0x9a: {  	[timem:s4], [sflag:s20] =	dma.local [hbm:s2], s18  }
0x9b: {  	_ =	swait.ge [sflag:s20], s18  }
0x9c: {  	s1 =	ssub.s32 $0x0, s18;
	[sflag:s20] =	ssyncset.done $0x0  }
0x9d: {  	[sflag:s20] =	ssyncadd.s32 s1;
	_ =	sdelay $0x1  }
0x9e: {  	s21 =	simm.s32 $0x1B8B  }
0x9f: {  	_ =	swait.ge [sflag:s21], $0x1  }
0xa0: {  	[sflag:s21] =	ssyncset.done $0x0  }
0xa1: {  	s23 =	simm.s32 $0x1B8E;
	s22 =	sld [smem:$0x3FFE];
	[sflag:s21] =	ssyncadd.s32 $0xFFFFFFFF  }
0xa2: {  	s24 =	simm.s32 $execute0_lowered;
	[smem:$0x3FD2] =	sst s23  }
0xa3: {  	s2 =	sshll.u32 s24, $0x1;
	_ =	strace $0x80000046;
	[dreg:$0x1] =	wrdreg $0xFFFFFFFF  }
0xa4: {  	s25 =	simm.s32 $_size_execute0_lowered;
	s0 =	sadd.s32 s0, s2;
	[dreg:$0x0] =	wrdreg $0x0  }
0xa5: {  	s2 =	sshll.u32 s25, $0x1;
	[dreg:$0x2] =	wrdreg s0  }
0xa6: {  	[dreg:$0x3] =	wrdreg s2  }
0xa7: {  	[dreg:$0x4] =	wrdreg $0xC0  }
0xa8: {  	_ =	task [dreg:s4], $0x5FFFF  }
0xa9: {  	[dreg:$0x1] =	wrdreg $0xFFFFFFFF  }
0xaa: {  	[dreg:$0x0] =	wrdreg $0x60  }
0xab: {  	[dreg:$0x2] =	wrdreg s22  }
0xac: {  	[dreg:$0x3] =	wrdreg $0x9  }
0xad: {  	_ =	task.clear_ibuf [dreg:s4], $0x4FFFF;
	_ =	strace $0x90000046  }
0xae: {  	s26 =	simm.s32 $0x9;
	_ =	strace $0x80000048  }
0xaf: {  	_ =	swait.ge [sflag:s26], $0x1  }
0xb0: {  	[sflag:s26] =	ssyncadd.s32 $0xFFFFFFFF  }
0xb1: {  	_ =	strace $0x90000048  }
0xb2: {  	_ =	sfence  }
0xb3: {  	s28 =	sld [smem:$0x0];
	_ =	sdelay $0x1  }
0xb4: {  	s29 =	srdreg.scid  }
0xb5: {  	s30 =	sshll.u32 s29, $0xD;
	s31 =	sshrl.u32 s29, $0x2  }
0xb6: {  	s1 =	sand.u32 $0x1, s29;
	s2 =	sand.u32 $0x4000, s30;
	s0 =	sadd.s32 s31, s28  }
0xb7: {  	s1 =	sor.u32 s2, s1;
	s0 =	sshll.u32 s0, $0x11  }
0xb8: {  	s0 =	sor.u32 s0, s1  }
0xb9: {  	s0 =	sadd.s32 $0x8F2B, s0  }
0xba: {  	[sflag:s0] =	ssyncadd.remote.s32 $0x1  }
0xbb: {  	_ =	sfence.sel $0xFFFF  }
0xbc: {  	[dreg:$0x0] =	wrdreg $0xFFFFFFFF;
	(pc) =	sbr.abs _section_cstart, $3  }
0xbd: {  	[dreg:$0x1] =	wrdreg $0xFFFFFFFF  }
0xbe: {  	_ =	task.clear_ibuf [dreg:s4], $0x2FFFF;
	_ =	strace $0x9FFFFFFF  }
0xbf: {  	(tm) =	ssettm $0x7FFFFFFF  }
tec
execute0_lowered:
.L_overlay_start_1:
0x0: {  	(tag) =	ssettag $0x1  }
0x1: {  	s0 =	rddreg [dreg:$0x0];
	_ =	strace $0x80000047;
	s15 =	stileid.u32  }
0x2: {  	s2 =	simm.s32 $0x1;
	s1 =	smin.u32 s15, $0x8;
	s3 =	sshll.u32 s15, $0x1  }
0x3: {  	[sflag:s2] =	ssyncpa.u1 $0x0;
	s1 =	sadd.s32 s1, s3  }
0x4: {  	v1 =	vimm.s32 $0xFFFFFFFF;
	p0 =	slt.u32 s15, $0x8;
	s4 =	smul.u32 $0x1F40, s1;
	s1 =	simm.s32 $0x5DC0  }
0x5: {  	[tilespmem:$0x10] =	vst v1;
	s1 =	simm.s32 @!p0 $0x3E80  }
0x6: {  	v0 =	vimm.f32 $-Inf;
	[tilespmem:$0x20] =	vst v1;
	s1 =	sadd.s32 s1, s4  }
0x7: {  	[tilespmem:$0x30] =	vst v0;
	s5 =	smin.u32 s1, $0x4E200  }
0x8: {  	s7 =	simm.s32 $0x2;
	[tilespmem:$0x40] =	vst v0;
	s9 =	ssub.s32 s5, s4  }
0x9: {  	s8 =	simm.s32 $0x8;
	s30 =	simm.s32 $0x9;
	[tilespmem:$0x50] =	vst v0;
	p0 =	sgt.s32 s9, $0x0  }
0xa: {  	s16 =	simm.s32 $0x0;
	s17 =	simm.s32 $0xF0;
	[tilespmem:$0x60] =	vst v1;
	s9 =	simm.s32 @!p0 $0x0  }
0xb: {  	s18 =	simm.s32 $0xFFFFFFFF;
	s19 =	simm.s32 $0xFFFFC280;
	[tilespmem:$0x70] =	vst v1;
	s29 =	smulhi.u32 $0x10624DD3, s9  }
0xc: {  	s20 =	simm.s32 $0xFFFFFFFE;
	s21 =	simm.s32 $0xF;
	s25 =	simm.s32 $0x0;
	[tilespmem:$0x80] =	vst v1  }
0xd: {  	s24 =	simm.s32 $0x0;
	s6 =	sadd.s32 $0x1A00, s0;
	v1 =	vimm.s32 $0x0;
	[tilespmem:$0xB0] =	vst v0;
	s10 =	sshrl.u32 s29, $0x9  }
0xe: {  	s15 =	sshllo.u32 s15, $0x1;
	s13 =	sor.u32 $0x80, s3;
	[tilespmem:$0x90] =	vst v1;
	s11 =	smul.u32 $0x1F40, s10  }
0xf: {  	s14 =	sor.u32 $0x81, s3;
	[tilespmem:$0xA0] =	vst v1;
	[sflag:s7] =	ssyncpa.u1 $0x0;
	s7 =	simm.s32 $0x7  }
.Ltmp0:
0x10: {  	[sflag:s7] =	ssyncpa.u1 $0x0;
	p0 =	sne.s32 s9, s11;
	(pc) =	sbr.rel .LBB2_1-.Ltmp0, $4  }
0x11: {  	[sflag:s8] =	ssyncpa.u1 $0x0;
	s23 =	smov.u32 s4;
	s2 =	simm.s32 @!p0 $0x0  }
0x12: {  	s1 =	sadd.s32 $0x3D800, s0;
	s0 =	sadd.s32 $0xB800, s0;
	s10 =	sadd.s32 s2, s10  }
0x13: {  	vm0 =	vmmov $0xffff;
	v2 =	vlaneseq.u32;
	vm1 =	vmxor vm1, vm1;
	[sflag:s30] =	ssyncpa.u1 $0x0;
	[dreg:$0x2] =	wrdreg s0;
	s31 =	sadd.s32 $0x1, s10  }
0x14: {  	vm2 =	vmmov $0x1;
	v3 =	vimm.f32 $0.0e+00;
	vm3 =	vcmask $0x3F3C;
	p0 =	por $0x0, $0x0;
	s12 =	sadd.s32 $0x2, s10;
	[dreg:$0x3] =	wrdreg s31  }
.LBB2_9:
0x15: {  	p1 =	slt.u32 s24, $0x3  }
0x16: {  	s0 =	simm.s32 @!p1 $0x2  }
0x17: {  	_ =	swait.ge @!p1 [sflag:s0], $0x1F40  }
0x18: {  	[sflag:s0] =	ssyncset.done @!p1 $0x0  }
0x19: {  	[sflag:s0] =	ssyncadd.s32 @!p1 $0xFFFFE0C0;
	s0 =	simm.s32 @!p1 $0x9  }
0x1a: {  	_ =	swait.ge @!p1 [sflag:s0], $0x10  }
0x1b: {  	[sflag:s0] =	ssyncset.done @!p1 $0x0  }
0x1c: {  	[sflag:s0] =	ssyncadd.s32 @!p1 $0xFFFFFFF0;
	p1 =	sne.s32 s24, s12  }
.Ltmp1:
0x1d: {  	s2 =	sadd.s32 $0x1F40, s23;
	(pc) =	sbr.rel @!p1 .LBB2_10-.Ltmp1, $4  }
0x1e: {  	s9 =	smov.u32 s4;
	s31 =	sadd.s32 $0x1, s24;
	s17 =	sadd.s32 $0x1F40, s17  }
0x1f: {  	s18 =	sadd.s32 $0x1, s18;
	s25 =	smov.u32 s23;
	p2 =	slt.s32 s2, s5  }
0x20: {  	p0 =	por !p0, !p0;
	s19 =	sadd.s32 $0x1F40, s19;
	s9 =	smov.u32 @p2 s2  }
0x21: {  	s20 =	sadd.s32 $0x1, s20;
	s23 =	smov.u32 s9;
	s24 =	smov.u32 s31  }
.LBB2_1:
0x22: {  	p1 =	sge.u32 s24, s10  }
0x23: {  	s0 =	smulhi.u32 @!p1 $0xAAAAAAAB, s24;
	_ =	sdelay $0x1  }
0x24: {  	s0 =	sshrl.u32 @!p1 s0, $0x1  }
0x25: {  	s0 =	smul.u32 @!p1 $0x3, s0;
	_ =	sdelay $0x1  }
0x26: {  	s0 =	ssub.s32 @!p1 s24, s0  }
0x27: {  	s0 =	smul.u32 @!p1 $0x7D00, s0;
	_ =	sdelay $0x1  }
0x28: {  	s2 =	sshrl.u32 @!p1 s23, $0x3;
	s0 =	sshrl.u32 @!p1 s0, $0x2  }
0x29: {  	s9 =	sand.u32 @!p1 $0x7, s23;
	s2 =	sadd.s32 @!p1 s6, s2;
	s0 =	sadd.s32 @!p1 $0x100, s0  }
0x2a: {  	[tilespmem:s0], [sflag:$0x7] =	stream.linear.gather @!p1 [hbm4b:s2+s9], $0x1F40, $0x38;
	[tilespmem:$0x11A60] =	vst v63  }
0x2b: {  	s0 =	sadd.s32 $0xFFFFFFFF, s24  }
0x2c: {  	p1 =	sge.u32 s0, s10  }
.Ltmp2:
0x2d: {  	_ = 	snop;
	(pc) =	sbr.rel @p1 .LBB2_5-.Ltmp2, $1  }
0x2e: {  	_ =	sdelay $0x3  }
0x2f: {  	s2 =	smulhi.u32 $0xAAAAAAAB, s0;
	_ =	sdelay $0x1  }
0x30: {  	s2 =	sshrl.u32 s2, $0x1  }
0x31: {  	s2 =	smul.u32 $0x3, s2;
	_ =	sdelay $0x1  }
0x32: {  	s2 =	ssub.s32 s0, s2  }
0x33: {  	s2 =	smul.u32 $0x7D00, s2  }
0x34: {  	_ =	swait.ge [sflag:s7], $0x1F40  }
0x35: {  	[sflag:s7] =	ssyncset.done $0x0;
	s2 =	sshrl.u32 s2, $0x2  }
0x36: {  	[sflag:s7] =	ssyncadd.s32 $0xFFFFE0C0;
	(ifvalue) =	ssetifvalue $0xFFFFFFFF;
	v4 =	vld.msk [tilespmem:s2+$0x100 ss:$0x1], $0xffff;
	_ =	sdelay $0x2  }
0x37: {  	s29 =	smulhi.u32 $0xAAAAAAAB, s18;
	p1 =	sne.s32 s24, $0x1  }
0x38: {  	v5 =	vimm.s32 @!p1 $0x0  }
0x39: {  	s2 =	sshrl.u32 s29, $0x1;
	v5 =	vperm.xlane @!p1 v4, v5  }
0x3a: {  	s9 =	sshll.u32 s24, $0x4;
	s2 =	smul.u32 $0xFFFE8900, s2;
	vm4 =	vlt.u32 v4, $0x6400000  }
0x3b: {  	s9 =	sand.u32 $0x10, s9;
	v4 =	vnsel vm4, $0xFFFFFFFE, v4;
	vm4 =	vlt.u32 @!p1 v5, $0x6400000  }
0x3c: {  	s2 =	sshra.s32 s2, $0x2;
	[tilespmem:s9+$0x60] =	vst v4;
	v4 =	vnsel @!p1 vm4, $0xFFFFFFFE, v5  }
0x3d: {  	s30 =	sadd.s32 s2, s17;
	[tilespmem:$0x80] =	vst @!p1 v4  }
0x3e: {  	v4 =	vld.msk [tilespmem:s30+$0x0 ss:$0x1], $0xffff;
	_ =	sdelay $0x4  }
0x3f: {  	(xrf1) =	vunique.msk.u32 $0xffff, v4;
	_ =	sdelay $0xd  }
0x40: {  	v5 =	vimm.s32 $0xFFFFFFFF;
	v6, _, _ =	vpop (xrf1)  }
0x41: {  	vm5 =	vne.s32 v4, v5;
	vm4 =	veq.s32 v6, v2  }
0x42: {  	vm6 =	vlt.u32 v4, $0x6400000;
	vm4 =	vmand vm5, vm4  }
0x43: {  	vm4 =	vmand vm6, vm4  }
0x44: {  	v5 =	vnsel vm4, $0xFFFFFFFF, v4  }
0x45: {  	s31 =	sand.u32 $0x1, s0  }
0x46: {  	s26 =	simm.s32 $0x1F40;
	p1 =	seq.s32 s31, $0x1  }
0x47: {  	s26 =	simm.s32 @!p1 $0x0  }
0x48: {  	s28 =	sadd.s32 $0x7DF0, s26;
	(ifvalue) =	ssetifvalue $0xFFFFFFFF  }
0x49: {  	v4 =	vperm.xlane v4, v1;
	[tilespmem:s28], [sflag:$0x8] =	stream.indirect_vreg.gather [hbm4b:s1+s16], $0x1, v5, vm0, $0x4038;
	v5 =	vnsel vm6, $0xFFFFFFFE, v5;
	[tilespmem:$0x11A60] =	vst v63  }
0x4a: {  	s0 =	simm.s32 $0x0;
	s2 =	sadd.s32 $0xFFFFFFF0, s30;
	[tilespmem:s30+$0x0] =	vst v5  }
.LBB2_3:
0x4b: {  	v5 =	vld.msk [tilespmem:s2+$0x0 ss:$0x1], $0xffff;
	s0 =	sadd.s32 $0x10, s0;
	v6 =	vmov v4;
	s9 =	smov.u32 s2  }
0x4c: {  	p1 =	slt.u32 s0, $0x1F30;
	_ =	sdelay $0x4  }
0x4d: {  	v4 =	vperm.xlane v5, v1;
	(xrf1) =	vunique.msk.u32 $0xffff, v5;
	_ =	sdelay $0xd  }
0x4e: {  	v7, _, _ =	vpop (xrf1)  }
0x4f: {  	vm5 =	vne.s32 v5, v6;
	vm4 =	veq.s32 v7, v2  }
0x50: {  	vm6 =	vlt.u32 v5, $0x6400000;
	vm4 =	vmand vm5, vm4  }
0x51: {  	vm4 =	vmand vm6, vm4  }
0x52: {  	v5 =	vnsel vm4, $0xFFFFFFFF, v5  }
.Ltmp3:
0x53: {  	v6 =	vnsel vm6, $0xFFFFFFFE, v5;
	(pc) =	sbr.rel @p1 .LBB2_3-.Ltmp3, $3  }
0x54: {  	_ =	sdelay $0x1  }
0x55: {  	s2 =	sadd.s32 $0xFFFFFFF0, s2;
	s28 =	sadd.s32 $0xFFFFFFF0, s28;
	(ifvalue) =	ssetifvalue $0xFFFFFFFF  }
0x56: {  	[tilespmem:s28], [sflag:$0x8] =	stream.indirect_vreg.gather [hbm4b:s1+s16], $0x1, v5, vm0, $0x4038;
	[tilespmem:s9+$0x0] =	vst v6  }
0x57: {  	s0 =	sshrl.u32 s25, $0x3;
	s2 =	rddreg [dreg:$0x2]  }
0x58: {  	s31 =	sadd.s32 $0x9D40, s26;
	s0 =	sadd.s32 s2, s0  }
0x59: {  	[tilespmem:s31], [sflag:$0x8] =	stream.linear.gather [hbm:s0], $0x1F40, $0x38;
	[tilespmem:$0x11A60] =	vst v63  }
.LBB2_5:
0x5a: {  	p1 =	slt.u32 s24, $0x2  }
0x5b: {  	p2 =	sge.u32 @!p1 s24, s12  }
0x5c: {  	p1 =	por p1, p2  }
.Ltmp4:
0x5d: {  	_ = 	snop;
	(pc) =	sbr.rel @p1 .LBB2_9-.Ltmp4, $1  }
0x5e: {  	_ =	sdelay $0x3  }
0x5f: {  	s0 =	sadd.s32 $0xFFFFFFFE, s24  }
0x60: {  	s2 =	smulhi.u32 $0xAAAAAAAB, s0;
	_ =	sdelay $0x1  }
0x61: {  	s2 =	sshrl.u32 s2, $0x1  }
0x62: {  	s2 =	smul.u32 $0x3, s2;
	_ =	sdelay $0x1  }
0x63: {  	_ =	swait.ge [sflag:s8], $0x3E80;
	s0 =	ssub.s32 s0, s2  }
0x64: {  	s9 =	rddreg [dreg:$0x3];
	s0 =	smul.u32 $0x1F40, s0  }
0x65: {  	[sflag:s8] =	ssyncset.done $0x0;
	p1 =	sne.s32 s24, s9  }
0x66: {  	[sflag:s8] =	ssyncadd.s32 $0xFFFFC180;
	s2 =	sadd.s32 @!p1 $0x203F, s0  }
0x67: {  	[spmem:s14] =	stream.linear.scatter @!p1 [tilespmem:s2], [sflag:$0x1], $0x1, $0x38;
	[tilespmem:$0x11A60] =	vst v63  }
0x68: {  	s2 =	simm.s32 @!p1 $0x1  }
0x69: {  	_ =	swait.ge @!p1 [sflag:s2], $0x1  }
0x6a: {  	s9 =	sshll.u32 s24, $0x4;
	[sflag:s2] =	ssyncset.done @!p1 $0x0  }
0x6b: {  	s25 =	sand.u32 $0x10, s9;
	[sflag:s2] =	ssyncadd.s32 @!p1 $0xFFFFFFFF  }
0x6c: {  	s2 =	sxor.u32 $0x10, s25;
	v5 =	vld [tilespmem:s25+$0x10]  }
0x6d: {  	v6 =	vld [tilespmem:s2+$0x60]  }
0x6e: {  	v4 =	vld [tilespmem:$0x80];
	_ =	sdelay $0x2  }
0x6f: {  	(v2sf) =	vpush v5, $0x0  }
0x70: {  	(v2sf) =	vpush v6, $0x0  }
0x71: {  	(v2sf) =	vpush v4, $0x0;
	_ =	sdelay $0xc  }
0x72: {  	s11 =	spop (v2sf)  }
0x73: {  	s22 =	spop (v2sf)  }
0x74: {  	s28 =	spop (v2sf)  }
0x75: {  	p2 =	seq.s32 s11, s22;
	p3 =	seq.s32 s28, s11  }
0x76: {  	p3 =	por p2, p3  }
0x77: {  	s26 =	sand.u32 $0x1, s24;
	v5 =	vpsel p3, $0xFFFFFFFF, v5  }
0x78: {  	s29 =	smul.u32 $0x1F40, s26;
	[tilespmem:s25+$0x10] =	vst.msk $0x1, v5  }
0x79: {  	v5 =	vld [tilespmem:$0x30]  }
0x7a: {  	v6 =	vld [tilespmem:s29+$0x9D40]  }
0x7b: {  	v7 =	vld [tilespmem:s25+$0x40];
	_ =	sdelay $0x2  }
0x7c: {  	vm4 =	vmmov vm1  }
0x7d: {  	vm5 =	vmmov vm2;
	s9 =	sshll.u32 s26, $0x4;
	vm4 =	vmmov @p2 vm2;
	v6 =	vmax.f32 v5, v6  }
0x7e: {  	s26 =	sor.u32 $0x11A40, s9;
	vm5 =	vmmov @p3 vm1;
	v5 =	vmax.f32 v5, v7;
	[tilespmem:s29+$0x9D40] =	vst.msk vm4, v6  }
0x7f: {  	[tilespmem:s26+$0x0] =	vst.msk vm5, v5  }
0x80: {  	v5 =	vld [tilespmem:s29+$0x7DF0];
	_ =	sdelay $0x4  }
0x81: {  	v5 =	vshift.insert v5, v3, s21  }
0x82: {  	s11 =	sor.u32 $0x40, s2  }
0x83: {  	v6 =	vimm.f32 $-Inf;
	[tilespmem:s11+$0x0] =	vst.msk $0x1, v5  }
0x84: {  	[tilespmem:s29+$0x7DFF] =	vst.msk $0x1, v6  }
0x85: {  	v5 =	vld [tilespmem:s0+$0x2030]  }
0x86: {  	s22 =	smulhi.u32 $0xAAAAAAAB, s20;
	_ =	sdelay $0x1  }
0x87: {  	s9 =	simm.s32 $0x1;
	s0 =	sshrl.u32 s22, $0x1  }
0x88: {  	s9 =	simm.s32 @!p0 $0x0;
	s0 =	smul.u32 $0xFFFE8900, s0  }
0x89: {  	s9 =	smul.u32 $0x7D00, s9;
	v5 =	vshift.insert v5, v1, s21  }
0x8a: {  	s0 =	sshra.s32 s0, $0x2  }
0x8b: {  	s9 =	sshrl.u32 s9, $0x2;
	s22 =	sadd.s32 s0, s19;
	[tilespmem:s2+$0x10] =	vst.msk $0x1, v5  }
0x8c: {  	s2 =	sadd.s32 $0x9D40, s9;
	v7 =	vld [tilespmem:s22+$0x0]  }
0x8d: {  	v8 =	vld [tilespmem:s2+$0x0];
	_ =	sdelay $0x4  }
0x8e: {  	vm4 =	vne.s32 v7, $0xFFFFFFFF;
	v6 =	vmax.f32 v8, v6  }
0x8f: {  	(xrf0) =	vmax.seg.scan.f32 vm4, v6  }
0x90: {  	s11 =	sadd.s32 $0x5EC0, s9;
	v8 =	vld [tilespmem:$0xA0]  }
0x91: {  	v9 =	vld [tilespmem:s11+$0x0];
	_ =	sdelay $0x1  }
0x92: {  	v6 =	vperm.xlane v5, v1;
	_ =	sdelay $0x1  }
0x93: {  	vm6 =	veq.s32 v7, v4;
	vm7 =	veq.s32 v7, v6;
	vm5 =	veq.s32 v8, $0x1;
	v8, _, _ =	vpop (xrf0)  }
0x94: {  	vm8 =	vgt.u32 v7, $0xFFFFFFFD;
	vm7 =	vmor vm7, vm6;
	v9 =	vmax.f32 v8, v9  }
0x95: {  	s30 =	sadd.s32 $0xDBC0, s9;
	v10 =	vld [tilespmem:$0x90];
	vm7 =	vmor vm7, vm8;
	v9 =	vsel vm6, v8, v9  }
0x96: {  	[tilespmem:s30+$0x0] =	vst v9;
	v9 =	vsel vm7, $0xFFFFFFFF, v7;
	_ =	sdelay $0x1  }
0x97: {  	vm9 =	vmand vm4, vm3  }
0x98: {  	s31 =	simm.s32 $0x0;
	s9 =	sadd.s32 $0x10, s11;
	s0 =	sadd.s32 $0x10, s2;
	v11 =	vsel vm9, $0xFF800000, v8  }
0x99: {  	s2 =	sadd.s32 $0x10, s22;
	s22 =	sadd.s32 $0x10, s30;
	vm4 =	vmor vm5, vm6;
	v7 =	vsel vm6, v8, v10;
	v8 =	vshift.insert v11, v0, s21;
	(ifvalue) =	ssetifvalue $0xFFFFFFFF  }
.LBB2_7:
0x9a: {  	[hbm4b:s1+s16] =	stream.indirect_vreg.scatter [tilespmem:s30], [sflag:$0x2], $0x1, v9, vm0, $0x4038;
	[tilespmem:$0x11A60] =	vst v63  }
0x9b: {  	s31 =	sadd.s32 $0x10, s31;
	s30 =	smov.u32 s22;
	v9 =	vld [tilespmem:s2+$0x0]  }
0x9c: {  	p2 =	slt.u32 s31, $0x1F30;
	v10 =	vld [tilespmem:s0+$0x0];
	_ =	sdelay $0x4  }
0x9d: {  	vm5 =	vne.s32 v9, $0xFFFFFFFF;
	v8 =	vmax.f32 v10, v8  }
0x9e: {  	(xrf0) =	vmax.seg.scan.f32 vm5, v8;
	_ =	sdelay $0x1  }
0x9f: {  	v8 =	vld [tilespmem:s9+$0x0]  }
0xa0: {  	vm6 =	veq.s32 v9, v4;
	vm7 =	veq.s32 v9, v6  }
0xa1: {  	vm8 =	vgt.u32 v9, $0xFFFFFFFD;
	vm4 =	vmor vm4, vm6;
	vm7 =	vmor vm7, vm6  }
0xa2: {  	vm7 =	vmor vm7, vm8  }
.Ltmp5:
0xa3: {  	vm5 =	vmand vm5, vm3;
	v9 =	vsel vm7, $0xFFFFFFFF, v9;
	v10, _, _ =	vpop (xrf0);
	(pc) =	sbr.rel @p2 .LBB2_7-.Ltmp5, $4  }
0xa4: {  	v7 =	vsel vm6, v10, v7;
	v8 =	vmax.f32 v10, v8;
	v11 =	vsel vm5, $0xFF800000, v10  }
0xa5: {  	v10 =	vsel vm6, v10, v8;
	v8 =	vshift.insert v11, v0, s21  }
0xa6: {  	s2 =	sadd.s32 $0x10, s2;
	s0 =	sadd.s32 $0x10, s0;
	[tilespmem:s22+$0x0] =	vst v10  }
0xa7: {  	s9 =	sadd.s32 $0x10, s9;
	s22 =	sadd.s32 $0x10, s22;
	(ifvalue) =	ssetifvalue $0xFFFFFFFF  }
0xa8: {  	_ =	sdelay $0x3  }
0xa9: {  	[hbm4b:s1+s16] =	stream.indirect_vreg.scatter [tilespmem:s30], [sflag:$0x2], $0x1, v9, vm0, $0x4038;
	[tilespmem:$0x11A60] =	vst v63  }
0xaa: {  	v4 =	vld [tilespmem:s29+$0xFAF0];
	_ =	sdelay $0x4  }
0xab: {  	v4 =	vshift.insert v4, v3, s21  }
0xac: {  	s0 =	simm.s32 $0x30  }
0xad: {  	[tilespmem:s0+$0x0] =	vst.msk $0x1, v4  }
0xae: {  	v4 =	vsel vm4, $0x1, v1;
	[tilespmem:$0x90] =	vst v7  }
0xaf: {  	s0 =	sadd.s32 @!p1 $0xFAFF, s29;
	[tilespmem:$0xA0] =	vst v4  }
0xb0: {  	[spmem:s15] =	stream.linear.scatter @!p1 [tilespmem:s0], [sflag:$0x1], $0x1, $0x38;
	[tilespmem:$0x11A60] =	vst v63  }
0xb1: {  	s0 =	simm.s32 @!p1 $0x1  }
0xb2: {  	v4 =	vmctz.xlane @!p1 vm4;
	_ =	swait.ge @!p1 [sflag:s0], $0x1  }
0xb3: {  	(v2sf) =	vpush @!p1 v5, $0x0  }
0xb4: {  	(v2sf) =	vpush @!p1 v4, $0x0;
	_ =	sdelay $0xd  }
0xb5: {  	s2 =	spop @!p1 (v2sf)  }
0xb6: {  	s9 =	spop @!p1 (v2sf)  }
0xb7: {  	p2 =	sne.s32 @!p1 s28, s2;
	p3 =	slt.s32 @!p1 s9, $0xF  }
0xb8: {  	[sflag:s0] =	ssyncset.done @!p1 $0x0;
	p2 =	por p2, p1;
	p3 =	por !p3, p1  }
0xb9: {  	[sflag:s0] =	ssyncadd.s32 @!p1 $0xFFFFFFFF;
	v4 =	vimm.s32 @!p2 $0xFFFFFFFF;
	s9 =	simm.s32 @p3 $0xF  }
0xba: {  	[tilespmem:$0x80] =	vst @!p2 v4;
	s2 =	sadd.s32 @!p1 $0x90, s9  }
0xbb: {  	[spmem:s3] =	stream.linear.scatter @!p1 [tilespmem:s2], [sflag:$0x1], $0x1, $0x38;
	[tilespmem:$0x11A60] =	vst v63  }
0xbc: {  	_ =	swait.ge @!p1 [sflag:s0], $0x1  }
0xbd: {  	[sflag:s0] =	ssyncset.done @!p1 $0x0  }
0xbe: {  	s2 =	simm.s32 @!p1 $0x80;
	[sflag:s0] =	ssyncadd.s32 @!p1 $0xFFFFFFFF  }
0xbf: {  	[spmem:s13] =	stream.linear.scatter @!p1 [tilespmem:s2], [sflag:$0x1], $0x1, $0x38;
	[tilespmem:$0x11A60] =	vst v63  }
0xc0: {  	_ =	swait.ge @!p1 [sflag:s0], $0x1  }
0xc1: {  	[sflag:s0] =	ssyncset.done @!p1 $0x0  }
0xc2: {  	[sflag:s0] =	ssyncadd.s32 @!p1 $0xFFFFFFFF;
	(ifvalue) =	ssetifvalue $0xFFFFFFFF;
	v4 =	vld [tilespmem:s25+$0x10];
	_ =	sdelay $0x3  }
.Ltmp6:
0xc3: {  	_ = 	snop;
	(pc) =	sbr.rel .LBB2_9-.Ltmp6, $3  }
0xc4: {  	_ =	sdelay $0x1  }
0xc5: {  	(ifvalue) =	ssetifvalue $0xFFFFFFFF  }
0xc6: {  	[hbm4b:s1+s16] =	stream.indirect_vreg.scatter [tilespmem:s26], [sflag:$0x9], $0x1, v4, vm0, $0x4038;
	[tilespmem:$0x11A60] =	vst v63  }
.LBB2_10:
0xc7: {  	_ =	sfence.sel $0x180000  }
0xc8: {  	s0 =	simm.s32 $0x7;
	[bflag:$0x0] =	sbarrier.arrive $0xFFFF  }
0xc9: {  	s26 =	simm.s32 $0x8;
	[sflag:s0] =	ssyncpa.u1 $0x1  }
0xca: {  	s28 =	simm.s32 $0x9;
	[sflag:s26] =	ssyncpa.u1 $0x1  }
0xcb: {  	[sflag:s28] =	ssyncpa.u1 $0x1  }
0xcc: {  	_ =	sfence.stream.spmem  }
0xcd: {  	s29 =	simm.s32 $0x3;
	[bflag:$0x0] =	sbarrier.arrive $0xFFFF  }
0xce: {  	s30 =	simm.s32 $0x4;
	[sflag:s29] =	ssyncpa.u1 $0x1  }
0xcf: {  	s31 =	simm.s32 $0x3C;
	s2 =	stileid.u32;
	[sflag:s30] =	ssyncpa.u1 $0x1  }
0xd0: {  	p0 =	sne.s32 s2, $0x0;
	[sflag:s31] =	ssyncpa.u1 $0x1  }
0xd1: {  	s0 =	simm.s32 @p0 $0x1;
	_ =	sfence @p0  }
0xd2: {  	[sflag:s0] =	ssyncpa.u1 @p0 $0x1;
	s0 =	simm.s32 @p0 $0x2  }
0xd3: {  	[sflag:s0] =	ssyncpa.u1 @p0 $0x1  }
0xd4: {  	_ =	strace @p0 $0x90000047  }
0xd5: {  	[bflag:$0x2] =	sbarrier.arrive @p0 $0xFFFF  }
0xd6: {  	_ =	shalt @p0  }
.LBB2_11:
0xd7: {  	_ =	sfence.stream.spmem;
	s0 =	simm.s32 $0x5  }
0xd8: {  	s2 =	simm.s32 $0x80;
	s3 =	simm.s32 $0xC0;
	[sflag:s0] =	ssyncpa.u1 $0x0  }
0xd9: {  	[tilespmem:s3], [sflag:$0x5] =	stream.linear.gather [spmem:s2], $0x20, $0x38;
	[tilespmem:$0x11A60] =	vst v63  }
0xda: {  	s30 =	simm.s32 $0xE0;
	s2 =	simm.s32 $0x0  }
0xdb: {  	[tilespmem:s30], [sflag:$0x5] =	stream.linear.gather [spmem:s2], $0x20, $0x38;
	[tilespmem:$0x11A60] =	vst v63  }
.Ltmp7:
0xdc: {  	_ = 	snop;
	(pc) =	sbr.rel .LBB2_12-.Ltmp7, $4  }
0xdd: {  	_ =	swait.ge [sflag:s0], $0x40  }
0xde: {  	[sflag:s0] =	ssyncset.done $0x0  }
0xdf: {  	s31 =	simm.s32 $0x6;
	[sflag:s0] =	ssyncadd.s32 $0xFFFFFFC0  }
0xe0: {  	s3 =	simm.s32 $0x0;
	[sflag:s31] =	ssyncpa.u1 $0x0  }
.LBB2_17:
0xe1: {  	p0 =	sgt.u32 s4, $0x63FFFFF  }
0xe2: {  	s0 =	sshrl.u32 @!p0 s4, $0x3  }
0xe3: {  	s4 =	sand.u32 @!p0 $0x7, s4;
	s5 =	simm.s32 @!p0 $0xB0;
	s0 =	sadd.s32 @!p0 s1, s0  }
0xe4: {  	[tilespmem:s5], [sflag:$0x6] =	stream.linear.gather @!p0 [hbm4b:s0+s4], $0x1, $0x38;
	[tilespmem:$0x11A60] =	vst v63  }
0xe5: {  	s0 =	simm.s32 @!p0 $0x6  }
0xe6: {  	_ =	swait.ge @!p0 [sflag:s0], $0x1  }
0xe7: {  	[sflag:s0] =	ssyncset.done @!p0 $0x0  }
0xe8: {  	[sflag:s0] =	ssyncadd.s32 @!p0 $0xFFFFFFFF  }
0xe9: {  	v1 =	vld.msk @!p0 [tilespmem:$0xB0], $0x1  }
0xea: {  	v2 =	vld.msk @!p0 [tilespmem:s3+$0xE0], $0x1;
	_ =	sdelay $0x4  }
0xeb: {  	v1 =	vmax.f32 @!p0 v2, v1  }
0xec: {  	[tilespmem:s3+$0xE0] =	vst.msk @!p0 $0x1, v1  }
0xed: {  	[tilespmem:s2+$0xC0] =	vst.msk $0x1, v0  }
0xee: {  	v0 =	vld.msk [tilespmem:s3+$0xE0], $0x1;
	_ =	sdelay $0x4  }
0xef: {  	[tilespmem:s2+$0xE0] =	vst.msk $0x1, v0;
	s2 =	sadd.s32 $0x1, s2  }
.LBB2_19:
0xf0: {  	s3 =	sadd.s32 $0x1, s3  }
0xf1: {  	p0 =	sne.s32 s3, $0x20  }
.Ltmp8:
0xf2: {  	_ = 	snop;
	(pc) =	sbr.rel @!p0 .LBB2_20-.Ltmp8, $1  }
0xf3: {  	_ =	sdelay $0x3  }
.LBB2_12:
0xf4: {  	v0 =	vld.msk [tilespmem:s3+$0xC0], $0x1;
	_ =	sdelay $0x4  }
0xf5: {  	(v2sf) =	vpush v0, $0x0;
	_ =	sdelay $0xe  }
0xf6: {  	s4 =	spop (v2sf)  }
0xf7: {  	p0 =	seq.s32 s4, $0xFFFFFFFF  }
.Ltmp9:
0xf8: {  	_ = 	snop;
	(pc) =	sbr.rel @p0 .LBB2_19-.Ltmp9, $1  }
0xf9: {  	_ =	sdelay $0x3  }
0xfa: {  	p0 =	slt.s32 s2, $0x1  }
.Ltmp10:
0xfb: {  	_ = 	snop;
	(pc) =	sbr.rel @p0 .LBB2_17-.Ltmp10, $1  }
0xfc: {  	_ =	sdelay $0x3  }
0xfd: {  	s0 =	simm.s32 $0xC0;
	p0 =	por $0x0, $0x0  }
0xfe: {  	v1 =	vld.msk @!p0 [tilespmem:s0+$0x0], $0x1;
	_ =	sdelay $0x4  }
0xff: {  	(v2sf) =	vpush @!p0 v1, $0x0;
	_ =	sdelay $0xd  }
0x100: {  	p2 =	sne.s32 s2, $0x1  }
.Ltmp11:
0x101: {  	s5 =	spop @!p0 (v2sf);
	(pc) =	sbr.rel @!p2 .LBB2_16-.Ltmp11, $4  }
0x102: {  	p1 =	seq.s32 @!p0 s4, s5  }
0x103: {  	s5 =	simm.s32 $0x0;
	p1 =	por !p1, p0  }
0x104: {  	s7 =	simm.s32 $0xFFFFFFFF;
	s5 =	simm.s32 @p1 $0xFFFFFFFF  }
0x105: {  	s6 =	simm.s32 $0x1;
	s5 =	smov.u32 @p0 s7  }
.LBB2_15:
0x106: {  	s7 =	smov.u32 s5;
	p0 =	sne.s32 s5, $0xFFFFFFFF  }
0x107: {  	s0 =	sadd.s32 $0x1, s0;
	s5 =	smov.u32 s6;
	s6 =	sadd.s32 $0x1, s6  }
0x108: {  	p1 =	sne.s32 s2, s6;
	v1 =	vld.msk @!p0 [tilespmem:s0+$0x0], $0x1;
	_ =	sdelay $0x4  }
0x109: {  	(v2sf) =	vpush @!p0 v1, $0x0;
	_ =	sdelay $0xe  }
.Ltmp12:
0x10a: {  	s8 =	spop @!p0 (v2sf);
	(pc) =	sbr.rel @p1 .LBB2_15-.Ltmp12, $4  }
0x10b: {  	p2 =	seq.s32 @!p0 s4, s8  }
0x10c: {  	p2 =	por !p2, p0  }
0x10d: {  	s5 =	simm.s32 @p2 $0xFFFFFFFF  }
0x10e: {  	s5 =	smov.u32 @p0 s7  }
.LBB2_16:
0x10f: {  	p0 =	sne.s32 s5, $0xFFFFFFFF  }
.Ltmp13:
0x110: {  	_ = 	snop;
	(pc) =	sbr.rel @!p0 .LBB2_17-.Ltmp13, $1  }
0x111: {  	_ =	sdelay $0x3  }
0x112: {  	v0 =	vld.msk [tilespmem:s3+$0xE0], $0x1  }
0x113: {  	v1 =	vld.msk [tilespmem:s5+$0xE0], $0x1;
	_ =	sdelay $0x1  }
.Ltmp14:
0x114: {  	_ = 	snop;
	(pc) =	sbr.rel .LBB2_19-.Ltmp14, $3  }
0x115: {  	_ =	sdelay $0x1  }
0x116: {  	v0 =	vmax.f32 v1, v0  }
0x117: {  	[tilespmem:s5+$0xE0] =	vst.msk $0x1, v0  }
.LBB2_20:
0x118: {  	p0 =	slt.s32 s2, $0x1  }
.Ltmp15:
0x119: {  	_ = 	snop;
	(pc) =	sbr.rel @p0 .LBB2_24-.Ltmp15, $3  }
0x11a: {  	_ =	sdelay $0x1  }
0x11b: {  	s0 =	simm.s32 $0x6  }
0x11c: {  	s3 =	simm.s32 $0x0;
	[sflag:s0] =	ssyncpa.u1 $0x1  }
0x11d: {  	s0 =	simm.s32 $0xC0  }
0x11e: {  	v0 =	vld.msk [tilespmem:s0+$0x0], $0x1;
	_ =	sdelay $0x4  }
0x11f: {  	(v2sf) =	vpush v0, $0x0;
	_ =	sdelay $0xe  }
0x120: {  	s2 =	sadd.s32 $0xFFFFFFFF, s2;
	s4 =	spop (v2sf)  }
0x121: {  	p1 =	sne.s32 s2, $0x0;
	p0 =	sgt.u32 s4, $0x63FFFFF  }
.Ltmp16:
0x122: {  	s5 =	sshrl.u32 @!p0 s4, $0x3;
	(pc) =	sbr.rel @!p1 .LBB2_23-.Ltmp16, $4  }
0x123: {  	s0 =	simm.s32 $0xE0;
	s4 =	sand.u32 @!p0 $0x7, s4;
	s5 =	sadd.s32 @!p0 s1, s5  }
0x124: {  	[hbm4b:s5+s4] =	stream.linear.scatter @!p0 [tilespmem:s0], [sflag:$0x5], $0x1, $0x38;
	[tilespmem:$0x11A60] =	vst v63  }
0x125: {  	s5 =	simm.s32 $0x0  }
0x126: {  	s4 =	simm.s32 $0xC1;
	s5 =	simm.s32 @!p0 $0x4  }
.LBB2_22:
0x127: {  	v0 =	vld.msk [tilespmem:s4+$0x0], $0x1;
	s2 =	sadd.s32 $0xFFFFFFFF, s2;
	s3 =	sadd.s32 s3, s5  }
0x128: {  	p0 =	sne.s32 s2, $0x0;
	_ =	sdelay $0x3  }
0x129: {  	(v2sf) =	vpush v0, $0x0;
	_ =	sdelay $0xe  }
.Ltmp17:
0x12a: {  	s6 =	spop (v2sf);
	(pc) =	sbr.rel @p0 .LBB2_22-.Ltmp17, $4  }
0x12b: {  	s5 =	simm.s32 $0x0;
	p1 =	sgt.u32 s6, $0x63FFFFF  }
0x12c: {  	s0 =	sadd.s32 $0x1, s0;
	s5 =	simm.s32 @!p1 $0x4;
	s7 =	sshrl.u32 @!p1 s6, $0x3  }
0x12d: {  	s4 =	sadd.s32 $0x1, s4;
	s6 =	sand.u32 @!p1 $0x7, s6;
	s7 =	sadd.s32 @!p1 s1, s7  }
0x12e: {  	[hbm4b:s7+s6] =	stream.linear.scatter @!p1 [tilespmem:s0], [sflag:$0x5], $0x1, $0x38;
	[tilespmem:$0x11A60] =	vst v63  }
.LBB2_23:
0x12f: {  	s0 =	sadd.s32 s3, s5  }
0x130: {  	s3 =	sshrl.u32 s0, $0x2  }
.LBB2_24:
0x131: {  	s0 =	simm.s32 $0x5  }
0x132: {  	_ =	swait.ge [sflag:s0], s3  }
0x133: {  	s1 =	ssub.s32 $0x0, s3;
	[sflag:s0] =	ssyncset.done $0x0  }
0x134: {  	[sflag:s0] =	ssyncadd.s32 s1  }
0x135: {  	[sflag:s0] =	ssyncpa.u1 $0x1  }
0x136: {  	s29 =	simm.s32 $0x1;
	_ =	sfence  }
0x137: {  	s30 =	simm.s32 $0x2;
	[sflag:s29] =	ssyncpa.u1 $0x1  }
0x138: {  	[sflag:s30] =	ssyncpa.u1 $0x1  }
0x139: {  	_ =	strace $0x90000047  }
0x13a: {  	[bflag:$0x2] =	sbarrier.arrive $0xFFFF  }
0x13b: {  	s31 =	rddreg [dreg:$0x1]  }
0x13c: {  	s0 =	sadd.s32 $0x100000, s31  }
0x13d: {  	[sflag:s0] =	ssyncadd.tile.s32 $0x1;
	_ =	shalt  }
.Lfunc_end2:
_tile_overlayer_lowered:
.L_overlay_start_2:
0x13e: {  	(tag) =	ssettag $0x2  }
0x13f: {  	s0 =	rddreg [dreg:$0x0];
	s2 =	stileid.u32  }
0x140: {  	s1 =	rddreg [dreg:$0x1];
	p0 =	sne.s32 s2, $0x0  }
0x141: {  	s3 =	rddreg [dreg:$0x2];
	[bflag:$0x3] =	sbarrier.arrive $0xFFFF;
	s2 =	simm.s32 @!p0 $0x1C01  }
0x142: {  	[timem:s3], [sflag:s2] =	dma.local @!p0 [hbm:s0], s1  }
0x143: {  	s0 =	simm.s32 @!p0 $0x1  }
0x144: {  	_ =	swait.ge @!p0 [sflag:s0], s1  }
0x145: {  	s1 =	ssub.s32 @!p0 $0x0, s1;
	[sflag:s0] =	ssyncset.done @!p0 $0x0  }
0x146: {  	[sflag:s0] =	ssyncadd.s32 @!p0 s1  }
0x147: {  	[bflag:$0x3] =	sbarrier.arrive $0xFFFF  }
0x148: {  	_ =	shalt  }

</sc_bundles>
